<compile_context>
chip_gen: v7x
topology: tpu7x:2x2x1
jax: 0.10.2.dev20260603
libtpu: 0.0.44.dev20260713+nightly
codegen_flags: <defaults>
</compile_context>

<pallas_src>
import functools

import jax
import jax.numpy as jnp
from jax import lax
from jax.experimental import pallas as pl
from jax.experimental.pallas import tpu as pltpu
from jax.experimental.pallas import tpu_sc as plsc

NC = 2
NS = 16
NW = NC * NS
LANES = 16



def _make_deg_kernel(n, e):
    assert e % NW == 0
    e_per = e // NW
    assert e_per % LANES == 0 and n % LANES == 0
    mesh = plsc.VectorSubcoreMesh(core_axis_name="c", subcore_axis_name="s")

    @functools.partial(
        pl.kernel,
        mesh=mesh,
        compiler_params=pltpu.CompilerParams(needs_layout_passes=False),
        out_type=jax.ShapeDtypeStruct((NW * n,), jnp.float32),
        scratch_types=[
            pltpu.VMEM((e_per,), jnp.int32),
            pltpu.VMEM((e_per,), jnp.float32),
            pltpu.VMEM((n,), jnp.float32),
        ],
    )
    def deg_kernel(dst_hbm, ew_hbm, out_hbm, dst_v, ew_v, deg_v):
        c = lax.axis_index("c")
        s = lax.axis_index("s")
        wid = s * NC + c
        base = pl.multiple_of(wid * e_per, 8)
        pltpu.sync_copy(dst_hbm.at[pl.ds(base, e_per)], dst_v)
        pltpu.sync_copy(ew_hbm.at[pl.ds(base, e_per)], ew_v)

        zeros = jnp.zeros((LANES,), jnp.float32)

        def zero_body(i, carry):
            deg_v[pl.ds(i * LANES, LANES)] = zeros
            return carry

        lax.fori_loop(0, n // LANES, zero_body, 0)

        def edge_body(g, carry):
            idx = dst_v[pl.ds(g * LANES, LANES)]
            w = ew_v[pl.ds(g * LANES, LANES)]
            plsc.addupdate_scatter(deg_v, [idx], w)
            return carry

        lax.fori_loop(0, e_per // LANES, edge_body, 0)
        out0 = pl.multiple_of(wid * n, 8)
        pltpu.sync_copy(deg_v, out_hbm.at[pl.ds(out0, n)])

    return deg_kernel



_CHUNK = 125
_NBUF = 2


def _make_agg_kernel(n, e, d):
    assert e % NW == 0
    e_per = e // NW
    assert e_per % _CHUNK == 0
    n_chunks = e_per // _CHUNK
    assert n_chunks % (2 * _NBUF) == 0
    n_outer = n_chunks // _NBUF
    mesh = plsc.VectorSubcoreMesh(core_axis_name="c", subcore_axis_name="s")

    @functools.partial(
        pl.kernel,
        mesh=mesh,
        compiler_params=pltpu.CompilerParams(needs_layout_passes=False),
        out_type=jax.ShapeDtypeStruct((NC, n, d), jnp.float32),
        scratch_types=[
            [pltpu.VMEM((_CHUNK, d), jnp.float32)] * _NBUF,
            [pltpu.VMEM((3, _CHUNK), jnp.int32)] * (2 * _NBUF),
            [pltpu.SemaphoreType.DMA] * _NBUF,
            [pltpu.SemaphoreType.DMA] * _NBUF,
            [pltpu.SemaphoreType.DMA] * (2 * _NBUF),
            pltpu.VMEM_SHARED((n, d), jnp.float32),
        ],
    )
    def agg_kernel(hp_hbm, ed_hbm, zeros_hbm, dummy_hbm, out_hbm,
                   bufs, ibufs, gsems, ssems, isems, acc_sh):
        c = lax.axis_index("c")
        s = lax.axis_index("s")
        wid = s * NC + c

        for b in range(_NBUF):
            pltpu.async_copy(ed_hbm.at[wid, b], ibufs[b], isems[b])

        r_lo = (n // (8 * NS)) * 8
        r_hi = n - (NS - 1) * r_lo
        row0 = pl.multiple_of(s * r_lo, 8)

        @pl.when(s < NS - 1)
        def _():
            sl0 = pl.ds(row0, r_lo)
            pltpu.sync_copy(zeros_hbm.at[sl0], acc_sh.at[sl0])

        @pl.when(s == NS - 1)
        def _():
            sl0 = pl.ds(row0, r_hi)
            pltpu.sync_copy(zeros_hbm.at[sl0], acc_sh.at[sl0])

        plsc.subcore_barrier()

        def drain_rows(sem):
            pltpu.make_async_copy(dummy_hbm, bufs[0], sem).wait()

        def drain_idx(sem):
            pltpu.make_async_copy(ed_hbm.at[0, 0], ibufs[0], sem).wait()

        def scale(ib, buf):
            two = jnp.full((LANES,), 2, jnp.int32)

            @plsc.parallel_loop(0, _CHUNK, unroll=1)
            def _(i):
                wi = plsc.load_gather(ib, [two, jnp.full((LANES,), i, jnp.int32)])
                w = plsc.bitcast(wi, jnp.float32)
                for j in range(d // LANES):
                    sl = pl.ds(j * LANES, LANES)
                    buf[i, sl] = buf[i, sl] * w

        def half(o, par):
            for b in range(_NBUF):
                g = o * _NBUF + b
                sl = b + _NBUF * par
                nsl = b + _NBUF * (1 - par)

                @pl.when(o > 0)
                def _():
                    drain_rows(ssems[b])
                drain_idx(isems[sl])
                pltpu.async_copy(hp_hbm.at[ibufs[sl].at[0]], bufs[b], gsems[b])

                @pl.when(o < n_outer - 1)
                def _():
                    pltpu.async_copy(ed_hbm.at[wid, g + _NBUF], ibufs[nsl],
                                     isems[nsl])
            for b in range(_NBUF):
                sl = b + _NBUF * par
                drain_rows(gsems[b])
                scale(ibufs[sl], bufs[b])
                pltpu.async_copy(bufs[b], acc_sh.at[ibufs[sl].at[1]], ssems[b],
                                 add=True)

        @pl.loop(0, n_outer // 2)
        def _(q):
            half(2 * q, 0)
            half(2 * q + 1, 1)

        for b in range(_NBUF):
            drain_rows(ssems[b])
        plsc.subcore_barrier()

        @pl.when(s < NS - 1)
        def _():
            sl0 = pl.ds(row0, r_lo)
            pltpu.sync_copy(acc_sh.at[sl0], out_hbm.at[c].at[sl0])

        @pl.when(s == NS - 1)
        def _():
            sl0 = pl.ds(row0, r_hi)
            pltpu.sync_copy(acc_sh.at[sl0], out_hbm.at[c].at[sl0])

    return agg_kernel



_ROWS = 1000


def _tc_a_body(parts_ref, x_ref, w_ref, dis_ref, hp_ref):
    deg = jnp.sum(parts_ref[...], axis=1, keepdims=True) + 1.0
    dis = lax.rsqrt(deg)
    dis_ref[...] = dis
    h = jnp.dot(x_ref[...], w_ref[...], preferred_element_type=jnp.float32)
    hp_ref[...] = dis * h


def _tc_b_body(p_ref, hp_ref, dis_ref, b_ref, w_ref, hp2_ref):
    dis = dis_ref[...]
    agg = p_ref[0] + p_ref[1] + hp_ref[...]
    z = jnp.maximum(dis * agg + b_ref[...], 0.0)
    h2 = jnp.dot(z, w_ref[...], preferred_element_type=jnp.float32)
    hp2_ref[...] = dis * h2


def _tc_c_body(q_ref, hp2_ref, dis_ref, b_ref, out_ref):
    dis = dis_ref[...]
    out_ref[...] = dis * (q_ref[0] + q_ref[1] + hp2_ref[...]) + b_ref[...]


def _tc_a(parts, x, w1, n, d):
    grid = (n // _ROWS,)
    return pl.pallas_call(
        _tc_a_body,
        grid=grid,
        in_specs=[
            pl.BlockSpec((_ROWS, NW), lambda i: (i, 0)),
            pl.BlockSpec((_ROWS, d), lambda i: (i, 0)),
            pl.BlockSpec((d, d), lambda i: (0, 0)),
        ],
        out_specs=[
            pl.BlockSpec((_ROWS, 1), lambda i: (i, 0)),
            pl.BlockSpec((_ROWS, d), lambda i: (i, 0)),
        ],
        out_shape=[
            jax.ShapeDtypeStruct((n, 1), jnp.float32),
            jax.ShapeDtypeStruct((n, d), jnp.float32),
        ],
    )(parts, x, w1)


def _tc_b(p, hp, dis, b1, w2, n, d):
    grid = (n // _ROWS,)
    return pl.pallas_call(
        _tc_b_body,
        grid=grid,
        in_specs=[
            pl.BlockSpec((NC, _ROWS, d), lambda i: (0, i, 0)),
            pl.BlockSpec((_ROWS, d), lambda i: (i, 0)),
            pl.BlockSpec((_ROWS, 1), lambda i: (i, 0)),
            pl.BlockSpec((1, d), lambda i: (0, 0)),
            pl.BlockSpec((d, d), lambda i: (0, 0)),
        ],
        out_specs=pl.BlockSpec((_ROWS, d), lambda i: (i, 0)),
        out_shape=jax.ShapeDtypeStruct((n, d), jnp.float32),
    )(p, hp, dis, b1, w2)


def _tc_c(q, hp2, dis, b2, n, d):
    grid = (n // _ROWS,)
    return pl.pallas_call(
        _tc_c_body,
        grid=grid,
        in_specs=[
            pl.BlockSpec((NC, _ROWS, d), lambda i: (0, i, 0)),
            pl.BlockSpec((_ROWS, d), lambda i: (i, 0)),
            pl.BlockSpec((_ROWS, 1), lambda i: (i, 0)),
            pl.BlockSpec((1, d), lambda i: (0, 0)),
        ],
        out_specs=pl.BlockSpec((_ROWS, d), lambda i: (i, 0)),
        out_shape=jax.ShapeDtypeStruct((n, d), jnp.float32),
    )(q, hp2, dis, b2)




def kernel(x, edge_index, edge_weight, W1, b1, W2, b2):
    n, d = x.shape
    e = edge_weight.shape[0]
    src = edge_index[0]
    dst = edge_index[1]
    ew = edge_weight
    b1r = b1.reshape(1, d)
    b2r = b2.reshape(1, d)

    deg_kernel = _make_deg_kernel(n, e)
    agg_kernel = _make_agg_kernel(n, e, d)
    zeros = jnp.zeros((n, d), jnp.float32)
    e_per = e // NW
    n_chunks = e_per // _CHUNK
    ewi = jax.lax.bitcast_convert_type(ew, jnp.int32)
    ed4 = jnp.stack(
        [a.reshape(NW, n_chunks, _CHUNK) for a in (src, dst, ewi)], axis=2)
    dummy = jnp.zeros((_CHUNK, d), jnp.float32)

    parts_t = deg_kernel(dst, ew).reshape(NW, n).T
    dis, hp1 = _tc_a(parts_t, x, W1, n, d)
    p1 = agg_kernel(hp1, ed4, zeros, dummy)
    hp2 = _tc_b(p1, hp1, dis, b1r, W2, n, d)
    p2 = agg_kernel(hp2, ed4, zeros, dummy)
    out = _tc_c(p2, hp2, dis, b2r, n, d)
    return out

# --- scband reference (transcript-rebuilt; emitter-appended) ---
"""Pipeline reference for scband-view-encoder-11141145166143 (READ-ONLY COPY).

The authoritative reference and input builder live on the scoring server;
editing this copy changes nothing except your own understanding.
"""

import jax, jax.numpy as jnp
import numpy as np

N = 10000
E = 320000
D_IN = 128
D_H = 128


def gcn_conv(x, edge_index, edge_weight, W, b):
    # Faithful PyG GCNConv: add self-loops, symmetric gcn_norm, propagate, bias.
    n = x.shape[0]
    src = edge_index[0]
    dst = edge_index[1]
    loop = jnp.arange(n, dtype=src.dtype)
    src = jnp.concatenate([src, loop])
    dst = jnp.concatenate([dst, loop])
    ew = jnp.concatenate([edge_weight, jnp.ones((n,), dtype=edge_weight.dtype)])
    deg = jnp.zeros((n,), dtype=ew.dtype).at[dst].add(ew)
    deg_inv_sqrt = jnp.where(deg > 0, jax.lax.rsqrt(jnp.maximum(deg, 1e-12)), 0.0)
    norm = deg_inv_sqrt[src] * ew * deg_inv_sqrt[dst]
    h = x @ W
    msg = h[src] * norm[:, None]
    out = jnp.zeros((n, W.shape[1]), dtype=h.dtype).at[dst].add(msg)
    return out + b


def setup_inputs(seed: int = 0):
    key = jax.random.key(seed)
    k1, k2, k3, k4, k5 = jax.random.split(key, 5)
    x = jax.random.normal(k1, (N, D_IN), dtype=jnp.float32)
    edge_index = jax.random.randint(k2, (2, E), 0, N, dtype=jnp.int32)
    edge_weight = jax.random.uniform(k3, (E,), dtype=jnp.float32)
    W1 = jax.random.normal(k4, (D_IN, D_H), dtype=jnp.float32) * (1.0 / np.sqrt(D_IN))
    b1 = jnp.zeros((D_H,), dtype=jnp.float32)
    W2 = jax.random.normal(k5, (D_H, D_H), dtype=jnp.float32) * (1.0 / np.sqrt(D_H))
    b2 = jnp.zeros((D_H,), dtype=jnp.float32)
    return {"x": x, "edge_index": edge_index, "edge_weight": edge_weight, "W1": W1, "b1": b1, "W2": W2, "b2": b2}


def reference(x, edge_index, edge_weight, W1, b1, W2, b2):
    h = gcn_conv(x, edge_index, edge_weight, W1, b1)
    h = jax.nn.relu(h)
    h = gcn_conv(h, edge_index, edge_weight, W2, b2)
    return h

if __name__ == "__main__":
    import jax
    _d = setup_inputs()
    print(jax.jit(kernel)(*tuple(_d.values())))

</pallas_src>

<mosaic_0001>
#map = affine_map<(d0, d1) -> (0)>
module attributes {stable_mosaic.version = 14 : i64} {
  func.func @deg_kernel(%arg0: i32, %arg1: i32, %arg2: memref<320000xi32, #tpu.memory_space<hbm>>, %arg3: memref<320000xf32, #tpu.memory_space<hbm>>, %arg4: memref<320000xf32, #tpu.memory_space<hbm>>, %arg5: memref<10000xi32, #tpu.memory_space<vmem>>, %arg6: memref<10000xf32, #tpu.memory_space<vmem>>, %arg7: memref<10000xf32, #tpu.memory_space<vmem>>) attributes {dimension_semantics = [#tpu.dimension_semantics<core_parallel>, #tpu.dimension_semantics<subcore_parallel>], iteration_bounds = array<i64: 2, 16>, scalar_prefetch = 0 : i64, scratch_operands = 3 : i64, tpu.core_type = #tpu.core_type<sc_vector_subcore>, window_params = [{transform_indices = #map}, {transform_indices = #map}, {transform_indices = #map}]} {
    %mul3A = arith.constant 2 : i32
    %mul3A_0 = arith.muli %arg1, %mul3A : i32
    %add3A = arith.addi %mul3A_0, %arg0 : i32
    %mul3A_1 = arith.constant 10000 : i32
    %mul3A_2 = arith.muli %add3A, %mul3A_1 : i32
    %multiple_of3A = tpu.assume_multiple %mul3A_2, 8 : i32
    "tpu.region"() ({
      %run_scoped3A = tpu.sem_alloc : memref<!tpu.dma_semaphore, #tpu.memory_space<semaphore_mem>>
      %dma_start3A = tpu.memref_slice %arg2[%multiple_of3A] : memref<320000xi32, #tpu.memory_space<hbm>> -> memref<10000xi32, #tpu.memory_space<hbm>>
      %dma_start3A_18 = tpu.memref_slice %arg2[%multiple_of3A] : memref<320000xi32, #tpu.memory_space<hbm>> -> memref<10000xi32, #tpu.memory_space<hbm>>
      tpu.enqueue_dma source(%dma_start3A_18 : memref<10000xi32, #tpu.memory_space<hbm>>) target(%arg5 : memref<10000xi32, #tpu.memory_space<vmem>>) target_semaphore(%run_scoped3A : memref<!tpu.dma_semaphore, #tpu.memory_space<semaphore_mem>>)
      %dma_wait3A = tpu.memref_slice %arg2[%multiple_of3A] : memref<320000xi32, #tpu.memory_space<hbm>> -> memref<10000xi32, #tpu.memory_space<hbm>>
      %dma_wait3A_19 = tpu.memref_slice %arg2[%multiple_of3A] : memref<320000xi32, #tpu.memory_space<hbm>> -> memref<10000xi32, #tpu.memory_space<hbm>>
      tpu.wait_dma2 semaphore(%run_scoped3A : memref<!tpu.dma_semaphore, #tpu.memory_space<semaphore_mem>>) src(%dma_wait3A_19 : memref<10000xi32, #tpu.memory_space<hbm>>) dst(%arg5 : memref<10000xi32, #tpu.memory_space<vmem>>)
      tpu.yield
    }) : () -> ()
    "tpu.region"() ({
      %run_scoped3A = tpu.sem_alloc : memref<!tpu.dma_semaphore, #tpu.memory_space<semaphore_mem>>
      %dma_start3A = tpu.memref_slice %arg3[%multiple_of3A] : memref<320000xf32, #tpu.memory_space<hbm>> -> memref<10000xf32, #tpu.memory_space<hbm>>
      %dma_start3A_18 = tpu.memref_slice %arg3[%multiple_of3A] : memref<320000xf32, #tpu.memory_space<hbm>> -> memref<10000xf32, #tpu.memory_space<hbm>>
      tpu.enqueue_dma source(%dma_start3A_18 : memref<10000xf32, #tpu.memory_space<hbm>>) target(%arg6 : memref<10000xf32, #tpu.memory_space<vmem>>) target_semaphore(%run_scoped3A : memref<!tpu.dma_semaphore, #tpu.memory_space<semaphore_mem>>)
      %dma_wait3A = tpu.memref_slice %arg3[%multiple_of3A] : memref<320000xf32, #tpu.memory_space<hbm>> -> memref<10000xf32, #tpu.memory_space<hbm>>
      %dma_wait3A_19 = tpu.memref_slice %arg3[%multiple_of3A] : memref<320000xf32, #tpu.memory_space<hbm>> -> memref<10000xf32, #tpu.memory_space<hbm>>
      tpu.wait_dma2 semaphore(%run_scoped3A : memref<!tpu.dma_semaphore, #tpu.memory_space<semaphore_mem>>) src(%dma_wait3A_19 : memref<10000xf32, #tpu.memory_space<hbm>>) dst(%arg6 : memref<10000xf32, #tpu.memory_space<vmem>>)
      tpu.yield
    }) : () -> ()
    %broadcast_in_dim3A = arith.constant 0.000000e+00 : f32
    %broadcast_in_dim3A_3 = vector.broadcast %broadcast_in_dim3A : f32 to vector<16xf32>
    %scan3A = arith.constant 0 : i32
    %scan3A_4 = arith.constant 0 : i32
    %scan3A_5 = arith.constant 625 : i32
    %scan3A_6 = arith.addi %scan3A_4, %scan3A_5 : i32
    %scan3A_7 = arith.constant 1 : i32
    scf.for %scan3A_18 = %scan3A_4 to %scan3A_6 step %scan3A_7  : i32 {
      %mul3A_19 = arith.constant 16 : i32
      %mul3A_20 = arith.muli %scan3A_18, %mul3A_19 : i32
      %swap3A = arith.index_cast %mul3A_20 : i32 to index
      %swap3A_21 = tpu.vector_load %arg7[%swap3A] {strides = array<i32>} : memref<10000xf32, #tpu.memory_space<vmem>>, vector<16xf32>,
      tpu.vector_store %arg7[%swap3A], %broadcast_in_dim3A_3 {strides = array<i32>} : memref<10000xf32, #tpu.memory_space<vmem>>, vector<16xf32>,
    }
    %scan3A_8 = arith.constant 625 : i32
    %scan3A_9 = arith.constant 0 : i32
    %scan3A_10 = arith.constant 0 : i32
    %scan3A_11 = arith.constant 625 : i32
    %scan3A_12 = arith.addi %scan3A_10, %scan3A_11 : i32
    %scan3A_13 = arith.constant 1 : i32
    scf.for %scan3A_18 = %scan3A_10 to %scan3A_12 step %scan3A_13  : i32 {
      %mul3A_19 = arith.constant 16 : i32
      %mul3A_20 = arith.muli %scan3A_18, %mul3A_19 : i32
      %get3A = arith.index_cast %mul3A_20 : i32 to index
      %get3A_21 = tpu.vector_load %arg5[%get3A] {strides = array<i32>} : memref<10000xi32, #tpu.memory_space<vmem>>, vector<16xi32>,
      %mul3A_22 = arith.constant 16 : i32
      %mul3A_23 = arith.muli %scan3A_18, %mul3A_22 : i32
      %get3A_24 = arith.index_cast %mul3A_23 : i32 to index
      %get3A_25 = tpu.vector_load %arg6[%get3A_24] {strides = array<i32>} : memref<10000xf32, #tpu.memory_space<vmem>>, vector<16xf32>,
      tpu.vector_store_idx %arg7[%get3A_21], %get3A_25 {add = true} : memref<10000xf32, #tpu.memory_space<vmem>>[vector<16xi32>], vector<16xf32>,
    }
    %scan3A_14 = arith.constant 625 : i32
    %mul3A_15 = arith.constant 10000 : i32
    %mul3A_16 = arith.muli %add3A, %mul3A_15 : i32
    %multiple_of3A_17 = tpu.assume_multiple %mul3A_16, 8 : i32
    "tpu.region"() ({
      %run_scoped3A = tpu.sem_alloc : memref<!tpu.dma_semaphore, #tpu.memory_space<semaphore_mem>>
      %dma_start3A = tpu.memref_slice %arg4[%multiple_of3A_17] : memref<320000xf32, #tpu.memory_space<hbm>> -> memref<10000xf32, #tpu.memory_space<hbm>>
      %dma_start3A_18 = tpu.memref_slice %arg4[%multiple_of3A_17] : memref<320000xf32, #tpu.memory_space<hbm>> -> memref<10000xf32, #tpu.memory_space<hbm>>
      tpu.enqueue_dma source(%arg7 : memref<10000xf32, #tpu.memory_space<vmem>>) target(%dma_start3A_18 : memref<10000xf32, #tpu.memory_space<hbm>>) target_semaphore(%run_scoped3A : memref<!tpu.dma_semaphore, #tpu.memory_space<semaphore_mem>>)
      %dma_wait3A = tpu.memref_slice %arg4[%multiple_of3A_17] : memref<320000xf32, #tpu.memory_space<hbm>> -> memref<10000xf32, #tpu.memory_space<hbm>>
      %dma_wait3A_19 = tpu.memref_slice %arg4[%multiple_of3A_17] : memref<320000xf32, #tpu.memory_space<hbm>> -> memref<10000xf32, #tpu.memory_space<hbm>>
      tpu.wait_dma2 semaphore(%run_scoped3A : memref<!tpu.dma_semaphore, #tpu.memory_space<semaphore_mem>>) src(%arg7 : memref<10000xf32, #tpu.memory_space<vmem>>) dst(%dma_wait3A_19 : memref<10000xf32, #tpu.memory_space<hbm>>)
      tpu.yield
    }) : () -> ()
    return
  }
}

#map = affine_map<(d0, d1) -> (0, 0)>
#map1 = affine_map<(d0, d1) -> (0, 0, 0, 0)>
#map2 = affine_map<(d0, d1) -> (0, 0, 0)>
module attributes {stable_mosaic.version = 14 : i64} {
  func.func @agg_kernel(%arg0: i32, %arg1: i32, %arg2: memref<10000x128xf32, #tpu.memory_space<hbm>>, %arg3: memref<32x80x3x125xi32, #tpu.memory_space<hbm>>, %arg4: memref<10000x128xf32, #tpu.memory_space<hbm>>, %arg5: memref<125x128xf32, #tpu.memory_space<hbm>>, %arg6: memref<2x10000x128xf32, #tpu.memory_space<hbm>>, %arg7: memref<125x128xf32, #tpu.memory_space<vmem>>, %arg8: memref<125x128xf32, #tpu.memory_space<vmem>>, %arg9: memref<3x125xi32, #tpu.memory_space<vmem>>, %arg10: memref<3x125xi32, #tpu.memory_space<vmem>>, %arg11: memref<3x125xi32, #tpu.memory_space<vmem>>, %arg12: memref<3x125xi32, #tpu.memory_space<vmem>>, %arg13: memref<!tpu.dma_semaphore, #tpu.memory_space<semaphore_mem>>, %arg14: memref<!tpu.dma_semaphore, #tpu.memory_space<semaphore_mem>>, %arg15: memref<!tpu.dma_semaphore, #tpu.memory_space<semaphore_mem>>, %arg16: memref<!tpu.dma_semaphore, #tpu.memory_space<semaphore_mem>>, %arg17: memref<!tpu.dma_semaphore, #tpu.memory_space<semaphore_mem>>, %arg18: memref<!tpu.dma_semaphore, #tpu.memory_space<semaphore_mem>>, %arg19: memref<!tpu.dma_semaphore, #tpu.memory_space<semaphore_mem>>, %arg20: memref<!tpu.dma_semaphore, #tpu.memory_space<semaphore_mem>>, %arg21: memref<10000x128xf32, #tpu.memory_space<vmem_shared>>) attributes {dimension_semantics = [#tpu.dimension_semantics<core_parallel>, #tpu.dimension_semantics<subcore_parallel>], iteration_bounds = array<i64: 2, 16>, scalar_prefetch = 0 : i64, scratch_operands = 15 : i64, tpu.core_type = #tpu.core_type<sc_vector_subcore>, window_params = [{transform_indices = #map}, {transform_indices = #map1}, {transform_indices = #map}, {transform_indices = #map}, {transform_indices = #map2}]} {
    %mul3A = arith.constant 2 : i32
    %mul3A_0 = arith.muli %arg1, %mul3A : i32
    %add3A = arith.addi %mul3A_0, %arg0 : i32
    %dma_start3A = arith.constant 0 : i32
    %dma_start3A_1 = arith.constant 0 : i32
    %dma_start3A_2 = arith.constant 0 : i32
    %dma_start3A_3 = tpu.memref_slice %arg3[%add3A, %dma_start3A, %dma_start3A_1, %dma_start3A_2] : memref<32x80x3x125xi32, #tpu.memory_space<hbm>> -> memref<1x1x3x125xi32, #tpu.memory_space<hbm>>
    %dma_start3A_4 = tpu.memref_squeeze %dma_start3A_3 : memref<1x1x3x125xi32, #tpu.memory_space<hbm>> -> memref<3x125xi32, #tpu.memory_space<hbm>>
    %dma_start3A_5 = arith.constant 0 : i32
    %dma_start3A_6 = arith.constant 0 : i32
    %dma_start3A_7 = tpu.memref_slice %arg3[%add3A, %dma_start3A, %dma_start3A_5, %dma_start3A_6] : memref<32x80x3x125xi32, #tpu.memory_space<hbm>> -> memref<1x1x3x125xi32, #tpu.memory_space<hbm>>
    %dma_start3A_8 = tpu.memref_squeeze %dma_start3A_7 : memref<1x1x3x125xi32, #tpu.memory_space<hbm>> -> memref<3x125xi32, #tpu.memory_space<hbm>>
    tpu.enqueue_dma source(%dma_start3A_8 : memref<3x125xi32, #tpu.memory_space<hbm>>) target(%arg9 : memref<3x125xi32, #tpu.memory_space<vmem>>) target_semaphore(%arg17 : memref<!tpu.dma_semaphore, #tpu.memory_space<semaphore_mem>>)
    %dma_start3A_9 = arith.constant 1 : i32
    %dma_start3A_10 = arith.constant 0 : i32
    %dma_start3A_11 = arith.constant 0 : i32
    %dma_start3A_12 = tpu.memref_slice %arg3[%add3A, %dma_start3A_9, %dma_start3A_10, %dma_start3A_11] : memref<32x80x3x125xi32, #tpu.memory_space<hbm>> -> memref<1x1x3x125xi32, #tpu.memory_space<hbm>>
    %dma_start3A_13 = tpu.memref_squeeze %dma_start3A_12 : memref<1x1x3x125xi32, #tpu.memory_space<hbm>> -> memref<3x125xi32, #tpu.memory_space<hbm>>
    %dma_start3A_14 = arith.constant 0 : i32
    %dma_start3A_15 = arith.constant 0 : i32
    %dma_start3A_16 = tpu.memref_slice %arg3[%add3A, %dma_start3A_9, %dma_start3A_14, %dma_start3A_15] : memref<32x80x3x125xi32, #tpu.memory_space<hbm>> -> memref<1x1x3x125xi32, #tpu.memory_space<hbm>>
    %dma_start3A_17 = tpu.memref_squeeze %dma_start3A_16 : memref<1x1x3x125xi32, #tpu.memory_space<hbm>> -> memref<3x125xi32, #tpu.memory_space<hbm>>
    tpu.enqueue_dma source(%dma_start3A_17 : memref<3x125xi32, #tpu.memory_space<hbm>>) target(%arg10 : memref<3x125xi32, #tpu.memory_space<vmem>>) target_semaphore(%arg18 : memref<!tpu.dma_semaphore, #tpu.memory_space<semaphore_mem>>)
    %mul3A_18 = arith.constant 624 : i32
    %mul3A_19 = arith.muli %arg1, %mul3A_18 : i32
    %multiple_of3A = tpu.assume_multiple %mul3A_19, 8 : i32
    %lt3A = arith.constant 15 : i32
    %lt3A_20 = arith.cmpi slt, %arg1, %lt3A : i32
    %convert_element_type3A = arith.extui %lt3A_20 : i1 to i32
    %cond3A = arith.constant 0 : i32
    %cond3A_21 = arith.cmpi ne, %convert_element_type3A, %cond3A : i32
    scf.if %cond3A_21 {
      "tpu.region"() ({
        %run_scoped3A = tpu.sem_alloc : memref<!tpu.dma_semaphore, #tpu.memory_space<semaphore_mem>>
        %dma_start3A_41 = arith.constant 0 : i32
        %dma_start3A_42 = tpu.memref_slice %arg21[%multiple_of3A, %dma_start3A_41] : memref<10000x128xf32, #tpu.memory_space<vmem_shared>> -> memref<624x128xf32, #tpu.memory_space<vmem_shared>>
        %dma_start3A_43 = arith.constant 0 : i32
        %dma_start3A_44 = tpu.memref_slice %arg4[%multiple_of3A, %dma_start3A_43] : memref<10000x128xf32, #tpu.memory_space<hbm>> -> memref<624x128xf32, #tpu.memory_space<hbm>>
        tpu.enqueue_dma source(%dma_start3A_44 : memref<624x128xf32, #tpu.memory_space<hbm>>) target(%dma_start3A_42 : memref<624x128xf32, #tpu.memory_space<vmem_shared>>) target_semaphore(%run_scoped3A : memref<!tpu.dma_semaphore, #tpu.memory_space<semaphore_mem>>)
        %dma_wait3A = arith.constant 0 : i32
        %dma_wait3A_45 = tpu.memref_slice %arg21[%multiple_of3A, %dma_wait3A] : memref<10000x128xf32, #tpu.memory_space<vmem_shared>> -> memref<624x128xf32, #tpu.memory_space<vmem_shared>>
        %dma_wait3A_46 = arith.constant 0 : i32
        %dma_wait3A_47 = tpu.memref_slice %arg4[%multiple_of3A, %dma_wait3A_46] : memref<10000x128xf32, #tpu.memory_space<hbm>> -> memref<624x128xf32, #tpu.memory_space<hbm>>
        tpu.wait_dma2 semaphore(%run_scoped3A : memref<!tpu.dma_semaphore, #tpu.memory_space<semaphore_mem>>) src(%dma_wait3A_47 : memref<624x128xf32, #tpu.memory_space<hbm>>) dst(%dma_wait3A_45 : memref<624x128xf32, #tpu.memory_space<vmem_shared>>)
        tpu.yield
      }) : () -> ()
    } else {
    }
    %eq3A = arith.constant 15 : i32
    %eq3A_22 = arith.cmpi eq, %arg1, %eq3A : i32
    %convert_element_type3A_23 = arith.extui %eq3A_22 : i1 to i32
    %cond3A_24 = arith.constant 0 : i32
    %cond3A_25 = arith.cmpi ne, %convert_element_type3A_23, %cond3A_24 : i32
    scf.if %cond3A_25 {
      "tpu.region"() ({
        %run_scoped3A = tpu.sem_alloc : memref<!tpu.dma_semaphore, #tpu.memory_space<semaphore_mem>>
        %dma_start3A_41 = arith.constant 0 : i32
        %dma_start3A_42 = tpu.memref_slice %arg21[%multiple_of3A, %dma_start3A_41] : memref<10000x128xf32, #tpu.memory_space<vmem_shared>> -> memref<640x128xf32, #tpu.memory_space<vmem_shared>>
        %dma_start3A_43 = arith.constant 0 : i32
        %dma_start3A_44 = tpu.memref_slice %arg4[%multiple_of3A, %dma_start3A_43] : memref<10000x128xf32, #tpu.memory_space<hbm>> -> memref<640x128xf32, #tpu.memory_space<hbm>>
        tpu.enqueue_dma source(%dma_start3A_44 : memref<640x128xf32, #tpu.memory_space<hbm>>) target(%dma_start3A_42 : memref<640x128xf32, #tpu.memory_space<vmem_shared>>) target_semaphore(%run_scoped3A : memref<!tpu.dma_semaphore, #tpu.memory_space<semaphore_mem>>)
        %dma_wait3A = arith.constant 0 : i32
        %dma_wait3A_45 = tpu.memref_slice %arg21[%multiple_of3A, %dma_wait3A] : memref<10000x128xf32, #tpu.memory_space<vmem_shared>> -> memref<640x128xf32, #tpu.memory_space<vmem_shared>>
        %dma_wait3A_46 = arith.constant 0 : i32
        %dma_wait3A_47 = tpu.memref_slice %arg4[%multiple_of3A, %dma_wait3A_46] : memref<10000x128xf32, #tpu.memory_space<hbm>> -> memref<640x128xf32, #tpu.memory_space<hbm>>
        tpu.wait_dma2 semaphore(%run_scoped3A : memref<!tpu.dma_semaphore, #tpu.memory_space<semaphore_mem>>) src(%dma_wait3A_47 : memref<640x128xf32, #tpu.memory_space<hbm>>) dst(%dma_wait3A_45 : memref<640x128xf32, #tpu.memory_space<vmem_shared>>)
        tpu.yield
      }) : () -> ()
    } else {
    }
    %barrier3A = arith.constant 0 : index
    tpu.barrier barrier_id(%barrier3A)
    %scan3A = arith.constant 0 : i32
    %scan3A_26 = arith.constant 20 : i32
    %scan3A_27 = arith.addi %scan3A, %scan3A_26 : i32
    %scan3A_28 = arith.constant 1 : i32
    scf.for %scan3A_41 = %scan3A to %scan3A_27 step %scan3A_28  : i32 {
      %mul3A_42 = arith.constant 1 : i32
      %mul3A_43 = arith.muli %scan3A_41, %mul3A_42 : i32
      %add3A_44 = arith.constant 0 : i32
      %add3A_45 = arith.addi %add3A_44, %mul3A_43 : i32
      %mul3A_46 = arith.constant 2 : i32
      %mul3A_47 = arith.muli %mul3A_46, %add3A_45 : i32
      %mul3A_48 = arith.constant 2 : i32
      %mul3A_49 = arith.muli %mul3A_47, %mul3A_48 : i32
      %add3A_50 = arith.constant 0 : i32
      %add3A_51 = arith.addi %mul3A_49, %add3A_50 : i32
      %gt3A = arith.constant 0 : i32
      %gt3A_52 = arith.cmpi sgt, %mul3A_47, %gt3A : i32
      %convert_element_type3A_53 = arith.extui %gt3A_52 : i1 to i32
      %cond3A_54 = arith.constant 0 : i32
      %cond3A_55 = arith.cmpi ne, %convert_element_type3A_53, %cond3A_54 : i32
      scf.if %cond3A_55 {
        tpu.wait_dma2 semaphore(%arg15 : memref<!tpu.dma_semaphore, #tpu.memory_space<semaphore_mem>>) src(%arg5 : memref<125x128xf32, #tpu.memory_space<hbm>>) dst(%arg7 : memref<125x128xf32, #tpu.memory_space<vmem>>)
      } else {
      }
      %dma_wait3A = arith.constant 0 : i32
      %dma_wait3A_56 = arith.constant 0 : i32
      %dma_wait3A_57 = arith.constant 0 : i32
      %dma_wait3A_58 = arith.constant 0 : i32
      %dma_wait3A_59 = tpu.memref_slice %arg3[%dma_wait3A, %dma_wait3A_56, %dma_wait3A_57, %dma_wait3A_58] : memref<32x80x3x125xi32, #tpu.memory_space<hbm>> -> memref<1x1x3x125xi32, #tpu.memory_space<hbm>>
      %dma_wait3A_60 = tpu.memref_squeeze %dma_wait3A_59 : memref<1x1x3x125xi32, #tpu.memory_space<hbm>> -> memref<3x125xi32, #tpu.memory_space<hbm>>
      %dma_wait3A_61 = arith.constant 0 : i32
      %dma_wait3A_62 = arith.constant 0 : i32
      %dma_wait3A_63 = tpu.memref_slice %arg3[%dma_wait3A, %dma_wait3A_56, %dma_wait3A_61, %dma_wait3A_62] : memref<32x80x3x125xi32, #tpu.memory_space<hbm>> -> memref<1x1x3x125xi32, #tpu.memory_space<hbm>>
      %dma_wait3A_64 = tpu.memref_squeeze %dma_wait3A_63 : memref<1x1x3x125xi32, #tpu.memory_space<hbm>> -> memref<3x125xi32, #tpu.memory_space<hbm>>
      tpu.wait_dma2 semaphore(%arg17 : memref<!tpu.dma_semaphore, #tpu.memory_space<semaphore_mem>>) src(%dma_wait3A_64 : memref<3x125xi32, #tpu.memory_space<hbm>>) dst(%arg9 : memref<3x125xi32, #tpu.memory_space<vmem>>)
      %dma_start3A_65 = arith.constant 0 : i32
      %dma_start3A_66 = arith.constant 0 : i32
      %dma_start3A_67 = tpu.memref_slice %arg9[%dma_start3A_65, %dma_start3A_66] : memref<3x125xi32, #tpu.memory_space<vmem>> -> memref<1x125xi32, #tpu.memory_space<vmem>>
      %dma_start3A_68 = tpu.memref_squeeze %dma_start3A_67 : memref<1x125xi32, #tpu.memory_space<vmem>> -> memref<125xi32, #tpu.memory_space<vmem>>
      %dma_start3A_69 = arith.constant 0 : i32
      %dma_start3A_70 = arith.constant 0 : i32
      %dma_start3A_71 = tpu.memref_slice %arg2[%dma_start3A_69, %dma_start3A_70] : memref<10000x128xf32, #tpu.memory_space<hbm>> -> memref<10000x128xf32, #tpu.memory_space<hbm>>
      tpu.enqueue_indirect_dma source(%dma_start3A_71 : memref<10000x128xf32, #tpu.memory_space<hbm>>) target(%arg7 : memref<125x128xf32, #tpu.memory_space<vmem>>) offsets(%dma_start3A_68 : memref<125xi32, #tpu.memory_space<vmem>>) semaphore(%arg13 : memref<!tpu.dma_semaphore, #tpu.memory_space<semaphore_mem>>)
      %lt3A_72 = arith.constant 39 : i32
      %lt3A_73 = arith.cmpi slt, %mul3A_47, %lt3A_72 : i32
      %convert_element_type3A_74 = arith.extui %lt3A_73 : i1 to i32
      %cond3A_75 = arith.constant 0 : i32
      %cond3A_76 = arith.cmpi ne, %convert_element_type3A_74, %cond3A_75 : i32
      scf.if %cond3A_76 {
        %add3A_220 = arith.constant 2 : i32
        %add3A_221 = arith.addi %add3A_51, %add3A_220 : i32
        %dma_start3A_222 = arith.constant 0 : i32
        %dma_start3A_223 = arith.constant 0 : i32
        %dma_start3A_224 = tpu.memref_slice %arg3[%add3A, %add3A_221, %dma_start3A_222, %dma_start3A_223] : memref<32x80x3x125xi32, #tpu.memory_space<hbm>> -> memref<1x1x3x125xi32, #tpu.memory_space<hbm>>
        %dma_start3A_225 = tpu.memref_squeeze %dma_start3A_224 : memref<1x1x3x125xi32, #tpu.memory_space<hbm>> -> memref<3x125xi32, #tpu.memory_space<hbm>>
        %dma_start3A_226 = arith.constant 0 : i32
        %dma_start3A_227 = arith.constant 0 : i32
        %dma_start3A_228 = tpu.memref_slice %arg3[%add3A, %add3A_221, %dma_start3A_226, %dma_start3A_227] : memref<32x80x3x125xi32, #tpu.memory_space<hbm>> -> memref<1x1x3x125xi32, #tpu.memory_space<hbm>>
        %dma_start3A_229 = tpu.memref_squeeze %dma_start3A_228 : memref<1x1x3x125xi32, #tpu.memory_space<hbm>> -> memref<3x125xi32, #tpu.memory_space<hbm>>
        tpu.enqueue_dma source(%dma_start3A_229 : memref<3x125xi32, #tpu.memory_space<hbm>>) target(%arg11 : memref<3x125xi32, #tpu.memory_space<vmem>>) target_semaphore(%arg19 : memref<!tpu.dma_semaphore, #tpu.memory_space<semaphore_mem>>)
      } else {
      }
      %mul3A_77 = arith.constant 2 : i32
      %mul3A_78 = arith.muli %mul3A_47, %mul3A_77 : i32
      %add3A_79 = arith.constant 1 : i32
      %add3A_80 = arith.addi %mul3A_78, %add3A_79 : i32
      %gt3A_81 = arith.constant 0 : i32
      %gt3A_82 = arith.cmpi sgt, %mul3A_47, %gt3A_81 : i32
      %convert_element_type3A_83 = arith.extui %gt3A_82 : i1 to i32
      %cond3A_84 = arith.constant 0 : i32
      %cond3A_85 = arith.cmpi ne, %convert_element_type3A_83, %cond3A_84 : i32
      scf.if %cond3A_85 {
        tpu.wait_dma2 semaphore(%arg16 : memref<!tpu.dma_semaphore, #tpu.memory_space<semaphore_mem>>) src(%arg5 : memref<125x128xf32, #tpu.memory_space<hbm>>) dst(%arg7 : memref<125x128xf32, #tpu.memory_space<vmem>>)
      } else {
      }
      %dma_wait3A_86 = arith.constant 0 : i32
      %dma_wait3A_87 = arith.constant 0 : i32
      %dma_wait3A_88 = arith.constant 0 : i32
      %dma_wait3A_89 = arith.constant 0 : i32
      %dma_wait3A_90 = tpu.memref_slice %arg3[%dma_wait3A_86, %dma_wait3A_87, %dma_wait3A_88, %dma_wait3A_89] : memref<32x80x3x125xi32, #tpu.memory_space<hbm>> -> memref<1x1x3x125xi32, #tpu.memory_space<hbm>>
      %dma_wait3A_91 = tpu.memref_squeeze %dma_wait3A_90 : memref<1x1x3x125xi32, #tpu.memory_space<hbm>> -> memref<3x125xi32, #tpu.memory_space<hbm>>
      %dma_wait3A_92 = arith.constant 0 : i32
      %dma_wait3A_93 = arith.constant 0 : i32
      %dma_wait3A_94 = tpu.memref_slice %arg3[%dma_wait3A_86, %dma_wait3A_87, %dma_wait3A_92, %dma_wait3A_93] : memref<32x80x3x125xi32, #tpu.memory_space<hbm>> -> memref<1x1x3x125xi32, #tpu.memory_space<hbm>>
      %dma_wait3A_95 = tpu.memref_squeeze %dma_wait3A_94 : memref<1x1x3x125xi32, #tpu.memory_space<hbm>> -> memref<3x125xi32, #tpu.memory_space<hbm>>
      tpu.wait_dma2 semaphore(%arg18 : memref<!tpu.dma_semaphore, #tpu.memory_space<semaphore_mem>>) src(%dma_wait3A_95 : memref<3x125xi32, #tpu.memory_space<hbm>>) dst(%arg9 : memref<3x125xi32, #tpu.memory_space<vmem>>)
      %dma_start3A_96 = arith.constant 0 : i32
      %dma_start3A_97 = arith.constant 0 : i32
      %dma_start3A_98 = tpu.memref_slice %arg10[%dma_start3A_96, %dma_start3A_97] : memref<3x125xi32, #tpu.memory_space<vmem>> -> memref<1x125xi32, #tpu.memory_space<vmem>>
      %dma_start3A_99 = tpu.memref_squeeze %dma_start3A_98 : memref<1x125xi32, #tpu.memory_space<vmem>> -> memref<125xi32, #tpu.memory_space<vmem>>
      %dma_start3A_100 = arith.constant 0 : i32
      %dma_start3A_101 = arith.constant 0 : i32
      %dma_start3A_102 = tpu.memref_slice %arg2[%dma_start3A_100, %dma_start3A_101] : memref<10000x128xf32, #tpu.memory_space<hbm>> -> memref<10000x128xf32, #tpu.memory_space<hbm>>
      tpu.enqueue_indirect_dma source(%dma_start3A_102 : memref<10000x128xf32, #tpu.memory_space<hbm>>) target(%arg8 : memref<125x128xf32, #tpu.memory_space<vmem>>) offsets(%dma_start3A_99 : memref<125xi32, #tpu.memory_space<vmem>>) semaphore(%arg14 : memref<!tpu.dma_semaphore, #tpu.memory_space<semaphore_mem>>)
      %lt3A_103 = arith.constant 39 : i32
      %lt3A_104 = arith.cmpi slt, %mul3A_47, %lt3A_103 : i32
      %convert_element_type3A_105 = arith.extui %lt3A_104 : i1 to i32
      %cond3A_106 = arith.constant 0 : i32
      %cond3A_107 = arith.cmpi ne, %convert_element_type3A_105, %cond3A_106 : i32
      scf.if %cond3A_107 {
        %add3A_220 = arith.constant 2 : i32
        %add3A_221 = arith.addi %add3A_80, %add3A_220 : i32
        %dma_start3A_222 = arith.constant 0 : i32
        %dma_start3A_223 = arith.constant 0 : i32
        %dma_start3A_224 = tpu.memref_slice %arg3[%add3A, %add3A_221, %dma_start3A_222, %dma_start3A_223] : memref<32x80x3x125xi32, #tpu.memory_space<hbm>> -> memref<1x1x3x125xi32, #tpu.memory_space<hbm>>
        %dma_start3A_225 = tpu.memref_squeeze %dma_start3A_224 : memref<1x1x3x125xi32, #tpu.memory_space<hbm>> -> memref<3x125xi32, #tpu.memory_space<hbm>>
        %dma_start3A_226 = arith.constant 0 : i32
        %dma_start3A_227 = arith.constant 0 : i32
        %dma_start3A_228 = tpu.memref_slice %arg3[%add3A, %add3A_221, %dma_start3A_226, %dma_start3A_227] : memref<32x80x3x125xi32, #tpu.memory_space<hbm>> -> memref<1x1x3x125xi32, #tpu.memory_space<hbm>>
        %dma_start3A_229 = tpu.memref_squeeze %dma_start3A_228 : memref<1x1x3x125xi32, #tpu.memory_space<hbm>> -> memref<3x125xi32, #tpu.memory_space<hbm>>
        tpu.enqueue_dma source(%dma_start3A_229 : memref<3x125xi32, #tpu.memory_space<hbm>>) target(%arg12 : memref<3x125xi32, #tpu.memory_space<vmem>>) target_semaphore(%arg20 : memref<!tpu.dma_semaphore, #tpu.memory_space<semaphore_mem>>)
      } else {
      }
      tpu.wait_dma2 semaphore(%arg13 : memref<!tpu.dma_semaphore, #tpu.memory_space<semaphore_mem>>) src(%arg5 : memref<125x128xf32, #tpu.memory_space<hbm>>) dst(%arg7 : memref<125x128xf32, #tpu.memory_space<vmem>>)
      %broadcast_in_dim3A = arith.constant 2 : i32
      %broadcast_in_dim3A_108 = vector.broadcast %broadcast_in_dim3A : i32 to vector<16xi32>
      %parallel_loop3A = arith.constant 0 : i32
      %parallel_loop3A_109 = arith.constant 125 : i32
      %parallel_loop3A_110 = arith.constant 1 : i32
      scf.for %parallel_loop3A_220 = %parallel_loop3A to %parallel_loop3A_109 step %parallel_loop3A_110  : i32 {
        %parallel_loop3A_221 = vector.broadcast %parallel_loop3A_220 : i32 to vector<16xi32>
        %parallel_loop3A_222 = tpu.vector_load_idx %arg9[%broadcast_in_dim3A_108, %parallel_loop3A_221] : memref<3x125xi32, #tpu.memory_space<vmem>>[vector<16xi32>, vector<16xi32>], vector<16xi32>,
        %parallel_loop3A_223 = vector.bitcast %parallel_loop3A_222 : vector<16xi32> to vector<16xf32>
        %parallel_loop3A_224 = arith.index_cast %parallel_loop3A_220 : i32 to index
        %parallel_loop3A_225 = arith.constant 0 : index
        %parallel_loop3A_226 = tpu.vector_load %arg7[%parallel_loop3A_224, %parallel_loop3A_225] {strides = array<i32>} : memref<125x128xf32, #tpu.memory_space<vmem>>, vector<16xf32>,
        %parallel_loop3A_227 = arith.mulf %parallel_loop3A_226, %parallel_loop3A_223 : vector<16xf32>
        %parallel_loop3A_228 = arith.index_cast %parallel_loop3A_220 : i32 to index
        %parallel_loop3A_229 = arith.constant 0 : index
        %parallel_loop3A_230 = tpu.vector_load %arg7[%parallel_loop3A_228, %parallel_loop3A_229] {strides = array<i32>} : memref<125x128xf32, #tpu.memory_space<vmem>>, vector<16xf32>,
        tpu.vector_store %arg7[%parallel_loop3A_228, %parallel_loop3A_229], %parallel_loop3A_227 {strides = array<i32>} : memref<125x128xf32, #tpu.memory_space<vmem>>, vector<16xf32>,
        %parallel_loop3A_231 = arith.index_cast %parallel_loop3A_220 : i32 to index
        %parallel_loop3A_232 = arith.constant 16 : index
        %parallel_loop3A_233 = tpu.vector_load %arg7[%parallel_loop3A_231, %parallel_loop3A_232] {strides = array<i32>} : memref<125x128xf32, #tpu.memory_space<vmem>>, vector<16xf32>,
        %parallel_loop3A_234 = arith.mulf %parallel_loop3A_233, %parallel_loop3A_223 : vector<16xf32>
        %parallel_loop3A_235 = arith.index_cast %parallel_loop3A_220 : i32 to index
        %parallel_loop3A_236 = arith.constant 16 : index
        %parallel_loop3A_237 = tpu.vector_load %arg7[%parallel_loop3A_235, %parallel_loop3A_236] {strides = array<i32>} : memref<125x128xf32, #tpu.memory_space<vmem>>, vector<16xf32>,
        tpu.vector_store %arg7[%parallel_loop3A_235, %parallel_loop3A_236], %parallel_loop3A_234 {strides = array<i32>} : memref<125x128xf32, #tpu.memory_space<vmem>>, vector<16xf32>,
        %parallel_loop3A_238 = arith.index_cast %parallel_loop3A_220 : i32 to index
        %parallel_loop3A_239 = arith.constant 32 : index
        %parallel_loop3A_240 = tpu.vector_load %arg7[%parallel_loop3A_238, %parallel_loop3A_239] {strides = array<i32>} : memref<125x128xf32, #tpu.memory_space<vmem>>, vector<16xf32>,
        %parallel_loop3A_241 = arith.mulf %parallel_loop3A_240, %parallel_loop3A_223 : vector<16xf32>
        %parallel_loop3A_242 = arith.index_cast %parallel_loop3A_220 : i32 to index
        %parallel_loop3A_243 = arith.constant 32 : index
        %parallel_loop3A_244 = tpu.vector_load %arg7[%parallel_loop3A_242, %parallel_loop3A_243] {strides = array<i32>} : memref<125x128xf32, #tpu.memory_space<vmem>>, vector<16xf32>,
        tpu.vector_store %arg7[%parallel_loop3A_242, %parallel_loop3A_243], %parallel_loop3A_241 {strides = array<i32>} : memref<125x128xf32, #tpu.memory_space<vmem>>, vector<16xf32>,
        %parallel_loop3A_245 = arith.index_cast %parallel_loop3A_220 : i32 to index
        %parallel_loop3A_246 = arith.constant 48 : index
        %parallel_loop3A_247 = tpu.vector_load %arg7[%parallel_loop3A_245, %parallel_loop3A_246] {strides = array<i32>} : memref<125x128xf32, #tpu.memory_space<vmem>>, vector<16xf32>,
        %parallel_loop3A_248 = arith.mulf %parallel_loop3A_247, %parallel_loop3A_223 : vector<16xf32>
        %parallel_loop3A_249 = arith.index_cast %parallel_loop3A_220 : i32 to index
        %parallel_loop3A_250 = arith.constant 48 : index
        %parallel_loop3A_251 = tpu.vector_load %arg7[%parallel_loop3A_249, %parallel_loop3A_250] {strides = array<i32>} : memref<125x128xf32, #tpu.memory_space<vmem>>, vector<16xf32>,
        tpu.vector_store %arg7[%parallel_loop3A_249, %parallel_loop3A_250], %parallel_loop3A_248 {strides = array<i32>} : memref<125x128xf32, #tpu.memory_space<vmem>>, vector<16xf32>,
        %parallel_loop3A_252 = arith.index_cast %parallel_loop3A_220 : i32 to index
        %parallel_loop3A_253 = arith.constant 64 : index
        %parallel_loop3A_254 = tpu.vector_load %arg7[%parallel_loop3A_252, %parallel_loop3A_253] {strides = array<i32>} : memref<125x128xf32, #tpu.memory_space<vmem>>, vector<16xf32>,
        %parallel_loop3A_255 = arith.mulf %parallel_loop3A_254, %parallel_loop3A_223 : vector<16xf32>
        %parallel_loop3A_256 = arith.index_cast %parallel_loop3A_220 : i32 to index
        %parallel_loop3A_257 = arith.constant 64 : index
        %parallel_loop3A_258 = tpu.vector_load %arg7[%parallel_loop3A_256, %parallel_loop3A_257] {strides = array<i32>} : memref<125x128xf32, #tpu.memory_space<vmem>>, vector<16xf32>,
        tpu.vector_store %arg7[%parallel_loop3A_256, %parallel_loop3A_257], %parallel_loop3A_255 {strides = array<i32>} : memref<125x128xf32, #tpu.memory_space<vmem>>, vector<16xf32>,
        %parallel_loop3A_259 = arith.index_cast %parallel_loop3A_220 : i32 to index
        %parallel_loop3A_260 = arith.constant 80 : index
        %parallel_loop3A_261 = tpu.vector_load %arg7[%parallel_loop3A_259, %parallel_loop3A_260] {strides = array<i32>} : memref<125x128xf32, #tpu.memory_space<vmem>>, vector<16xf32>,
        %parallel_loop3A_262 = arith.mulf %parallel_loop3A_261, %parallel_loop3A_223 : vector<16xf32>
        %parallel_loop3A_263 = arith.index_cast %parallel_loop3A_220 : i32 to index
        %parallel_loop3A_264 = arith.constant 80 : index
        %parallel_loop3A_265 = tpu.vector_load %arg7[%parallel_loop3A_263, %parallel_loop3A_264] {strides = array<i32>} : memref<125x128xf32, #tpu.memory_space<vmem>>, vector<16xf32>,
        tpu.vector_store %arg7[%parallel_loop3A_263, %parallel_loop3A_264], %parallel_loop3A_262 {strides = array<i32>} : memref<125x128xf32, #tpu.memory_space<vmem>>, vector<16xf32>,
        %parallel_loop3A_266 = arith.index_cast %parallel_loop3A_220 : i32 to index
        %parallel_loop3A_267 = arith.constant 96 : index
        %parallel_loop3A_268 = tpu.vector_load %arg7[%parallel_loop3A_266, %parallel_loop3A_267] {strides = array<i32>} : memref<125x128xf32, #tpu.memory_space<vmem>>, vector<16xf32>,
        %parallel_loop3A_269 = arith.mulf %parallel_loop3A_268, %parallel_loop3A_223 : vector<16xf32>
        %parallel_loop3A_270 = arith.index_cast %parallel_loop3A_220 : i32 to index
        %parallel_loop3A_271 = arith.constant 96 : index
        %parallel_loop3A_272 = tpu.vector_load %arg7[%parallel_loop3A_270, %parallel_loop3A_271] {strides = array<i32>} : memref<125x128xf32, #tpu.memory_space<vmem>>, vector<16xf32>,
        tpu.vector_store %arg7[%parallel_loop3A_270, %parallel_loop3A_271], %parallel_loop3A_269 {strides = array<i32>} : memref<125x128xf32, #tpu.memory_space<vmem>>, vector<16xf32>,
        %parallel_loop3A_273 = arith.index_cast %parallel_loop3A_220 : i32 to index
        %parallel_loop3A_274 = arith.constant 112 : index
        %parallel_loop3A_275 = tpu.vector_load %arg7[%parallel_loop3A_273, %parallel_loop3A_274] {strides = array<i32>} : memref<125x128xf32, #tpu.memory_space<vmem>>, vector<16xf32>,
        %parallel_loop3A_276 = arith.mulf %parallel_loop3A_275, %parallel_loop3A_223 : vector<16xf32>
        %parallel_loop3A_277 = arith.index_cast %parallel_loop3A_220 : i32 to index
        %parallel_loop3A_278 = arith.constant 112 : index
        %parallel_loop3A_279 = tpu.vector_load %arg7[%parallel_loop3A_277, %parallel_loop3A_278] {strides = array<i32>} : memref<125x128xf32, #tpu.memory_space<vmem>>, vector<16xf32>,
        tpu.vector_store %arg7[%parallel_loop3A_277, %parallel_loop3A_278], %parallel_loop3A_276 {strides = array<i32>} : memref<125x128xf32, #tpu.memory_space<vmem>>, vector<16xf32>,
      } {sc.loop_unroll_factor = 1 : i64, sc.parallel_access}
      %dma_start3A_111 = arith.constant 1 : i32
      %dma_start3A_112 = arith.constant 0 : i32
      %dma_start3A_113 = tpu.memref_slice %arg9[%dma_start3A_111, %dma_start3A_112] : memref<3x125xi32, #tpu.memory_space<vmem>> -> memref<1x125xi32, #tpu.memory_space<vmem>>
      %dma_start3A_114 = tpu.memref_squeeze %dma_start3A_113 : memref<1x125xi32, #tpu.memory_space<vmem>> -> memref<125xi32, #tpu.memory_space<vmem>>
      %dma_start3A_115 = arith.constant 0 : i32
      %dma_start3A_116 = arith.constant 0 : i32
      %dma_start3A_117 = tpu.memref_slice %arg21[%dma_start3A_115, %dma_start3A_116] : memref<10000x128xf32, #tpu.memory_space<vmem_shared>> -> memref<10000x128xf32, #tpu.memory_space<vmem_shared>>
      tpu.enqueue_indirect_dma source(%arg7 : memref<125x128xf32, #tpu.memory_space<vmem>>) target(%dma_start3A_117 : memref<10000x128xf32, #tpu.memory_space<vmem_shared>>) offsets(%dma_start3A_114 : memref<125xi32, #tpu.memory_space<vmem>>) semaphore(%arg15 : memref<!tpu.dma_semaphore, #tpu.memory_space<semaphore_mem>>) {add = true}
      tpu.wait_dma2 semaphore(%arg14 : memref<!tpu.dma_semaphore, #tpu.memory_space<semaphore_mem>>) src(%arg5 : memref<125x128xf32, #tpu.memory_space<hbm>>) dst(%arg7 : memref<125x128xf32, #tpu.memory_space<vmem>>)
      %broadcast_in_dim3A_118 = arith.constant 2 : i32
      %broadcast_in_dim3A_119 = vector.broadcast %broadcast_in_dim3A_118 : i32 to vector<16xi32>
      %parallel_loop3A_120 = arith.constant 0 : i32
      %parallel_loop3A_121 = arith.constant 125 : i32
      %parallel_loop3A_122 = arith.constant 1 : i32
      scf.for %parallel_loop3A_220 = %parallel_loop3A_120 to %parallel_loop3A_121 step %parallel_loop3A_122  : i32 {
        %parallel_loop3A_221 = vector.broadcast %parallel_loop3A_220 : i32 to vector<16xi32>
        %parallel_loop3A_222 = tpu.vector_load_idx %arg10[%broadcast_in_dim3A_119, %parallel_loop3A_221] : memref<3x125xi32, #tpu.memory_space<vmem>>[vector<16xi32>, vector<16xi32>], vector<16xi32>,
        %parallel_loop3A_223 = vector.bitcast %parallel_loop3A_222 : vector<16xi32> to vector<16xf32>
        %parallel_loop3A_224 = arith.index_cast %parallel_loop3A_220 : i32 to index
        %parallel_loop3A_225 = arith.constant 0 : index
        %parallel_loop3A_226 = tpu.vector_load %arg8[%parallel_loop3A_224, %parallel_loop3A_225] {strides = array<i32>} : memref<125x128xf32, #tpu.memory_space<vmem>>, vector<16xf32>,
        %parallel_loop3A_227 = arith.mulf %parallel_loop3A_226, %parallel_loop3A_223 : vector<16xf32>
        %parallel_loop3A_228 = arith.index_cast %parallel_loop3A_220 : i32 to index
        %parallel_loop3A_229 = arith.constant 0 : index
        %parallel_loop3A_230 = tpu.vector_load %arg8[%parallel_loop3A_228, %parallel_loop3A_229] {strides = array<i32>} : memref<125x128xf32, #tpu.memory_space<vmem>>, vector<16xf32>,
        tpu.vector_store %arg8[%parallel_loop3A_228, %parallel_loop3A_229], %parallel_loop3A_227 {strides = array<i32>} : memref<125x128xf32, #tpu.memory_space<vmem>>, vector<16xf32>,
        %parallel_loop3A_231 = arith.index_cast %parallel_loop3A_220 : i32 to index
        %parallel_loop3A_232 = arith.constant 16 : index
        %parallel_loop3A_233 = tpu.vector_load %arg8[%parallel_loop3A_231, %parallel_loop3A_232] {strides = array<i32>} : memref<125x128xf32, #tpu.memory_space<vmem>>, vector<16xf32>,
        %parallel_loop3A_234 = arith.mulf %parallel_loop3A_233, %parallel_loop3A_223 : vector<16xf32>
        %parallel_loop3A_235 = arith.index_cast %parallel_loop3A_220 : i32 to index
        %parallel_loop3A_236 = arith.constant 16 : index
        %parallel_loop3A_237 = tpu.vector_load %arg8[%parallel_loop3A_235, %parallel_loop3A_236] {strides = array<i32>} : memref<125x128xf32, #tpu.memory_space<vmem>>, vector<16xf32>,
        tpu.vector_store %arg8[%parallel_loop3A_235, %parallel_loop3A_236], %parallel_loop3A_234 {strides = array<i32>} : memref<125x128xf32, #tpu.memory_space<vmem>>, vector<16xf32>,
        %parallel_loop3A_238 = arith.index_cast %parallel_loop3A_220 : i32 to index
        %parallel_loop3A_239 = arith.constant 32 : index
        %parallel_loop3A_240 = tpu.vector_load %arg8[%parallel_loop3A_238, %parallel_loop3A_239] {strides = array<i32>} : memref<125x128xf32, #tpu.memory_space<vmem>>, vector<16xf32>,
        %parallel_loop3A_241 = arith.mulf %parallel_loop3A_240, %parallel_loop3A_223 : vector<16xf32>
        %parallel_loop3A_242 = arith.index_cast %parallel_loop3A_220 : i32 to index
        %parallel_loop3A_243 = arith.constant 32 : index
        %parallel_loop3A_244 = tpu.vector_load %arg8[%parallel_loop3A_242, %parallel_loop3A_243] {strides = array<i32>} : memref<125x128xf32, #tpu.memory_space<vmem>>, vector<16xf32>,
        tpu.vector_store %arg8[%parallel_loop3A_242, %parallel_loop3A_243], %parallel_loop3A_241 {strides = array<i32>} : memref<125x128xf32, #tpu.memory_space<vmem>>, vector<16xf32>,
        %parallel_loop3A_245 = arith.index_cast %parallel_loop3A_220 : i32 to index
        %parallel_loop3A_246 = arith.constant 48 : index
        %parallel_loop3A_247 = tpu.vector_load %arg8[%parallel_loop3A_245, %parallel_loop3A_246] {strides = array<i32>} : memref<125x128xf32, #tpu.memory_space<vmem>>, vector<16xf32>,
        %parallel_loop3A_248 = arith.mulf %parallel_loop3A_247, %parallel_loop3A_223 : vector<16xf32>
        %parallel_loop3A_249 = arith.index_cast %parallel_loop3A_220 : i32 to index
        %parallel_loop3A_250 = arith.constant 48 : index
        %parallel_loop3A_251 = tpu.vector_load %arg8[%parallel_loop3A_249, %parallel_loop3A_250] {strides = array<i32>} : memref<125x128xf32, #tpu.memory_space<vmem>>, vector<16xf32>,
        tpu.vector_store %arg8[%parallel_loop3A_249, %parallel_loop3A_250], %parallel_loop3A_248 {strides = array<i32>} : memref<125x128xf32, #tpu.memory_space<vmem>>, vector<16xf32>,
        %parallel_loop3A_252 = arith.index_cast %parallel_loop3A_220 : i32 to index
        %parallel_loop3A_253 = arith.constant 64 : index
        %parallel_loop3A_254 = tpu.vector_load %arg8[%parallel_loop3A_252, %parallel_loop3A_253] {strides = array<i32>} : memref<125x128xf32, #tpu.memory_space<vmem>>, vector<16xf32>,
        %parallel_loop3A_255 = arith.mulf %parallel_loop3A_254, %parallel_loop3A_223 : vector<16xf32>
        %parallel_loop3A_256 = arith.index_cast %parallel_loop3A_220 : i32 to index
        %parallel_loop3A_257 = arith.constant 64 : index
        %parallel_loop3A_258 = tpu.vector_load %arg8[%parallel_loop3A_256, %parallel_loop3A_257] {strides = array<i32>} : memref<125x128xf32, #tpu.memory_space<vmem>>, vector<16xf32>,
        tpu.vector_store %arg8[%parallel_loop3A_256, %parallel_loop3A_257], %parallel_loop3A_255 {strides = array<i32>} : memref<125x128xf32, #tpu.memory_space<vmem>>, vector<16xf32>,
        %parallel_loop3A_259 = arith.index_cast %parallel_loop3A_220 : i32 to index
        %parallel_loop3A_260 = arith.constant 80 : index
        %parallel_loop3A_261 = tpu.vector_load %arg8[%parallel_loop3A_259, %parallel_loop3A_260] {strides = array<i32>} : memref<125x128xf32, #tpu.memory_space<vmem>>, vector<16xf32>,
        %parallel_loop3A_262 = arith.mulf %parallel_loop3A_261, %parallel_loop3A_223 : vector<16xf32>
        %parallel_loop3A_263 = arith.index_cast %parallel_loop3A_220 : i32 to index
        %parallel_loop3A_264 = arith.constant 80 : index
        %parallel_loop3A_265 = tpu.vector_load %arg8[%parallel_loop3A_263, %parallel_loop3A_264] {strides = array<i32>} : memref<125x128xf32, #tpu.memory_space<vmem>>, vector<16xf32>,
        tpu.vector_store %arg8[%parallel_loop3A_263, %parallel_loop3A_264], %parallel_loop3A_262 {strides = array<i32>} : memref<125x128xf32, #tpu.memory_space<vmem>>, vector<16xf32>,
        %parallel_loop3A_266 = arith.index_cast %parallel_loop3A_220 : i32 to index
        %parallel_loop3A_267 = arith.constant 96 : index
        %parallel_loop3A_268 = tpu.vector_load %arg8[%parallel_loop3A_266, %parallel_loop3A_267] {strides = array<i32>} : memref<125x128xf32, #tpu.memory_space<vmem>>, vector<16xf32>,
        %parallel_loop3A_269 = arith.mulf %parallel_loop3A_268, %parallel_loop3A_223 : vector<16xf32>
        %parallel_loop3A_270 = arith.index_cast %parallel_loop3A_220 : i32 to index
        %parallel_loop3A_271 = arith.constant 96 : index
        %parallel_loop3A_272 = tpu.vector_load %arg8[%parallel_loop3A_270, %parallel_loop3A_271] {strides = array<i32>} : memref<125x128xf32, #tpu.memory_space<vmem>>, vector<16xf32>,
        tpu.vector_store %arg8[%parallel_loop3A_270, %parallel_loop3A_271], %parallel_loop3A_269 {strides = array<i32>} : memref<125x128xf32, #tpu.memory_space<vmem>>, vector<16xf32>,
        %parallel_loop3A_273 = arith.index_cast %parallel_loop3A_220 : i32 to index
        %parallel_loop3A_274 = arith.constant 112 : index
        %parallel_loop3A_275 = tpu.vector_load %arg8[%parallel_loop3A_273, %parallel_loop3A_274] {strides = array<i32>} : memref<125x128xf32, #tpu.memory_space<vmem>>, vector<16xf32>,
        %parallel_loop3A_276 = arith.mulf %parallel_loop3A_275, %parallel_loop3A_223 : vector<16xf32>
        %parallel_loop3A_277 = arith.index_cast %parallel_loop3A_220 : i32 to index
        %parallel_loop3A_278 = arith.constant 112 : index
        %parallel_loop3A_279 = tpu.vector_load %arg8[%parallel_loop3A_277, %parallel_loop3A_278] {strides = array<i32>} : memref<125x128xf32, #tpu.memory_space<vmem>>, vector<16xf32>,
        tpu.vector_store %arg8[%parallel_loop3A_277, %parallel_loop3A_278], %parallel_loop3A_276 {strides = array<i32>} : memref<125x128xf32, #tpu.memory_space<vmem>>, vector<16xf32>,
      } {sc.loop_unroll_factor = 1 : i64, sc.parallel_access}
      %dma_start3A_123 = arith.constant 1 : i32
      %dma_start3A_124 = arith.constant 0 : i32
      %dma_start3A_125 = tpu.memref_slice %arg10[%dma_start3A_123, %dma_start3A_124] : memref<3x125xi32, #tpu.memory_space<vmem>> -> memref<1x125xi32, #tpu.memory_space<vmem>>
      %dma_start3A_126 = tpu.memref_squeeze %dma_start3A_125 : memref<1x125xi32, #tpu.memory_space<vmem>> -> memref<125xi32, #tpu.memory_space<vmem>>
      %dma_start3A_127 = arith.constant 0 : i32
      %dma_start3A_128 = arith.constant 0 : i32
      %dma_start3A_129 = tpu.memref_slice %arg21[%dma_start3A_127, %dma_start3A_128] : memref<10000x128xf32, #tpu.memory_space<vmem_shared>> -> memref<10000x128xf32, #tpu.memory_space<vmem_shared>>
      tpu.enqueue_indirect_dma source(%arg8 : memref<125x128xf32, #tpu.memory_space<vmem>>) target(%dma_start3A_129 : memref<10000x128xf32, #tpu.memory_space<vmem_shared>>) offsets(%dma_start3A_126 : memref<125xi32, #tpu.memory_space<vmem>>) semaphore(%arg16 : memref<!tpu.dma_semaphore, #tpu.memory_space<semaphore_mem>>) {add = true}
      %mul3A_130 = arith.constant 2 : i32
      %mul3A_131 = arith.muli %mul3A_130, %add3A_45 : i32
      %add3A_132 = arith.constant 1 : i32
      %add3A_133 = arith.addi %mul3A_131, %add3A_132 : i32
      %mul3A_134 = arith.constant 2 : i32
      %mul3A_135 = arith.muli %add3A_133, %mul3A_134 : i32
      %add3A_136 = arith.constant 0 : i32
      %add3A_137 = arith.addi %mul3A_135, %add3A_136 : i32
      %gt3A_138 = arith.constant 0 : i32
      %gt3A_139 = arith.cmpi sgt, %add3A_133, %gt3A_138 : i32
      %convert_element_type3A_140 = arith.extui %gt3A_139 : i1 to i32
      %cond3A_141 = arith.constant 0 : i32
      %cond3A_142 = arith.cmpi ne, %convert_element_type3A_140, %cond3A_141 : i32
      scf.if %cond3A_142 {
        tpu.wait_dma2 semaphore(%arg15 : memref<!tpu.dma_semaphore, #tpu.memory_space<semaphore_mem>>) src(%arg5 : memref<125x128xf32, #tpu.memory_space<hbm>>) dst(%arg7 : memref<125x128xf32, #tpu.memory_space<vmem>>)
      } else {
      }
      %dma_wait3A_143 = arith.constant 0 : i32
      %dma_wait3A_144 = arith.constant 0 : i32
      %dma_wait3A_145 = arith.constant 0 : i32
      %dma_wait3A_146 = arith.constant 0 : i32
      %dma_wait3A_147 = tpu.memref_slice %arg3[%dma_wait3A_143, %dma_wait3A_144, %dma_wait3A_145, %dma_wait3A_146] : memref<32x80x3x125xi32, #tpu.memory_space<hbm>> -> memref<1x1x3x125xi32, #tpu.memory_space<hbm>>
      %dma_wait3A_148 = tpu.memref_squeeze %dma_wait3A_147 : memref<1x1x3x125xi32, #tpu.memory_space<hbm>> -> memref<3x125xi32, #tpu.memory_space<hbm>>
      %dma_wait3A_149 = arith.constant 0 : i32
      %dma_wait3A_150 = arith.constant 0 : i32
      %dma_wait3A_151 = tpu.memref_slice %arg3[%dma_wait3A_143, %dma_wait3A_144, %dma_wait3A_149, %dma_wait3A_150] : memref<32x80x3x125xi32, #tpu.memory_space<hbm>> -> memref<1x1x3x125xi32, #tpu.memory_space<hbm>>
      %dma_wait3A_152 = tpu.memref_squeeze %dma_wait3A_151 : memref<1x1x3x125xi32, #tpu.memory_space<hbm>> -> memref<3x125xi32, #tpu.memory_space<hbm>>
      tpu.wait_dma2 semaphore(%arg19 : memref<!tpu.dma_semaphore, #tpu.memory_space<semaphore_mem>>) src(%dma_wait3A_152 : memref<3x125xi32, #tpu.memory_space<hbm>>) dst(%arg9 : memref<3x125xi32, #tpu.memory_space<vmem>>)
      %dma_start3A_153 = arith.constant 0 : i32
      %dma_start3A_154 = arith.constant 0 : i32
      %dma_start3A_155 = tpu.memref_slice %arg11[%dma_start3A_153, %dma_start3A_154] : memref<3x125xi32, #tpu.memory_space<vmem>> -> memref<1x125xi32, #tpu.memory_space<vmem>>
      %dma_start3A_156 = tpu.memref_squeeze %dma_start3A_155 : memref<1x125xi32, #tpu.memory_space<vmem>> -> memref<125xi32, #tpu.memory_space<vmem>>
      %dma_start3A_157 = arith.constant 0 : i32
      %dma_start3A_158 = arith.constant 0 : i32
      %dma_start3A_159 = tpu.memref_slice %arg2[%dma_start3A_157, %dma_start3A_158] : memref<10000x128xf32, #tpu.memory_space<hbm>> -> memref<10000x128xf32, #tpu.memory_space<hbm>>
      tpu.enqueue_indirect_dma source(%dma_start3A_159 : memref<10000x128xf32, #tpu.memory_space<hbm>>) target(%arg7 : memref<125x128xf32, #tpu.memory_space<vmem>>) offsets(%dma_start3A_156 : memref<125xi32, #tpu.memory_space<vmem>>) semaphore(%arg13 : memref<!tpu.dma_semaphore, #tpu.memory_space<semaphore_mem>>)
      %lt3A_160 = arith.constant 39 : i32
      %lt3A_161 = arith.cmpi slt, %add3A_133, %lt3A_160 : i32
      %convert_element_type3A_162 = arith.extui %lt3A_161 : i1 to i32
      %cond3A_163 = arith.constant 0 : i32
      %cond3A_164 = arith.cmpi ne, %convert_element_type3A_162, %cond3A_163 : i32
      scf.if %cond3A_164 {
        %add3A_220 = arith.constant 2 : i32
        %add3A_221 = arith.addi %add3A_137, %add3A_220 : i32
        %dma_start3A_222 = arith.constant 0 : i32
        %dma_start3A_223 = arith.constant 0 : i32
        %dma_start3A_224 = tpu.memref_slice %arg3[%add3A, %add3A_221, %dma_start3A_222, %dma_start3A_223] : memref<32x80x3x125xi32, #tpu.memory_space<hbm>> -> memref<1x1x3x125xi32, #tpu.memory_space<hbm>>
        %dma_start3A_225 = tpu.memref_squeeze %dma_start3A_224 : memref<1x1x3x125xi32, #tpu.memory_space<hbm>> -> memref<3x125xi32, #tpu.memory_space<hbm>>
        %dma_start3A_226 = arith.constant 0 : i32
        %dma_start3A_227 = arith.constant 0 : i32
        %dma_start3A_228 = tpu.memref_slice %arg3[%add3A, %add3A_221, %dma_start3A_226, %dma_start3A_227] : memref<32x80x3x125xi32, #tpu.memory_space<hbm>> -> memref<1x1x3x125xi32, #tpu.memory_space<hbm>>
        %dma_start3A_229 = tpu.memref_squeeze %dma_start3A_228 : memref<1x1x3x125xi32, #tpu.memory_space<hbm>> -> memref<3x125xi32, #tpu.memory_space<hbm>>
        tpu.enqueue_dma source(%dma_start3A_229 : memref<3x125xi32, #tpu.memory_space<hbm>>) target(%arg9 : memref<3x125xi32, #tpu.memory_space<vmem>>) target_semaphore(%arg17 : memref<!tpu.dma_semaphore, #tpu.memory_space<semaphore_mem>>)
      } else {
      }
      %mul3A_165 = arith.constant 2 : i32
      %mul3A_166 = arith.muli %add3A_133, %mul3A_165 : i32
      %add3A_167 = arith.constant 1 : i32
      %add3A_168 = arith.addi %mul3A_166, %add3A_167 : i32
      %gt3A_169 = arith.constant 0 : i32
      %gt3A_170 = arith.cmpi sgt, %add3A_133, %gt3A_169 : i32
      %convert_element_type3A_171 = arith.extui %gt3A_170 : i1 to i32
      %cond3A_172 = arith.constant 0 : i32
      %cond3A_173 = arith.cmpi ne, %convert_element_type3A_171, %cond3A_172 : i32
      scf.if %cond3A_173 {
        tpu.wait_dma2 semaphore(%arg16 : memref<!tpu.dma_semaphore, #tpu.memory_space<semaphore_mem>>) src(%arg5 : memref<125x128xf32, #tpu.memory_space<hbm>>) dst(%arg7 : memref<125x128xf32, #tpu.memory_space<vmem>>)
      } else {
      }
      %dma_wait3A_174 = arith.constant 0 : i32
      %dma_wait3A_175 = arith.constant 0 : i32
      %dma_wait3A_176 = arith.constant 0 : i32
      %dma_wait3A_177 = arith.constant 0 : i32
      %dma_wait3A_178 = tpu.memref_slice %arg3[%dma_wait3A_174, %dma_wait3A_175, %dma_wait3A_176, %dma_wait3A_177] : memref<32x80x3x125xi32, #tpu.memory_space<hbm>> -> memref<1x1x3x125xi32, #tpu.memory_space<hbm>>
      %dma_wait3A_179 = tpu.memref_squeeze %dma_wait3A_178 : memref<1x1x3x125xi32, #tpu.memory_space<hbm>> -> memref<3x125xi32, #tpu.memory_space<hbm>>
      %dma_wait3A_180 = arith.constant 0 : i32
      %dma_wait3A_181 = arith.constant 0 : i32
      %dma_wait3A_182 = tpu.memref_slice %arg3[%dma_wait3A_174, %dma_wait3A_175, %dma_wait3A_180, %dma_wait3A_181] : memref<32x80x3x125xi32, #tpu.memory_space<hbm>> -> memref<1x1x3x125xi32, #tpu.memory_space<hbm>>
      %dma_wait3A_183 = tpu.memref_squeeze %dma_wait3A_182 : memref<1x1x3x125xi32, #tpu.memory_space<hbm>> -> memref<3x125xi32, #tpu.memory_space<hbm>>
      tpu.wait_dma2 semaphore(%arg20 : memref<!tpu.dma_semaphore, #tpu.memory_space<semaphore_mem>>) src(%dma_wait3A_183 : memref<3x125xi32, #tpu.memory_space<hbm>>) dst(%arg9 : memref<3x125xi32, #tpu.memory_space<vmem>>)
      %dma_start3A_184 = arith.constant 0 : i32
      %dma_start3A_185 = arith.constant 0 : i32
      %dma_start3A_186 = tpu.memref_slice %arg12[%dma_start3A_184, %dma_start3A_185] : memref<3x125xi32, #tpu.memory_space<vmem>> -> memref<1x125xi32, #tpu.memory_space<vmem>>
      %dma_start3A_187 = tpu.memref_squeeze %dma_start3A_186 : memref<1x125xi32, #tpu.memory_space<vmem>> -> memref<125xi32, #tpu.memory_space<vmem>>
      %dma_start3A_188 = arith.constant 0 : i32
      %dma_start3A_189 = arith.constant 0 : i32
      %dma_start3A_190 = tpu.memref_slice %arg2[%dma_start3A_188, %dma_start3A_189] : memref<10000x128xf32, #tpu.memory_space<hbm>> -> memref<10000x128xf32, #tpu.memory_space<hbm>>
      tpu.enqueue_indirect_dma source(%dma_start3A_190 : memref<10000x128xf32, #tpu.memory_space<hbm>>) target(%arg8 : memref<125x128xf32, #tpu.memory_space<vmem>>) offsets(%dma_start3A_187 : memref<125xi32, #tpu.memory_space<vmem>>) semaphore(%arg14 : memref<!tpu.dma_semaphore, #tpu.memory_space<semaphore_mem>>)
      %lt3A_191 = arith.constant 39 : i32
      %lt3A_192 = arith.cmpi slt, %add3A_133, %lt3A_191 : i32
      %convert_element_type3A_193 = arith.extui %lt3A_192 : i1 to i32
      %cond3A_194 = arith.constant 0 : i32
      %cond3A_195 = arith.cmpi ne, %convert_element_type3A_193, %cond3A_194 : i32
      scf.if %cond3A_195 {
        %add3A_220 = arith.constant 2 : i32
        %add3A_221 = arith.addi %add3A_168, %add3A_220 : i32
        %dma_start3A_222 = arith.constant 0 : i32
        %dma_start3A_223 = arith.constant 0 : i32
        %dma_start3A_224 = tpu.memref_slice %arg3[%add3A, %add3A_221, %dma_start3A_222, %dma_start3A_223] : memref<32x80x3x125xi32, #tpu.memory_space<hbm>> -> memref<1x1x3x125xi32, #tpu.memory_space<hbm>>
        %dma_start3A_225 = tpu.memref_squeeze %dma_start3A_224 : memref<1x1x3x125xi32, #tpu.memory_space<hbm>> -> memref<3x125xi32, #tpu.memory_space<hbm>>
        %dma_start3A_226 = arith.constant 0 : i32
        %dma_start3A_227 = arith.constant 0 : i32
        %dma_start3A_228 = tpu.memref_slice %arg3[%add3A, %add3A_221, %dma_start3A_226, %dma_start3A_227] : memref<32x80x3x125xi32, #tpu.memory_space<hbm>> -> memref<1x1x3x125xi32, #tpu.memory_space<hbm>>
        %dma_start3A_229 = tpu.memref_squeeze %dma_start3A_228 : memref<1x1x3x125xi32, #tpu.memory_space<hbm>> -> memref<3x125xi32, #tpu.memory_space<hbm>>
        tpu.enqueue_dma source(%dma_start3A_229 : memref<3x125xi32, #tpu.memory_space<hbm>>) target(%arg10 : memref<3x125xi32, #tpu.memory_space<vmem>>) target_semaphore(%arg18 : memref<!tpu.dma_semaphore, #tpu.memory_space<semaphore_mem>>)
      } else {
      }
      tpu.wait_dma2 semaphore(%arg13 : memref<!tpu.dma_semaphore, #tpu.memory_space<semaphore_mem>>) src(%arg5 : memref<125x128xf32, #tpu.memory_space<hbm>>) dst(%arg7 : memref<125x128xf32, #tpu.memory_space<vmem>>)
      %broadcast_in_dim3A_196 = arith.constant 2 : i32
      %broadcast_in_dim3A_197 = vector.broadcast %broadcast_in_dim3A_196 : i32 to vector<16xi32>
      %parallel_loop3A_198 = arith.constant 0 : i32
      %parallel_loop3A_199 = arith.constant 125 : i32
      %parallel_loop3A_200 = arith.constant 1 : i32
      scf.for %parallel_loop3A_220 = %parallel_loop3A_198 to %parallel_loop3A_199 step %parallel_loop3A_200  : i32 {
        %parallel_loop3A_221 = vector.broadcast %parallel_loop3A_220 : i32 to vector<16xi32>
        %parallel_loop3A_222 = tpu.vector_load_idx %arg11[%broadcast_in_dim3A_197, %parallel_loop3A_221] : memref<3x125xi32, #tpu.memory_space<vmem>>[vector<16xi32>, vector<16xi32>], vector<16xi32>,
        %parallel_loop3A_223 = vector.bitcast %parallel_loop3A_222 : vector<16xi32> to vector<16xf32>
        %parallel_loop3A_224 = arith.index_cast %parallel_loop3A_220 : i32 to index
        %parallel_loop3A_225 = arith.constant 0 : index
        %parallel_loop3A_226 = tpu.vector_load %arg7[%parallel_loop3A_224, %parallel_loop3A_225] {strides = array<i32>} : memref<125x128xf32, #tpu.memory_space<vmem>>, vector<16xf32>,
        %parallel_loop3A_227 = arith.mulf %parallel_loop3A_226, %parallel_loop3A_223 : vector<16xf32>
        %parallel_loop3A_228 = arith.index_cast %parallel_loop3A_220 : i32 to index
        %parallel_loop3A_229 = arith.constant 0 : index
        %parallel_loop3A_230 = tpu.vector_load %arg7[%parallel_loop3A_228, %parallel_loop3A_229] {strides = array<i32>} : memref<125x128xf32, #tpu.memory_space<vmem>>, vector<16xf32>,
        tpu.vector_store %arg7[%parallel_loop3A_228, %parallel_loop3A_229], %parallel_loop3A_227 {strides = array<i32>} : memref<125x128xf32, #tpu.memory_space<vmem>>, vector<16xf32>,
        %parallel_loop3A_231 = arith.index_cast %parallel_loop3A_220 : i32 to index
        %parallel_loop3A_232 = arith.constant 16 : index
        %parallel_loop3A_233 = tpu.vector_load %arg7[%parallel_loop3A_231, %parallel_loop3A_232] {strides = array<i32>} : memref<125x128xf32, #tpu.memory_space<vmem>>, vector<16xf32>,
        %parallel_loop3A_234 = arith.mulf %parallel_loop3A_233, %parallel_loop3A_223 : vector<16xf32>
        %parallel_loop3A_235 = arith.index_cast %parallel_loop3A_220 : i32 to index
        %parallel_loop3A_236 = arith.constant 16 : index
        %parallel_loop3A_237 = tpu.vector_load %arg7[%parallel_loop3A_235, %parallel_loop3A_236] {strides = array<i32>} : memref<125x128xf32, #tpu.memory_space<vmem>>, vector<16xf32>,
        tpu.vector_store %arg7[%parallel_loop3A_235, %parallel_loop3A_236], %parallel_loop3A_234 {strides = array<i32>} : memref<125x128xf32, #tpu.memory_space<vmem>>, vector<16xf32>,
        %parallel_loop3A_238 = arith.index_cast %parallel_loop3A_220 : i32 to index
        %parallel_loop3A_239 = arith.constant 32 : index
        %parallel_loop3A_240 = tpu.vector_load %arg7[%parallel_loop3A_238, %parallel_loop3A_239] {strides = array<i32>} : memref<125x128xf32, #tpu.memory_space<vmem>>, vector<16xf32>,
        %parallel_loop3A_241 = arith.mulf %parallel_loop3A_240, %parallel_loop3A_223 : vector<16xf32>
        %parallel_loop3A_242 = arith.index_cast %parallel_loop3A_220 : i32 to index
        %parallel_loop3A_243 = arith.constant 32 : index
        %parallel_loop3A_244 = tpu.vector_load %arg7[%parallel_loop3A_242, %parallel_loop3A_243] {strides = array<i32>} : memref<125x128xf32, #tpu.memory_space<vmem>>, vector<16xf32>,
        tpu.vector_store %arg7[%parallel_loop3A_242, %parallel_loop3A_243], %parallel_loop3A_241 {strides = array<i32>} : memref<125x128xf32, #tpu.memory_space<vmem>>, vector<16xf32>,
        %parallel_loop3A_245 = arith.index_cast %parallel_loop3A_220 : i32 to index
        %parallel_loop3A_246 = arith.constant 48 : index
        %parallel_loop3A_247 = tpu.vector_load %arg7[%parallel_loop3A_245, %parallel_loop3A_246] {strides = array<i32>} : memref<125x128xf32, #tpu.memory_space<vmem>>, vector<16xf32>,
        %parallel_loop3A_248 = arith.mulf %parallel_loop3A_247, %parallel_loop3A_223 : vector<16xf32>
        %parallel_loop3A_249 = arith.index_cast %parallel_loop3A_220 : i32 to index
        %parallel_loop3A_250 = arith.constant 48 : index
        %parallel_loop3A_251 = tpu.vector_load %arg7[%parallel_loop3A_249, %parallel_loop3A_250] {strides = array<i32>} : memref<125x128xf32, #tpu.memory_space<vmem>>, vector<16xf32>,
        tpu.vector_store %arg7[%parallel_loop3A_249, %parallel_loop3A_250], %parallel_loop3A_248 {strides = array<i32>} : memref<125x128xf32, #tpu.memory_space<vmem>>, vector<16xf32>,
        %parallel_loop3A_252 = arith.index_cast %parallel_loop3A_220 : i32 to index
        %parallel_loop3A_253 = arith.constant 64 : index
        %parallel_loop3A_254 = tpu.vector_load %arg7[%parallel_loop3A_252, %parallel_loop3A_253] {strides = array<i32>} : memref<125x128xf32, #tpu.memory_space<vmem>>, vector<16xf32>,
        %parallel_loop3A_255 = arith.mulf %parallel_loop3A_254, %parallel_loop3A_223 : vector<16xf32>
        %parallel_loop3A_256 = arith.index_cast %parallel_loop3A_220 : i32 to index
        %parallel_loop3A_257 = arith.constant 64 : index
        %parallel_loop3A_258 = tpu.vector_load %arg7[%parallel_loop3A_256, %parallel_loop3A_257] {strides = array<i32>} : memref<125x128xf32, #tpu.memory_space<vmem>>, vector<16xf32>,
        tpu.vector_store %arg7[%parallel_loop3A_256, %parallel_loop3A_257], %parallel_loop3A_255 {strides = array<i32>} : memref<125x128xf32, #tpu.memory_space<vmem>>, vector<16xf32>,
        %parallel_loop3A_259 = arith.index_cast %parallel_loop3A_220 : i32 to index
        %parallel_loop3A_260 = arith.constant 80 : index
        %parallel_loop3A_261 = tpu.vector_load %arg7[%parallel_loop3A_259, %parallel_loop3A_260] {strides = array<i32>} : memref<125x128xf32, #tpu.memory_space<vmem>>, vector<16xf32>,
        %parallel_loop3A_262 = arith.mulf %parallel_loop3A_261, %parallel_loop3A_223 : vector<16xf32>
        %parallel_loop3A_263 = arith.index_cast %parallel_loop3A_220 : i32 to index
        %parallel_loop3A_264 = arith.constant 80 : index
        %parallel_loop3A_265 = tpu.vector_load %arg7[%parallel_loop3A_263, %parallel_loop3A_264] {strides = array<i32>} : memref<125x128xf32, #tpu.memory_space<vmem>>, vector<16xf32>,
        tpu.vector_store %arg7[%parallel_loop3A_263, %parallel_loop3A_264], %parallel_loop3A_262 {strides = array<i32>} : memref<125x128xf32, #tpu.memory_space<vmem>>, vector<16xf32>,
        %parallel_loop3A_266 = arith.index_cast %parallel_loop3A_220 : i32 to index
        %parallel_loop3A_267 = arith.constant 96 : index
        %parallel_loop3A_268 = tpu.vector_load %arg7[%parallel_loop3A_266, %parallel_loop3A_267] {strides = array<i32>} : memref<125x128xf32, #tpu.memory_space<vmem>>, vector<16xf32>,
        %parallel_loop3A_269 = arith.mulf %parallel_loop3A_268, %parallel_loop3A_223 : vector<16xf32>
        %parallel_loop3A_270 = arith.index_cast %parallel_loop3A_220 : i32 to index
        %parallel_loop3A_271 = arith.constant 96 : index
        %parallel_loop3A_272 = tpu.vector_load %arg7[%parallel_loop3A_270, %parallel_loop3A_271] {strides = array<i32>} : memref<125x128xf32, #tpu.memory_space<vmem>>, vector<16xf32>,
        tpu.vector_store %arg7[%parallel_loop3A_270, %parallel_loop3A_271], %parallel_loop3A_269 {strides = array<i32>} : memref<125x128xf32, #tpu.memory_space<vmem>>, vector<16xf32>,
        %parallel_loop3A_273 = arith.index_cast %parallel_loop3A_220 : i32 to index
        %parallel_loop3A_274 = arith.constant 112 : index
        %parallel_loop3A_275 = tpu.vector_load %arg7[%parallel_loop3A_273, %parallel_loop3A_274] {strides = array<i32>} : memref<125x128xf32, #tpu.memory_space<vmem>>, vector<16xf32>,
        %parallel_loop3A_276 = arith.mulf %parallel_loop3A_275, %parallel_loop3A_223 : vector<16xf32>
        %parallel_loop3A_277 = arith.index_cast %parallel_loop3A_220 : i32 to index
        %parallel_loop3A_278 = arith.constant 112 : index
        %parallel_loop3A_279 = tpu.vector_load %arg7[%parallel_loop3A_277, %parallel_loop3A_278] {strides = array<i32>} : memref<125x128xf32, #tpu.memory_space<vmem>>, vector<16xf32>,
        tpu.vector_store %arg7[%parallel_loop3A_277, %parallel_loop3A_278], %parallel_loop3A_276 {strides = array<i32>} : memref<125x128xf32, #tpu.memory_space<vmem>>, vector<16xf32>,
      } {sc.loop_unroll_factor = 1 : i64, sc.parallel_access}
      %dma_start3A_201 = arith.constant 1 : i32
      %dma_start3A_202 = arith.constant 0 : i32
      %dma_start3A_203 = tpu.memref_slice %arg11[%dma_start3A_201, %dma_start3A_202] : memref<3x125xi32, #tpu.memory_space<vmem>> -> memref<1x125xi32, #tpu.memory_space<vmem>>
      %dma_start3A_204 = tpu.memref_squeeze %dma_start3A_203 : memref<1x125xi32, #tpu.memory_space<vmem>> -> memref<125xi32, #tpu.memory_space<vmem>>
      %dma_start3A_205 = arith.constant 0 : i32
      %dma_start3A_206 = arith.constant 0 : i32
      %dma_start3A_207 = tpu.memref_slice %arg21[%dma_start3A_205, %dma_start3A_206] : memref<10000x128xf32, #tpu.memory_space<vmem_shared>> -> memref<10000x128xf32, #tpu.memory_space<vmem_shared>>
      tpu.enqueue_indirect_dma source(%arg7 : memref<125x128xf32, #tpu.memory_space<vmem>>) target(%dma_start3A_207 : memref<10000x128xf32, #tpu.memory_space<vmem_shared>>) offsets(%dma_start3A_204 : memref<125xi32, #tpu.memory_space<vmem>>) semaphore(%arg15 : memref<!tpu.dma_semaphore, #tpu.memory_space<semaphore_mem>>) {add = true}
      tpu.wait_dma2 semaphore(%arg14 : memref<!tpu.dma_semaphore, #tpu.memory_space<semaphore_mem>>) src(%arg5 : memref<125x128xf32, #tpu.memory_space<hbm>>) dst(%arg7 : memref<125x128xf32, #tpu.memory_space<vmem>>)
      %broadcast_in_dim3A_208 = arith.constant 2 : i32
      %broadcast_in_dim3A_209 = vector.broadcast %broadcast_in_dim3A_208 : i32 to vector<16xi32>
      %parallel_loop3A_210 = arith.constant 0 : i32
      %parallel_loop3A_211 = arith.constant 125 : i32
      %parallel_loop3A_212 = arith.constant 1 : i32
      scf.for %parallel_loop3A_220 = %parallel_loop3A_210 to %parallel_loop3A_211 step %parallel_loop3A_212  : i32 {
        %parallel_loop3A_221 = vector.broadcast %parallel_loop3A_220 : i32 to vector<16xi32>
        %parallel_loop3A_222 = tpu.vector_load_idx %arg12[%broadcast_in_dim3A_209, %parallel_loop3A_221] : memref<3x125xi32, #tpu.memory_space<vmem>>[vector<16xi32>, vector<16xi32>], vector<16xi32>,
        %parallel_loop3A_223 = vector.bitcast %parallel_loop3A_222 : vector<16xi32> to vector<16xf32>
        %parallel_loop3A_224 = arith.index_cast %parallel_loop3A_220 : i32 to index
        %parallel_loop3A_225 = arith.constant 0 : index
        %parallel_loop3A_226 = tpu.vector_load %arg8[%parallel_loop3A_224, %parallel_loop3A_225] {strides = array<i32>} : memref<125x128xf32, #tpu.memory_space<vmem>>, vector<16xf32>,
        %parallel_loop3A_227 = arith.mulf %parallel_loop3A_226, %parallel_loop3A_223 : vector<16xf32>
        %parallel_loop3A_228 = arith.index_cast %parallel_loop3A_220 : i32 to index
        %parallel_loop3A_229 = arith.constant 0 : index
        %parallel_loop3A_230 = tpu.vector_load %arg8[%parallel_loop3A_228, %parallel_loop3A_229] {strides = array<i32>} : memref<125x128xf32, #tpu.memory_space<vmem>>, vector<16xf32>,
        tpu.vector_store %arg8[%parallel_loop3A_228, %parallel_loop3A_229], %parallel_loop3A_227 {strides = array<i32>} : memref<125x128xf32, #tpu.memory_space<vmem>>, vector<16xf32>,
        %parallel_loop3A_231 = arith.index_cast %parallel_loop3A_220 : i32 to index
        %parallel_loop3A_232 = arith.constant 16 : index
        %parallel_loop3A_233 = tpu.vector_load %arg8[%parallel_loop3A_231, %parallel_loop3A_232] {strides = array<i32>} : memref<125x128xf32, #tpu.memory_space<vmem>>, vector<16xf32>,
        %parallel_loop3A_234 = arith.mulf %parallel_loop3A_233, %parallel_loop3A_223 : vector<16xf32>
        %parallel_loop3A_235 = arith.index_cast %parallel_loop3A_220 : i32 to index
        %parallel_loop3A_236 = arith.constant 16 : index
        %parallel_loop3A_237 = tpu.vector_load %arg8[%parallel_loop3A_235, %parallel_loop3A_236] {strides = array<i32>} : memref<125x128xf32, #tpu.memory_space<vmem>>, vector<16xf32>,
        tpu.vector_store %arg8[%parallel_loop3A_235, %parallel_loop3A_236], %parallel_loop3A_234 {strides = array<i32>} : memref<125x128xf32, #tpu.memory_space<vmem>>, vector<16xf32>,
        %parallel_loop3A_238 = arith.index_cast %parallel_loop3A_220 : i32 to index
        %parallel_loop3A_239 = arith.constant 32 : index
        %parallel_loop3A_240 = tpu.vector_load %arg8[%parallel_loop3A_238, %parallel_loop3A_239] {strides = array<i32>} : memref<125x128xf32, #tpu.memory_space<vmem>>, vector<16xf32>,
        %parallel_loop3A_241 = arith.mulf %parallel_loop3A_240, %parallel_loop3A_223 : vector<16xf32>
        %parallel_loop3A_242 = arith.index_cast %parallel_loop3A_220 : i32 to index
        %parallel_loop3A_243 = arith.constant 32 : index
        %parallel_loop3A_244 = tpu.vector_load %arg8[%parallel_loop3A_242, %parallel_loop3A_243] {strides = array<i32>} : memref<125x128xf32, #tpu.memory_space<vmem>>, vector<16xf32>,
        tpu.vector_store %arg8[%parallel_loop3A_242, %parallel_loop3A_243], %parallel_loop3A_241 {strides = array<i32>} : memref<125x128xf32, #tpu.memory_space<vmem>>, vector<16xf32>,
        %parallel_loop3A_245 = arith.index_cast %parallel_loop3A_220 : i32 to index
        %parallel_loop3A_246 = arith.constant 48 : index
        %parallel_loop3A_247 = tpu.vector_load %arg8[%parallel_loop3A_245, %parallel_loop3A_246] {strides = array<i32>} : memref<125x128xf32, #tpu.memory_space<vmem>>, vector<16xf32>,
        %parallel_loop3A_248 = arith.mulf %parallel_loop3A_247, %parallel_loop3A_223 : vector<16xf32>
        %parallel_loop3A_249 = arith.index_cast %parallel_loop3A_220 : i32 to index
        %parallel_loop3A_250 = arith.constant 48 : index
        %parallel_loop3A_251 = tpu.vector_load %arg8[%parallel_loop3A_249, %parallel_loop3A_250] {strides = array<i32>} : memref<125x128xf32, #tpu.memory_space<vmem>>, vector<16xf32>,
        tpu.vector_store %arg8[%parallel_loop3A_249, %parallel_loop3A_250], %parallel_loop3A_248 {strides = array<i32>} : memref<125x128xf32, #tpu.memory_space<vmem>>, vector<16xf32>,
        %parallel_loop3A_252 = arith.index_cast %parallel_loop3A_220 : i32 to index
        %parallel_loop3A_253 = arith.constant 64 : index
        %parallel_loop3A_254 = tpu.vector_load %arg8[%parallel_loop3A_252, %parallel_loop3A_253] {strides = array<i32>} : memref<125x128xf32, #tpu.memory_space<vmem>>, vector<16xf32>,
        %parallel_loop3A_255 = arith.mulf %parallel_loop3A_254, %parallel_loop3A_223 : vector<16xf32>
        %parallel_loop3A_256 = arith.index_cast %parallel_loop3A_220 : i32 to index
        %parallel_loop3A_257 = arith.constant 64 : index
        %parallel_loop3A_258 = tpu.vector_load %arg8[%parallel_loop3A_256, %parallel_loop3A_257] {strides = array<i32>} : memref<125x128xf32, #tpu.memory_space<vmem>>, vector<16xf32>,
        tpu.vector_store %arg8[%parallel_loop3A_256, %parallel_loop3A_257], %parallel_loop3A_255 {strides = array<i32>} : memref<125x128xf32, #tpu.memory_space<vmem>>, vector<16xf32>,
        %parallel_loop3A_259 = arith.index_cast %parallel_loop3A_220 : i32 to index
        %parallel_loop3A_260 = arith.constant 80 : index
        %parallel_loop3A_261 = tpu.vector_load %arg8[%parallel_loop3A_259, %parallel_loop3A_260] {strides = array<i32>} : memref<125x128xf32, #tpu.memory_space<vmem>>, vector<16xf32>,
        %parallel_loop3A_262 = arith.mulf %parallel_loop3A_261, %parallel_loop3A_223 : vector<16xf32>
        %parallel_loop3A_263 = arith.index_cast %parallel_loop3A_220 : i32 to index
        %parallel_loop3A_264 = arith.constant 80 : index
        %parallel_loop3A_265 = tpu.vector_load %arg8[%parallel_loop3A_263, %parallel_loop3A_264] {strides = array<i32>} : memref<125x128xf32, #tpu.memory_space<vmem>>, vector<16xf32>,
        tpu.vector_store %arg8[%parallel_loop3A_263, %parallel_loop3A_264], %parallel_loop3A_262 {strides = array<i32>} : memref<125x128xf32, #tpu.memory_space<vmem>>, vector<16xf32>,
        %parallel_loop3A_266 = arith.index_cast %parallel_loop3A_220 : i32 to index
        %parallel_loop3A_267 = arith.constant 96 : index
        %parallel_loop3A_268 = tpu.vector_load %arg8[%parallel_loop3A_266, %parallel_loop3A_267] {strides = array<i32>} : memref<125x128xf32, #tpu.memory_space<vmem>>, vector<16xf32>,
        %parallel_loop3A_269 = arith.mulf %parallel_loop3A_268, %parallel_loop3A_223 : vector<16xf32>
        %parallel_loop3A_270 = arith.index_cast %parallel_loop3A_220 : i32 to index
        %parallel_loop3A_271 = arith.constant 96 : index
        %parallel_loop3A_272 = tpu.vector_load %arg8[%parallel_loop3A_270, %parallel_loop3A_271] {strides = array<i32>} : memref<125x128xf32, #tpu.memory_space<vmem>>, vector<16xf32>,
        tpu.vector_store %arg8[%parallel_loop3A_270, %parallel_loop3A_271], %parallel_loop3A_269 {strides = array<i32>} : memref<125x128xf32, #tpu.memory_space<vmem>>, vector<16xf32>,
        %parallel_loop3A_273 = arith.index_cast %parallel_loop3A_220 : i32 to index
        %parallel_loop3A_274 = arith.constant 112 : index
        %parallel_loop3A_275 = tpu.vector_load %arg8[%parallel_loop3A_273, %parallel_loop3A_274] {strides = array<i32>} : memref<125x128xf32, #tpu.memory_space<vmem>>, vector<16xf32>,
        %parallel_loop3A_276 = arith.mulf %parallel_loop3A_275, %parallel_loop3A_223 : vector<16xf32>
        %parallel_loop3A_277 = arith.index_cast %parallel_loop3A_220 : i32 to index
        %parallel_loop3A_278 = arith.constant 112 : index
        %parallel_loop3A_279 = tpu.vector_load %arg8[%parallel_loop3A_277, %parallel_loop3A_278] {strides = array<i32>} : memref<125x128xf32, #tpu.memory_space<vmem>>, vector<16xf32>,
        tpu.vector_store %arg8[%parallel_loop3A_277, %parallel_loop3A_278], %parallel_loop3A_276 {strides = array<i32>} : memref<125x128xf32, #tpu.memory_space<vmem>>, vector<16xf32>,
      } {sc.loop_unroll_factor = 1 : i64, sc.parallel_access}
      %dma_start3A_213 = arith.constant 1 : i32
      %dma_start3A_214 = arith.constant 0 : i32
      %dma_start3A_215 = tpu.memref_slice %arg12[%dma_start3A_213, %dma_start3A_214] : memref<3x125xi32, #tpu.memory_space<vmem>> -> memref<1x125xi32, #tpu.memory_space<vmem>>
      %dma_start3A_216 = tpu.memref_squeeze %dma_start3A_215 : memref<1x125xi32, #tpu.memory_space<vmem>> -> memref<125xi32, #tpu.memory_space<vmem>>
      %dma_start3A_217 = arith.constant 0 : i32
      %dma_start3A_218 = arith.constant 0 : i32
      %dma_start3A_219 = tpu.memref_slice %arg21[%dma_start3A_217, %dma_start3A_218] : memref<10000x128xf32, #tpu.memory_space<vmem_shared>> -> memref<10000x128xf32, #tpu.memory_space<vmem_shared>>
      tpu.enqueue_indirect_dma source(%arg8 : memref<125x128xf32, #tpu.memory_space<vmem>>) target(%dma_start3A_219 : memref<10000x128xf32, #tpu.memory_space<vmem_shared>>) offsets(%dma_start3A_216 : memref<125xi32, #tpu.memory_space<vmem>>) semaphore(%arg16 : memref<!tpu.dma_semaphore, #tpu.memory_space<semaphore_mem>>) {add = true}
    }
    %scan3A_29 = arith.constant 20 : i32
    tpu.wait_dma2 semaphore(%arg15 : memref<!tpu.dma_semaphore, #tpu.memory_space<semaphore_mem>>) src(%arg5 : memref<125x128xf32, #tpu.memory_space<hbm>>) dst(%arg7 : memref<125x128xf32, #tpu.memory_space<vmem>>)
    tpu.wait_dma2 semaphore(%arg16 : memref<!tpu.dma_semaphore, #tpu.memory_space<semaphore_mem>>) src(%arg5 : memref<125x128xf32, #tpu.memory_space<hbm>>) dst(%arg7 : memref<125x128xf32, #tpu.memory_space<vmem>>)
    %barrier3A_30 = arith.constant 0 : index
    tpu.barrier barrier_id(%barrier3A_30)
    %lt3A_31 = arith.constant 15 : i32
    %lt3A_32 = arith.cmpi slt, %arg1, %lt3A_31 : i32
    %convert_element_type3A_33 = arith.extui %lt3A_32 : i1 to i32
    %cond3A_34 = arith.constant 0 : i32
    %cond3A_35 = arith.cmpi ne, %convert_element_type3A_33, %cond3A_34 : i32
    scf.if %cond3A_35 {
      "tpu.region"() ({
        %run_scoped3A = tpu.sem_alloc : memref<!tpu.dma_semaphore, #tpu.memory_space<semaphore_mem>>
        %dma_start3A_41 = arith.constant 0 : i32
        %dma_start3A_42 = arith.constant 0 : i32
        %dma_start3A_43 = tpu.memref_slice %arg6[%arg0, %dma_start3A_41, %dma_start3A_42] : memref<2x10000x128xf32, #tpu.memory_space<hbm>> -> memref<1x10000x128xf32, #tpu.memory_space<hbm>>
        %dma_start3A_44 = tpu.memref_squeeze %dma_start3A_43 : memref<1x10000x128xf32, #tpu.memory_space<hbm>> -> memref<10000x128xf32, #tpu.memory_space<hbm>>
        %dma_start3A_45 = arith.constant 0 : i32
        %dma_start3A_46 = tpu.memref_slice %dma_start3A_44[%multiple_of3A, %dma_start3A_45] : memref<10000x128xf32, #tpu.memory_space<hbm>> -> memref<624x128xf32, #tpu.memory_space<hbm>>
        %dma_start3A_47 = arith.constant 0 : i32
        %dma_start3A_48 = tpu.memref_slice %arg21[%multiple_of3A, %dma_start3A_47] : memref<10000x128xf32, #tpu.memory_space<vmem_shared>> -> memref<624x128xf32, #tpu.memory_space<vmem_shared>>
        tpu.enqueue_dma source(%dma_start3A_48 : memref<624x128xf32, #tpu.memory_space<vmem_shared>>) target(%dma_start3A_46 : memref<624x128xf32, #tpu.memory_space<hbm>>) target_semaphore(%run_scoped3A : memref<!tpu.dma_semaphore, #tpu.memory_space<semaphore_mem>>)
        %dma_wait3A = arith.constant 0 : i32
        %dma_wait3A_49 = arith.constant 0 : i32
        %dma_wait3A_50 = tpu.memref_slice %arg6[%arg0, %dma_wait3A, %dma_wait3A_49] : memref<2x10000x128xf32, #tpu.memory_space<hbm>> -> memref<1x10000x128xf32, #tpu.memory_space<hbm>>
        %dma_wait3A_51 = tpu.memref_squeeze %dma_wait3A_50 : memref<1x10000x128xf32, #tpu.memory_space<hbm>> -> memref<10000x128xf32, #tpu.memory_space<hbm>>
        %dma_wait3A_52 = arith.constant 0 : i32
        %dma_wait3A_53 = tpu.memref_slice %dma_wait3A_51[%multiple_of3A, %dma_wait3A_52] : memref<10000x128xf32, #tpu.memory_space<hbm>> -> memref<624x128xf32, #tpu.memory_space<hbm>>
        %dma_wait3A_54 = arith.constant 0 : i32
        %dma_wait3A_55 = tpu.memref_slice %arg21[%multiple_of3A, %dma_wait3A_54] : memref<10000x128xf32, #tpu.memory_space<vmem_shared>> -> memref<624x128xf32, #tpu.memory_space<vmem_shared>>
        tpu.wait_dma2 semaphore(%run_scoped3A : memref<!tpu.dma_semaphore, #tpu.memory_space<semaphore_mem>>) src(%dma_wait3A_55 : memref<624x128xf32, #tpu.memory_space<vmem_shared>>) dst(%dma_wait3A_53 : memref<624x128xf32, #tpu.memory_space<hbm>>)
        tpu.yield
      }) : () -> ()
    } else {
    }
    %eq3A_36 = arith.constant 15 : i32
    %eq3A_37 = arith.cmpi eq, %arg1, %eq3A_36 : i32
    %convert_element_type3A_38 = arith.extui %eq3A_37 : i1 to i32
    %cond3A_39 = arith.constant 0 : i32
    %cond3A_40 = arith.cmpi ne, %convert_element_type3A_38, %cond3A_39 : i32
    scf.if %cond3A_40 {
      "tpu.region"() ({
        %run_scoped3A = tpu.sem_alloc : memref<!tpu.dma_semaphore, #tpu.memory_space<semaphore_mem>>
        %dma_start3A_41 = arith.constant 0 : i32
        %dma_start3A_42 = arith.constant 0 : i32
        %dma_start3A_43 = tpu.memref_slice %arg6[%arg0, %dma_start3A_41, %dma_start3A_42] : memref<2x10000x128xf32, #tpu.memory_space<hbm>> -> memref<1x10000x128xf32, #tpu.memory_space<hbm>>
        %dma_start3A_44 = tpu.memref_squeeze %dma_start3A_43 : memref<1x10000x128xf32, #tpu.memory_space<hbm>> -> memref<10000x128xf32, #tpu.memory_space<hbm>>
        %dma_start3A_45 = arith.constant 0 : i32
        %dma_start3A_46 = tpu.memref_slice %dma_start3A_44[%multiple_of3A, %dma_start3A_45] : memref<10000x128xf32, #tpu.memory_space<hbm>> -> memref<640x128xf32, #tpu.memory_space<hbm>>
        %dma_start3A_47 = arith.constant 0 : i32
        %dma_start3A_48 = tpu.memref_slice %arg21[%multiple_of3A, %dma_start3A_47] : memref<10000x128xf32, #tpu.memory_space<vmem_shared>> -> memref<640x128xf32, #tpu.memory_space<vmem_shared>>
        tpu.enqueue_dma source(%dma_start3A_48 : memref<640x128xf32, #tpu.memory_space<vmem_shared>>) target(%dma_start3A_46 : memref<640x128xf32, #tpu.memory_space<hbm>>) target_semaphore(%run_scoped3A : memref<!tpu.dma_semaphore, #tpu.memory_space<semaphore_mem>>)
        %dma_wait3A = arith.constant 0 : i32
        %dma_wait3A_49 = arith.constant 0 : i32
        %dma_wait3A_50 = tpu.memref_slice %arg6[%arg0, %dma_wait3A, %dma_wait3A_49] : memref<2x10000x128xf32, #tpu.memory_space<hbm>> -> memref<1x10000x128xf32, #tpu.memory_space<hbm>>
        %dma_wait3A_51 = tpu.memref_squeeze %dma_wait3A_50 : memref<1x10000x128xf32, #tpu.memory_space<hbm>> -> memref<10000x128xf32, #tpu.memory_space<hbm>>
        %dma_wait3A_52 = arith.constant 0 : i32
        %dma_wait3A_53 = tpu.memref_slice %dma_wait3A_51[%multiple_of3A, %dma_wait3A_52] : memref<10000x128xf32, #tpu.memory_space<hbm>> -> memref<640x128xf32, #tpu.memory_space<hbm>>
        %dma_wait3A_54 = arith.constant 0 : i32
        %dma_wait3A_55 = tpu.memref_slice %arg21[%multiple_of3A, %dma_wait3A_54] : memref<10000x128xf32, #tpu.memory_space<vmem_shared>> -> memref<640x128xf32, #tpu.memory_space<vmem_shared>>
        tpu.wait_dma2 semaphore(%run_scoped3A : memref<!tpu.dma_semaphore, #tpu.memory_space<semaphore_mem>>) src(%dma_wait3A_55 : memref<640x128xf32, #tpu.memory_space<vmem_shared>>) dst(%dma_wait3A_53 : memref<640x128xf32, #tpu.memory_space<hbm>>)
        tpu.yield
      }) : () -> ()
    } else {
    }
    return
  }
}

#map = affine_map<(d0, d1) -> (0, 0)>
#map1 = affine_map<(d0, d1) -> (0, 0, 0, 0)>
#map2 = affine_map<(d0, d1) -> (0, 0, 0)>
module attributes {stable_mosaic.version = 14 : i64} {
  func.func @agg_kernel(%arg0: i32, %arg1: i32, %arg2: memref<10000x128xf32, #tpu.memory_space<hbm>>, %arg3: memref<32x80x3x125xi32, #tpu.memory_space<hbm>>, %arg4: memref<10000x128xf32, #tpu.memory_space<hbm>>, %arg5: memref<125x128xf32, #tpu.memory_space<hbm>>, %arg6: memref<2x10000x128xf32, #tpu.memory_space<hbm>>, %arg7: memref<125x128xf32, #tpu.memory_space<vmem>>, %arg8: memref<125x128xf32, #tpu.memory_space<vmem>>, %arg9: memref<3x125xi32, #tpu.memory_space<vmem>>, %arg10: memref<3x125xi32, #tpu.memory_space<vmem>>, %arg11: memref<3x125xi32, #tpu.memory_space<vmem>>, %arg12: memref<3x125xi32, #tpu.memory_space<vmem>>, %arg13: memref<!tpu.dma_semaphore, #tpu.memory_space<semaphore_mem>>, %arg14: memref<!tpu.dma_semaphore, #tpu.memory_space<semaphore_mem>>, %arg15: memref<!tpu.dma_semaphore, #tpu.memory_space<semaphore_mem>>, %arg16: memref<!tpu.dma_semaphore, #tpu.memory_space<semaphore_mem>>, %arg17: memref<!tpu.dma_semaphore, #tpu.memory_space<semaphore_mem>>, %arg18: memref<!tpu.dma_semaphore, #tpu.memory_space<semaphore_mem>>, %arg19: memref<!tpu.dma_semaphore, #tpu.memory_space<semaphore_mem>>, %arg20: memref<!tpu.dma_semaphore, #tpu.memory_space<semaphore_mem>>, %arg21: memref<10000x128xf32, #tpu.memory_space<vmem_shared>>) attributes {dimension_semantics = [#tpu.dimension_semantics<core_parallel>, #tpu.dimension_semantics<subcore_parallel>], iteration_bounds = array<i64: 2, 16>, scalar_prefetch = 0 : i64, scratch_operands = 15 : i64, tpu.core_type = #tpu.core_type<sc_vector_subcore>, window_params = [{transform_indices = #map}, {transform_indices = #map1}, {transform_indices = #map}, {transform_indices = #map}, {transform_indices = #map2}]} {
    %mul3A = arith.constant 2 : i32
    %mul3A_0 = arith.muli %arg1, %mul3A : i32
    %add3A = arith.addi %mul3A_0, %arg0 : i32
    %dma_start3A = arith.constant 0 : i32
    %dma_start3A_1 = arith.constant 0 : i32
    %dma_start3A_2 = arith.constant 0 : i32
    %dma_start3A_3 = tpu.memref_slice %arg3[%add3A, %dma_start3A, %dma_start3A_1, %dma_start3A_2] : memref<32x80x3x125xi32, #tpu.memory_space<hbm>> -> memref<1x1x3x125xi32, #tpu.memory_space<hbm>>
    %dma_start3A_4 = tpu.memref_squeeze %dma_start3A_3 : memref<1x1x3x125xi32, #tpu.memory_space<hbm>> -> memref<3x125xi32, #tpu.memory_space<hbm>>
    %dma_start3A_5 = arith.constant 0 : i32
    %dma_start3A_6 = arith.constant 0 : i32
    %dma_start3A_7 = tpu.memref_slice %arg3[%add3A, %dma_start3A, %dma_start3A_5, %dma_start3A_6] : memref<32x80x3x125xi32, #tpu.memory_space<hbm>> -> memref<1x1x3x125xi32, #tpu.memory_space<hbm>>
    %dma_start3A_8 = tpu.memref_squeeze %dma_start3A_7 : memref<1x1x3x125xi32, #tpu.memory_space<hbm>> -> memref<3x125xi32, #tpu.memory_space<hbm>>
    tpu.enqueue_dma source(%dma_start3A_8 : memref<3x125xi32, #tpu.memory_space<hbm>>) target(%arg9 : memref<3x125xi32, #tpu.memory_space<vmem>>) target_semaphore(%arg17 : memref<!tpu.dma_semaphore, #tpu.memory_space<semaphore_mem>>)
    %dma_start3A_9 = arith.constant 1 : i32
    %dma_start3A_10 = arith.constant 0 : i32
    %dma_start3A_11 = arith.constant 0 : i32
    %dma_start3A_12 = tpu.memref_slice %arg3[%add3A, %dma_start3A_9, %dma_start3A_10, %dma_start3A_11] : memref<32x80x3x125xi32, #tpu.memory_space<hbm>> -> memref<1x1x3x125xi32, #tpu.memory_space<hbm>>
    %dma_start3A_13 = tpu.memref_squeeze %dma_start3A_12 : memref<1x1x3x125xi32, #tpu.memory_space<hbm>> -> memref<3x125xi32, #tpu.memory_space<hbm>>
    %dma_start3A_14 = arith.constant 0 : i32
    %dma_start3A_15 = arith.constant 0 : i32
    %dma_start3A_16 = tpu.memref_slice %arg3[%add3A, %dma_start3A_9, %dma_start3A_14, %dma_start3A_15] : memref<32x80x3x125xi32, #tpu.memory_space<hbm>> -> memref<1x1x3x125xi32, #tpu.memory_space<hbm>>
    %dma_start3A_17 = tpu.memref_squeeze %dma_start3A_16 : memref<1x1x3x125xi32, #tpu.memory_space<hbm>> -> memref<3x125xi32, #tpu.memory_space<hbm>>
    tpu.enqueue_dma source(%dma_start3A_17 : memref<3x125xi32, #tpu.memory_space<hbm>>) target(%arg10 : memref<3x125xi32, #tpu.memory_space<vmem>>) target_semaphore(%arg18 : memref<!tpu.dma_semaphore, #tpu.memory_space<semaphore_mem>>)
    %mul3A_18 = arith.constant 624 : i32
    %mul3A_19 = arith.muli %arg1, %mul3A_18 : i32
    %multiple_of3A = tpu.assume_multiple %mul3A_19, 8 : i32
    %lt3A = arith.constant 15 : i32
    %lt3A_20 = arith.cmpi slt, %arg1, %lt3A : i32
    %convert_element_type3A = arith.extui %lt3A_20 : i1 to i32
    %cond3A = arith.constant 0 : i32
    %cond3A_21 = arith.cmpi ne, %convert_element_type3A, %cond3A : i32
    scf.if %cond3A_21 {
      "tpu.region"() ({
        %run_scoped3A = tpu.sem_alloc : memref<!tpu.dma_semaphore, #tpu.memory_space<semaphore_mem>>
        %dma_start3A_41 = arith.constant 0 : i32
        %dma_start3A_42 = tpu.memref_slice %arg21[%multiple_of3A, %dma_start3A_41] : memref<10000x128xf32, #tpu.memory_space<vmem_shared>> -> memref<624x128xf32, #tpu.memory_space<vmem_shared>>
        %dma_start3A_43 = arith.constant 0 : i32
        %dma_start3A_44 = tpu.memref_slice %arg4[%multiple_of3A, %dma_start3A_43] : memref<10000x128xf32, #tpu.memory_space<hbm>> -> memref<624x128xf32, #tpu.memory_space<hbm>>
        tpu.enqueue_dma source(%dma_start3A_44 : memref<624x128xf32, #tpu.memory_space<hbm>>) target(%dma_start3A_42 : memref<624x128xf32, #tpu.memory_space<vmem_shared>>) target_semaphore(%run_scoped3A : memref<!tpu.dma_semaphore, #tpu.memory_space<semaphore_mem>>)
        %dma_wait3A = arith.constant 0 : i32
        %dma_wait3A_45 = tpu.memref_slice %arg21[%multiple_of3A, %dma_wait3A] : memref<10000x128xf32, #tpu.memory_space<vmem_shared>> -> memref<624x128xf32, #tpu.memory_space<vmem_shared>>
        %dma_wait3A_46 = arith.constant 0 : i32
        %dma_wait3A_47 = tpu.memref_slice %arg4[%multiple_of3A, %dma_wait3A_46] : memref<10000x128xf32, #tpu.memory_space<hbm>> -> memref<624x128xf32, #tpu.memory_space<hbm>>
        tpu.wait_dma2 semaphore(%run_scoped3A : memref<!tpu.dma_semaphore, #tpu.memory_space<semaphore_mem>>) src(%dma_wait3A_47 : memref<624x128xf32, #tpu.memory_space<hbm>>) dst(%dma_wait3A_45 : memref<624x128xf32, #tpu.memory_space<vmem_shared>>)
        tpu.yield
      }) : () -> ()
    } else {
    }
    %eq3A = arith.constant 15 : i32
    %eq3A_22 = arith.cmpi eq, %arg1, %eq3A : i32
    %convert_element_type3A_23 = arith.extui %eq3A_22 : i1 to i32
    %cond3A_24 = arith.constant 0 : i32
    %cond3A_25 = arith.cmpi ne, %convert_element_type3A_23, %cond3A_24 : i32
    scf.if %cond3A_25 {
      "tpu.region"() ({
        %run_scoped3A = tpu.sem_alloc : memref<!tpu.dma_semaphore, #tpu.memory_space<semaphore_mem>>
        %dma_start3A_41 = arith.constant 0 : i32
        %dma_start3A_42 = tpu.memref_slice %arg21[%multiple_of3A, %dma_start3A_41] : memref<10000x128xf32, #tpu.memory_space<vmem_shared>> -> memref<640x128xf32, #tpu.memory_space<vmem_shared>>
        %dma_start3A_43 = arith.constant 0 : i32
        %dma_start3A_44 = tpu.memref_slice %arg4[%multiple_of3A, %dma_start3A_43] : memref<10000x128xf32, #tpu.memory_space<hbm>> -> memref<640x128xf32, #tpu.memory_space<hbm>>
        tpu.enqueue_dma source(%dma_start3A_44 : memref<640x128xf32, #tpu.memory_space<hbm>>) target(%dma_start3A_42 : memref<640x128xf32, #tpu.memory_space<vmem_shared>>) target_semaphore(%run_scoped3A : memref<!tpu.dma_semaphore, #tpu.memory_space<semaphore_mem>>)
        %dma_wait3A = arith.constant 0 : i32
        %dma_wait3A_45 = tpu.memref_slice %arg21[%multiple_of3A, %dma_wait3A] : memref<10000x128xf32, #tpu.memory_space<vmem_shared>> -> memref<640x128xf32, #tpu.memory_space<vmem_shared>>
        %dma_wait3A_46 = arith.constant 0 : i32
        %dma_wait3A_47 = tpu.memref_slice %arg4[%multiple_of3A, %dma_wait3A_46] : memref<10000x128xf32, #tpu.memory_space<hbm>> -> memref<640x128xf32, #tpu.memory_space<hbm>>
        tpu.wait_dma2 semaphore(%run_scoped3A : memref<!tpu.dma_semaphore, #tpu.memory_space<semaphore_mem>>) src(%dma_wait3A_47 : memref<640x128xf32, #tpu.memory_space<hbm>>) dst(%dma_wait3A_45 : memref<640x128xf32, #tpu.memory_space<vmem_shared>>)
        tpu.yield
      }) : () -> ()
    } else {
    }
    %barrier3A = arith.constant 0 : index
    tpu.barrier barrier_id(%barrier3A)
    %scan3A = arith.constant 0 : i32
    %scan3A_26 = arith.constant 20 : i32
    %scan3A_27 = arith.addi %scan3A, %scan3A_26 : i32
    %scan3A_28 = arith.constant 1 : i32
    scf.for %scan3A_41 = %scan3A to %scan3A_27 step %scan3A_28  : i32 {
      %mul3A_42 = arith.constant 1 : i32
      %mul3A_43 = arith.muli %scan3A_41, %mul3A_42 : i32
      %add3A_44 = arith.constant 0 : i32
      %add3A_45 = arith.addi %add3A_44, %mul3A_43 : i32
      %mul3A_46 = arith.constant 2 : i32
      %mul3A_47 = arith.muli %mul3A_46, %add3A_45 : i32
      %mul3A_48 = arith.constant 2 : i32
      %mul3A_49 = arith.muli %mul3A_47, %mul3A_48 : i32
      %add3A_50 = arith.constant 0 : i32
      %add3A_51 = arith.addi %mul3A_49, %add3A_50 : i32
      %gt3A = arith.constant 0 : i32
      %gt3A_52 = arith.cmpi sgt, %mul3A_47, %gt3A : i32
      %convert_element_type3A_53 = arith.extui %gt3A_52 : i1 to i32
      %cond3A_54 = arith.constant 0 : i32
      %cond3A_55 = arith.cmpi ne, %convert_element_type3A_53, %cond3A_54 : i32
      scf.if %cond3A_55 {
        tpu.wait_dma2 semaphore(%arg15 : memref<!tpu.dma_semaphore, #tpu.memory_space<semaphore_mem>>) src(%arg5 : memref<125x128xf32, #tpu.memory_space<hbm>>) dst(%arg7 : memref<125x128xf32, #tpu.memory_space<vmem>>)
      } else {
      }
      %dma_wait3A = arith.constant 0 : i32
      %dma_wait3A_56 = arith.constant 0 : i32
      %dma_wait3A_57 = arith.constant 0 : i32
      %dma_wait3A_58 = arith.constant 0 : i32
      %dma_wait3A_59 = tpu.memref_slice %arg3[%dma_wait3A, %dma_wait3A_56, %dma_wait3A_57, %dma_wait3A_58] : memref<32x80x3x125xi32, #tpu.memory_space<hbm>> -> memref<1x1x3x125xi32, #tpu.memory_space<hbm>>
      %dma_wait3A_60 = tpu.memref_squeeze %dma_wait3A_59 : memref<1x1x3x125xi32, #tpu.memory_space<hbm>> -> memref<3x125xi32, #tpu.memory_space<hbm>>
      %dma_wait3A_61 = arith.constant 0 : i32
      %dma_wait3A_62 = arith.constant 0 : i32
      %dma_wait3A_63 = tpu.memref_slice %arg3[%dma_wait3A, %dma_wait3A_56, %dma_wait3A_61, %dma_wait3A_62] : memref<32x80x3x125xi32, #tpu.memory_space<hbm>> -> memref<1x1x3x125xi32, #tpu.memory_space<hbm>>
      %dma_wait3A_64 = tpu.memref_squeeze %dma_wait3A_63 : memref<1x1x3x125xi32, #tpu.memory_space<hbm>> -> memref<3x125xi32, #tpu.memory_space<hbm>>
      tpu.wait_dma2 semaphore(%arg17 : memref<!tpu.dma_semaphore, #tpu.memory_space<semaphore_mem>>) src(%dma_wait3A_64 : memref<3x125xi32, #tpu.memory_space<hbm>>) dst(%arg9 : memref<3x125xi32, #tpu.memory_space<vmem>>)
      %dma_start3A_65 = arith.constant 0 : i32
      %dma_start3A_66 = arith.constant 0 : i32
      %dma_start3A_67 = tpu.memref_slice %arg9[%dma_start3A_65, %dma_start3A_66] : memref<3x125xi32, #tpu.memory_space<vmem>> -> memref<1x125xi32, #tpu.memory_space<vmem>>
      %dma_start3A_68 = tpu.memref_squeeze %dma_start3A_67 : memref<1x125xi32, #tpu.memory_space<vmem>> -> memref<125xi32, #tpu.memory_space<vmem>>
      %dma_start3A_69 = arith.constant 0 : i32
      %dma_start3A_70 = arith.constant 0 : i32
      %dma_start3A_71 = tpu.memref_slice %arg2[%dma_start3A_69, %dma_start3A_70] : memref<10000x128xf32, #tpu.memory_space<hbm>> -> memref<10000x128xf32, #tpu.memory_space<hbm>>
      tpu.enqueue_indirect_dma source(%dma_start3A_71 : memref<10000x128xf32, #tpu.memory_space<hbm>>) target(%arg7 : memref<125x128xf32, #tpu.memory_space<vmem>>) offsets(%dma_start3A_68 : memref<125xi32, #tpu.memory_space<vmem>>) semaphore(%arg13 : memref<!tpu.dma_semaphore, #tpu.memory_space<semaphore_mem>>)
      %lt3A_72 = arith.constant 39 : i32
      %lt3A_73 = arith.cmpi slt, %mul3A_47, %lt3A_72 : i32
      %convert_element_type3A_74 = arith.extui %lt3A_73 : i1 to i32
      %cond3A_75 = arith.constant 0 : i32
      %cond3A_76 = arith.cmpi ne, %convert_element_type3A_74, %cond3A_75 : i32
      scf.if %cond3A_76 {
        %add3A_220 = arith.constant 2 : i32
        %add3A_221 = arith.addi %add3A_51, %add3A_220 : i32
        %dma_start3A_222 = arith.constant 0 : i32
        %dma_start3A_223 = arith.constant 0 : i32
        %dma_start3A_224 = tpu.memref_slice %arg3[%add3A, %add3A_221, %dma_start3A_222, %dma_start3A_223] : memref<32x80x3x125xi32, #tpu.memory_space<hbm>> -> memref<1x1x3x125xi32, #tpu.memory_space<hbm>>
        %dma_start3A_225 = tpu.memref_squeeze %dma_start3A_224 : memref<1x1x3x125xi32, #tpu.memory_space<hbm>> -> memref<3x125xi32, #tpu.memory_space<hbm>>
        %dma_start3A_226 = arith.constant 0 : i32
        %dma_start3A_227 = arith.constant 0 : i32
        %dma_start3A_228 = tpu.memref_slice %arg3[%add3A, %add3A_221, %dma_start3A_226, %dma_start3A_227] : memref<32x80x3x125xi32, #tpu.memory_space<hbm>> -> memref<1x1x3x125xi32, #tpu.memory_space<hbm>>
        %dma_start3A_229 = tpu.memref_squeeze %dma_start3A_228 : memref<1x1x3x125xi32, #tpu.memory_space<hbm>> -> memref<3x125xi32, #tpu.memory_space<hbm>>
        tpu.enqueue_dma source(%dma_start3A_229 : memref<3x125xi32, #tpu.memory_space<hbm>>) target(%arg11 : memref<3x125xi32, #tpu.memory_space<vmem>>) target_semaphore(%arg19 : memref<!tpu.dma_semaphore, #tpu.memory_space<semaphore_mem>>)
      } else {
      }
      %mul3A_77 = arith.constant 2 : i32
      %mul3A_78 = arith.muli %mul3A_47, %mul3A_77 : i32
      %add3A_79 = arith.constant 1 : i32
      %add3A_80 = arith.addi %mul3A_78, %add3A_79 : i32
      %gt3A_81 = arith.constant 0 : i32
      %gt3A_82 = arith.cmpi sgt, %mul3A_47, %gt3A_81 : i32
      %convert_element_type3A_83 = arith.extui %gt3A_82 : i1 to i32
      %cond3A_84 = arith.constant 0 : i32
      %cond3A_85 = arith.cmpi ne, %convert_element_type3A_83, %cond3A_84 : i32
      scf.if %cond3A_85 {
        tpu.wait_dma2 semaphore(%arg16 : memref<!tpu.dma_semaphore, #tpu.memory_space<semaphore_mem>>) src(%arg5 : memref<125x128xf32, #tpu.memory_space<hbm>>) dst(%arg7 : memref<125x128xf32, #tpu.memory_space<vmem>>)
      } else {
      }
      %dma_wait3A_86 = arith.constant 0 : i32
      %dma_wait3A_87 = arith.constant 0 : i32
      %dma_wait3A_88 = arith.constant 0 : i32
      %dma_wait3A_89 = arith.constant 0 : i32
      %dma_wait3A_90 = tpu.memref_slice %arg3[%dma_wait3A_86, %dma_wait3A_87, %dma_wait3A_88, %dma_wait3A_89] : memref<32x80x3x125xi32, #tpu.memory_space<hbm>> -> memref<1x1x3x125xi32, #tpu.memory_space<hbm>>
      %dma_wait3A_91 = tpu.memref_squeeze %dma_wait3A_90 : memref<1x1x3x125xi32, #tpu.memory_space<hbm>> -> memref<3x125xi32, #tpu.memory_space<hbm>>
      %dma_wait3A_92 = arith.constant 0 : i32
      %dma_wait3A_93 = arith.constant 0 : i32
      %dma_wait3A_94 = tpu.memref_slice %arg3[%dma_wait3A_86, %dma_wait3A_87, %dma_wait3A_92, %dma_wait3A_93] : memref<32x80x3x125xi32, #tpu.memory_space<hbm>> -> memref<1x1x3x125xi32, #tpu.memory_space<hbm>>
      %dma_wait3A_95 = tpu.memref_squeeze %dma_wait3A_94 : memref<1x1x3x125xi32, #tpu.memory_space<hbm>> -> memref<3x125xi32, #tpu.memory_space<hbm>>
      tpu.wait_dma2 semaphore(%arg18 : memref<!tpu.dma_semaphore, #tpu.memory_space<semaphore_mem>>) src(%dma_wait3A_95 : memref<3x125xi32, #tpu.memory_space<hbm>>) dst(%arg9 : memref<3x125xi32, #tpu.memory_space<vmem>>)
      %dma_start3A_96 = arith.constant 0 : i32
      %dma_start3A_97 = arith.constant 0 : i32
      %dma_start3A_98 = tpu.memref_slice %arg10[%dma_start3A_96, %dma_start3A_97] : memref<3x125xi32, #tpu.memory_space<vmem>> -> memref<1x125xi32, #tpu.memory_space<vmem>>
      %dma_start3A_99 = tpu.memref_squeeze %dma_start3A_98 : memref<1x125xi32, #tpu.memory_space<vmem>> -> memref<125xi32, #tpu.memory_space<vmem>>
      %dma_start3A_100 = arith.constant 0 : i32
      %dma_start3A_101 = arith.constant 0 : i32
      %dma_start3A_102 = tpu.memref_slice %arg2[%dma_start3A_100, %dma_start3A_101] : memref<10000x128xf32, #tpu.memory_space<hbm>> -> memref<10000x128xf32, #tpu.memory_space<hbm>>
      tpu.enqueue_indirect_dma source(%dma_start3A_102 : memref<10000x128xf32, #tpu.memory_space<hbm>>) target(%arg8 : memref<125x128xf32, #tpu.memory_space<vmem>>) offsets(%dma_start3A_99 : memref<125xi32, #tpu.memory_space<vmem>>) semaphore(%arg14 : memref<!tpu.dma_semaphore, #tpu.memory_space<semaphore_mem>>)
      %lt3A_103 = arith.constant 39 : i32
      %lt3A_104 = arith.cmpi slt, %mul3A_47, %lt3A_103 : i32
      %convert_element_type3A_105 = arith.extui %lt3A_104 : i1 to i32
      %cond3A_106 = arith.constant 0 : i32
      %cond3A_107 = arith.cmpi ne, %convert_element_type3A_105, %cond3A_106 : i32
      scf.if %cond3A_107 {
        %add3A_220 = arith.constant 2 : i32
        %add3A_221 = arith.addi %add3A_80, %add3A_220 : i32
        %dma_start3A_222 = arith.constant 0 : i32
        %dma_start3A_223 = arith.constant 0 : i32
        %dma_start3A_224 = tpu.memref_slice %arg3[%add3A, %add3A_221, %dma_start3A_222, %dma_start3A_223] : memref<32x80x3x125xi32, #tpu.memory_space<hbm>> -> memref<1x1x3x125xi32, #tpu.memory_space<hbm>>
        %dma_start3A_225 = tpu.memref_squeeze %dma_start3A_224 : memref<1x1x3x125xi32, #tpu.memory_space<hbm>> -> memref<3x125xi32, #tpu.memory_space<hbm>>
        %dma_start3A_226 = arith.constant 0 : i32
        %dma_start3A_227 = arith.constant 0 : i32
        %dma_start3A_228 = tpu.memref_slice %arg3[%add3A, %add3A_221, %dma_start3A_226, %dma_start3A_227] : memref<32x80x3x125xi32, #tpu.memory_space<hbm>> -> memref<1x1x3x125xi32, #tpu.memory_space<hbm>>
        %dma_start3A_229 = tpu.memref_squeeze %dma_start3A_228 : memref<1x1x3x125xi32, #tpu.memory_space<hbm>> -> memref<3x125xi32, #tpu.memory_space<hbm>>
        tpu.enqueue_dma source(%dma_start3A_229 : memref<3x125xi32, #tpu.memory_space<hbm>>) target(%arg12 : memref<3x125xi32, #tpu.memory_space<vmem>>) target_semaphore(%arg20 : memref<!tpu.dma_semaphore, #tpu.memory_space<semaphore_mem>>)
      } else {
      }
      tpu.wait_dma2 semaphore(%arg13 : memref<!tpu.dma_semaphore, #tpu.memory_space<semaphore_mem>>) src(%arg5 : memref<125x128xf32, #tpu.memory_space<hbm>>) dst(%arg7 : memref<125x128xf32, #tpu.memory_space<vmem>>)
      %broadcast_in_dim3A = arith.constant 2 : i32
      %broadcast_in_dim3A_108 = vector.broadcast %broadcast_in_dim3A : i32 to vector<16xi32>
      %parallel_loop3A = arith.constant 0 : i32
      %parallel_loop3A_109 = arith.constant 125 : i32
      %parallel_loop3A_110 = arith.constant 1 : i32
      scf.for %parallel_loop3A_220 = %parallel_loop3A to %parallel_loop3A_109 step %parallel_loop3A_110  : i32 {
        %parallel_loop3A_221 = vector.broadcast %parallel_loop3A_220 : i32 to vector<16xi32>
        %parallel_loop3A_222 = tpu.vector_load_idx %arg9[%broadcast_in_dim3A_108, %parallel_loop3A_221] : memref<3x125xi32, #tpu.memory_space<vmem>>[vector<16xi32>, vector<16xi32>], vector<16xi32>,
        %parallel_loop3A_223 = vector.bitcast %parallel_loop3A_222 : vector<16xi32> to vector<16xf32>
        %parallel_loop3A_224 = arith.index_cast %parallel_loop3A_220 : i32 to index
        %parallel_loop3A_225 = arith.constant 0 : index
        %parallel_loop3A_226 = tpu.vector_load %arg7[%parallel_loop3A_224, %parallel_loop3A_225] {strides = array<i32>} : memref<125x128xf32, #tpu.memory_space<vmem>>, vector<16xf32>,
        %parallel_loop3A_227 = arith.mulf %parallel_loop3A_226, %parallel_loop3A_223 : vector<16xf32>
        %parallel_loop3A_228 = arith.index_cast %parallel_loop3A_220 : i32 to index
        %parallel_loop3A_229 = arith.constant 0 : index
        %parallel_loop3A_230 = tpu.vector_load %arg7[%parallel_loop3A_228, %parallel_loop3A_229] {strides = array<i32>} : memref<125x128xf32, #tpu.memory_space<vmem>>, vector<16xf32>,
        tpu.vector_store %arg7[%parallel_loop3A_228, %parallel_loop3A_229], %parallel_loop3A_227 {strides = array<i32>} : memref<125x128xf32, #tpu.memory_space<vmem>>, vector<16xf32>,
        %parallel_loop3A_231 = arith.index_cast %parallel_loop3A_220 : i32 to index
        %parallel_loop3A_232 = arith.constant 16 : index
        %parallel_loop3A_233 = tpu.vector_load %arg7[%parallel_loop3A_231, %parallel_loop3A_232] {strides = array<i32>} : memref<125x128xf32, #tpu.memory_space<vmem>>, vector<16xf32>,
        %parallel_loop3A_234 = arith.mulf %parallel_loop3A_233, %parallel_loop3A_223 : vector<16xf32>
        %parallel_loop3A_235 = arith.index_cast %parallel_loop3A_220 : i32 to index
        %parallel_loop3A_236 = arith.constant 16 : index
        %parallel_loop3A_237 = tpu.vector_load %arg7[%parallel_loop3A_235, %parallel_loop3A_236] {strides = array<i32>} : memref<125x128xf32, #tpu.memory_space<vmem>>, vector<16xf32>,
        tpu.vector_store %arg7[%parallel_loop3A_235, %parallel_loop3A_236], %parallel_loop3A_234 {strides = array<i32>} : memref<125x128xf32, #tpu.memory_space<vmem>>, vector<16xf32>,
        %parallel_loop3A_238 = arith.index_cast %parallel_loop3A_220 : i32 to index
        %parallel_loop3A_239 = arith.constant 32 : index
        %parallel_loop3A_240 = tpu.vector_load %arg7[%parallel_loop3A_238, %parallel_loop3A_239] {strides = array<i32>} : memref<125x128xf32, #tpu.memory_space<vmem>>, vector<16xf32>,
        %parallel_loop3A_241 = arith.mulf %parallel_loop3A_240, %parallel_loop3A_223 : vector<16xf32>
        %parallel_loop3A_242 = arith.index_cast %parallel_loop3A_220 : i32 to index
        %parallel_loop3A_243 = arith.constant 32 : index
        %parallel_loop3A_244 = tpu.vector_load %arg7[%parallel_loop3A_242, %parallel_loop3A_243] {strides = array<i32>} : memref<125x128xf32, #tpu.memory_space<vmem>>, vector<16xf32>,
        tpu.vector_store %arg7[%parallel_loop3A_242, %parallel_loop3A_243], %parallel_loop3A_241 {strides = array<i32>} : memref<125x128xf32, #tpu.memory_space<vmem>>, vector<16xf32>,
        %parallel_loop3A_245 = arith.index_cast %parallel_loop3A_220 : i32 to index
        %parallel_loop3A_246 = arith.constant 48 : index
        %parallel_loop3A_247 = tpu.vector_load %arg7[%parallel_loop3A_245, %parallel_loop3A_246] {strides = array<i32>} : memref<125x128xf32, #tpu.memory_space<vmem>>, vector<16xf32>,
        %parallel_loop3A_248 = arith.mulf %parallel_loop3A_247, %parallel_loop3A_223 : vector<16xf32>
        %parallel_loop3A_249 = arith.index_cast %parallel_loop3A_220 : i32 to index
        %parallel_loop3A_250 = arith.constant 48 : index
        %parallel_loop3A_251 = tpu.vector_load %arg7[%parallel_loop3A_249, %parallel_loop3A_250] {strides = array<i32>} : memref<125x128xf32, #tpu.memory_space<vmem>>, vector<16xf32>,
        tpu.vector_store %arg7[%parallel_loop3A_249, %parallel_loop3A_250], %parallel_loop3A_248 {strides = array<i32>} : memref<125x128xf32, #tpu.memory_space<vmem>>, vector<16xf32>,
        %parallel_loop3A_252 = arith.index_cast %parallel_loop3A_220 : i32 to index
        %parallel_loop3A_253 = arith.constant 64 : index
        %parallel_loop3A_254 = tpu.vector_load %arg7[%parallel_loop3A_252, %parallel_loop3A_253] {strides = array<i32>} : memref<125x128xf32, #tpu.memory_space<vmem>>, vector<16xf32>,
        %parallel_loop3A_255 = arith.mulf %parallel_loop3A_254, %parallel_loop3A_223 : vector<16xf32>
        %parallel_loop3A_256 = arith.index_cast %parallel_loop3A_220 : i32 to index
        %parallel_loop3A_257 = arith.constant 64 : index
        %parallel_loop3A_258 = tpu.vector_load %arg7[%parallel_loop3A_256, %parallel_loop3A_257] {strides = array<i32>} : memref<125x128xf32, #tpu.memory_space<vmem>>, vector<16xf32>,
        tpu.vector_store %arg7[%parallel_loop3A_256, %parallel_loop3A_257], %parallel_loop3A_255 {strides = array<i32>} : memref<125x128xf32, #tpu.memory_space<vmem>>, vector<16xf32>,
        %parallel_loop3A_259 = arith.index_cast %parallel_loop3A_220 : i32 to index
        %parallel_loop3A_260 = arith.constant 80 : index
        %parallel_loop3A_261 = tpu.vector_load %arg7[%parallel_loop3A_259, %parallel_loop3A_260] {strides = array<i32>} : memref<125x128xf32, #tpu.memory_space<vmem>>, vector<16xf32>,
        %parallel_loop3A_262 = arith.mulf %parallel_loop3A_261, %parallel_loop3A_223 : vector<16xf32>
        %parallel_loop3A_263 = arith.index_cast %parallel_loop3A_220 : i32 to index
        %parallel_loop3A_264 = arith.constant 80 : index
        %parallel_loop3A_265 = tpu.vector_load %arg7[%parallel_loop3A_263, %parallel_loop3A_264] {strides = array<i32>} : memref<125x128xf32, #tpu.memory_space<vmem>>, vector<16xf32>,
        tpu.vector_store %arg7[%parallel_loop3A_263, %parallel_loop3A_264], %parallel_loop3A_262 {strides = array<i32>} : memref<125x128xf32, #tpu.memory_space<vmem>>, vector<16xf32>,
        %parallel_loop3A_266 = arith.index_cast %parallel_loop3A_220 : i32 to index
        %parallel_loop3A_267 = arith.constant 96 : index
        %parallel_loop3A_268 = tpu.vector_load %arg7[%parallel_loop3A_266, %parallel_loop3A_267] {strides = array<i32>} : memref<125x128xf32, #tpu.memory_space<vmem>>, vector<16xf32>,
        %parallel_loop3A_269 = arith.mulf %parallel_loop3A_268, %parallel_loop3A_223 : vector<16xf32>
        %parallel_loop3A_270 = arith.index_cast %parallel_loop3A_220 : i32 to index
        %parallel_loop3A_271 = arith.constant 96 : index
        %parallel_loop3A_272 = tpu.vector_load %arg7[%parallel_loop3A_270, %parallel_loop3A_271] {strides = array<i32>} : memref<125x128xf32, #tpu.memory_space<vmem>>, vector<16xf32>,
        tpu.vector_store %arg7[%parallel_loop3A_270, %parallel_loop3A_271], %parallel_loop3A_269 {strides = array<i32>} : memref<125x128xf32, #tpu.memory_space<vmem>>, vector<16xf32>,
        %parallel_loop3A_273 = arith.index_cast %parallel_loop3A_220 : i32 to index
        %parallel_loop3A_274 = arith.constant 112 : index
        %parallel_loop3A_275 = tpu.vector_load %arg7[%parallel_loop3A_273, %parallel_loop3A_274] {strides = array<i32>} : memref<125x128xf32, #tpu.memory_space<vmem>>, vector<16xf32>,
        %parallel_loop3A_276 = arith.mulf %parallel_loop3A_275, %parallel_loop3A_223 : vector<16xf32>
        %parallel_loop3A_277 = arith.index_cast %parallel_loop3A_220 : i32 to index
        %parallel_loop3A_278 = arith.constant 112 : index
        %parallel_loop3A_279 = tpu.vector_load %arg7[%parallel_loop3A_277, %parallel_loop3A_278] {strides = array<i32>} : memref<125x128xf32, #tpu.memory_space<vmem>>, vector<16xf32>,
        tpu.vector_store %arg7[%parallel_loop3A_277, %parallel_loop3A_278], %parallel_loop3A_276 {strides = array<i32>} : memref<125x128xf32, #tpu.memory_space<vmem>>, vector<16xf32>,
      } {sc.loop_unroll_factor = 1 : i64, sc.parallel_access}
      %dma_start3A_111 = arith.constant 1 : i32
      %dma_start3A_112 = arith.constant 0 : i32
      %dma_start3A_113 = tpu.memref_slice %arg9[%dma_start3A_111, %dma_start3A_112] : memref<3x125xi32, #tpu.memory_space<vmem>> -> memref<1x125xi32, #tpu.memory_space<vmem>>
      %dma_start3A_114 = tpu.memref_squeeze %dma_start3A_113 : memref<1x125xi32, #tpu.memory_space<vmem>> -> memref<125xi32, #tpu.memory_space<vmem>>
      %dma_start3A_115 = arith.constant 0 : i32
      %dma_start3A_116 = arith.constant 0 : i32
      %dma_start3A_117 = tpu.memref_slice %arg21[%dma_start3A_115, %dma_start3A_116] : memref<10000x128xf32, #tpu.memory_space<vmem_shared>> -> memref<10000x128xf32, #tpu.memory_space<vmem_shared>>
      tpu.enqueue_indirect_dma source(%arg7 : memref<125x128xf32, #tpu.memory_space<vmem>>) target(%dma_start3A_117 : memref<10000x128xf32, #tpu.memory_space<vmem_shared>>) offsets(%dma_start3A_114 : memref<125xi32, #tpu.memory_space<vmem>>) semaphore(%arg15 : memref<!tpu.dma_semaphore, #tpu.memory_space<semaphore_mem>>) {add = true}
      tpu.wait_dma2 semaphore(%arg14 : memref<!tpu.dma_semaphore, #tpu.memory_space<semaphore_mem>>) src(%arg5 : memref<125x128xf32, #tpu.memory_space<hbm>>) dst(%arg7 : memref<125x128xf32, #tpu.memory_space<vmem>>)
      %broadcast_in_dim3A_118 = arith.constant 2 : i32
      %broadcast_in_dim3A_119 = vector.broadcast %broadcast_in_dim3A_118 : i32 to vector<16xi32>
      %parallel_loop3A_120 = arith.constant 0 : i32
      %parallel_loop3A_121 = arith.constant 125 : i32
      %parallel_loop3A_122 = arith.constant 1 : i32
      scf.for %parallel_loop3A_220 = %parallel_loop3A_120 to %parallel_loop3A_121 step %parallel_loop3A_122  : i32 {
        %parallel_loop3A_221 = vector.broadcast %parallel_loop3A_220 : i32 to vector<16xi32>
        %parallel_loop3A_222 = tpu.vector_load_idx %arg10[%broadcast_in_dim3A_119, %parallel_loop3A_221] : memref<3x125xi32, #tpu.memory_space<vmem>>[vector<16xi32>, vector<16xi32>], vector<16xi32>,
        %parallel_loop3A_223 = vector.bitcast %parallel_loop3A_222 : vector<16xi32> to vector<16xf32>
        %parallel_loop3A_224 = arith.index_cast %parallel_loop3A_220 : i32 to index
        %parallel_loop3A_225 = arith.constant 0 : index
        %parallel_loop3A_226 = tpu.vector_load %arg8[%parallel_loop3A_224, %parallel_loop3A_225] {strides = array<i32>} : memref<125x128xf32, #tpu.memory_space<vmem>>, vector<16xf32>,
        %parallel_loop3A_227 = arith.mulf %parallel_loop3A_226, %parallel_loop3A_223 : vector<16xf32>
        %parallel_loop3A_228 = arith.index_cast %parallel_loop3A_220 : i32 to index
        %parallel_loop3A_229 = arith.constant 0 : index
        %parallel_loop3A_230 = tpu.vector_load %arg8[%parallel_loop3A_228, %parallel_loop3A_229] {strides = array<i32>} : memref<125x128xf32, #tpu.memory_space<vmem>>, vector<16xf32>,
        tpu.vector_store %arg8[%parallel_loop3A_228, %parallel_loop3A_229], %parallel_loop3A_227 {strides = array<i32>} : memref<125x128xf32, #tpu.memory_space<vmem>>, vector<16xf32>,
        %parallel_loop3A_231 = arith.index_cast %parallel_loop3A_220 : i32 to index
        %parallel_loop3A_232 = arith.constant 16 : index
        %parallel_loop3A_233 = tpu.vector_load %arg8[%parallel_loop3A_231, %parallel_loop3A_232] {strides = array<i32>} : memref<125x128xf32, #tpu.memory_space<vmem>>, vector<16xf32>,
        %parallel_loop3A_234 = arith.mulf %parallel_loop3A_233, %parallel_loop3A_223 : vector<16xf32>
        %parallel_loop3A_235 = arith.index_cast %parallel_loop3A_220 : i32 to index
        %parallel_loop3A_236 = arith.constant 16 : index
        %parallel_loop3A_237 = tpu.vector_load %arg8[%parallel_loop3A_235, %parallel_loop3A_236] {strides = array<i32>} : memref<125x128xf32, #tpu.memory_space<vmem>>, vector<16xf32>,
        tpu.vector_store %arg8[%parallel_loop3A_235, %parallel_loop3A_236], %parallel_loop3A_234 {strides = array<i32>} : memref<125x128xf32, #tpu.memory_space<vmem>>, vector<16xf32>,
        %parallel_loop3A_238 = arith.index_cast %parallel_loop3A_220 : i32 to index
        %parallel_loop3A_239 = arith.constant 32 : index
        %parallel_loop3A_240 = tpu.vector_load %arg8[%parallel_loop3A_238, %parallel_loop3A_239] {strides = array<i32>} : memref<125x128xf32, #tpu.memory_space<vmem>>, vector<16xf32>,
        %parallel_loop3A_241 = arith.mulf %parallel_loop3A_240, %parallel_loop3A_223 : vector<16xf32>
        %parallel_loop3A_242 = arith.index_cast %parallel_loop3A_220 : i32 to index
        %parallel_loop3A_243 = arith.constant 32 : index
        %parallel_loop3A_244 = tpu.vector_load %arg8[%parallel_loop3A_242, %parallel_loop3A_243] {strides = array<i32>} : memref<125x128xf32, #tpu.memory_space<vmem>>, vector<16xf32>,
        tpu.vector_store %arg8[%parallel_loop3A_242, %parallel_loop3A_243], %parallel_loop3A_241 {strides = array<i32>} : memref<125x128xf32, #tpu.memory_space<vmem>>, vector<16xf32>,
        %parallel_loop3A_245 = arith.index_cast %parallel_loop3A_220 : i32 to index
        %parallel_loop3A_246 = arith.constant 48 : index
        %parallel_loop3A_247 = tpu.vector_load %arg8[%parallel_loop3A_245, %parallel_loop3A_246] {strides = array<i32>} : memref<125x128xf32, #tpu.memory_space<vmem>>, vector<16xf32>,
        %parallel_loop3A_248 = arith.mulf %parallel_loop3A_247, %parallel_loop3A_223 : vector<16xf32>
        %parallel_loop3A_249 = arith.index_cast %parallel_loop3A_220 : i32 to index
        %parallel_loop3A_250 = arith.constant 48 : index
        %parallel_loop3A_251 = tpu.vector_load %arg8[%parallel_loop3A_249, %parallel_loop3A_250] {strides = array<i32>} : memref<125x128xf32, #tpu.memory_space<vmem>>, vector<16xf32>,
        tpu.vector_store %arg8[%parallel_loop3A_249, %parallel_loop3A_250], %parallel_loop3A_248 {strides = array<i32>} : memref<125x128xf32, #tpu.memory_space<vmem>>, vector<16xf32>,
        %parallel_loop3A_252 = arith.index_cast %parallel_loop3A_220 : i32 to index
        %parallel_loop3A_253 = arith.constant 64 : index
        %parallel_loop3A_254 = tpu.vector_load %arg8[%parallel_loop3A_252, %parallel_loop3A_253] {strides = array<i32>} : memref<125x128xf32, #tpu.memory_space<vmem>>, vector<16xf32>,
        %parallel_loop3A_255 = arith.mulf %parallel_loop3A_254, %parallel_loop3A_223 : vector<16xf32>
        %parallel_loop3A_256 = arith.index_cast %parallel_loop3A_220 : i32 to index
        %parallel_loop3A_257 = arith.constant 64 : index
        %parallel_loop3A_258 = tpu.vector_load %arg8[%parallel_loop3A_256, %parallel_loop3A_257] {strides = array<i32>} : memref<125x128xf32, #tpu.memory_space<vmem>>, vector<16xf32>,
        tpu.vector_store %arg8[%parallel_loop3A_256, %parallel_loop3A_257], %parallel_loop3A_255 {strides = array<i32>} : memref<125x128xf32, #tpu.memory_space<vmem>>, vector<16xf32>,
        %parallel_loop3A_259 = arith.index_cast %parallel_loop3A_220 : i32 to index
        %parallel_loop3A_260 = arith.constant 80 : index
        %parallel_loop3A_261 = tpu.vector_load %arg8[%parallel_loop3A_259, %parallel_loop3A_260] {strides = array<i32>} : memref<125x128xf32, #tpu.memory_space<vmem>>, vector<16xf32>,
        %parallel_loop3A_262 = arith.mulf %parallel_loop3A_261, %parallel_loop3A_223 : vector<16xf32>
        %parallel_loop3A_263 = arith.index_cast %parallel_loop3A_220 : i32 to index
        %parallel_loop3A_264 = arith.constant 80 : index
        %parallel_loop3A_265 = tpu.vector_load %arg8[%parallel_loop3A_263, %parallel_loop3A_264] {strides = array<i32>} : memref<125x128xf32, #tpu.memory_space<vmem>>, vector<16xf32>,
        tpu.vector_store %arg8[%parallel_loop3A_263, %parallel_loop3A_264], %parallel_loop3A_262 {strides = array<i32>} : memref<125x128xf32, #tpu.memory_space<vmem>>, vector<16xf32>,
        %parallel_loop3A_266 = arith.index_cast %parallel_loop3A_220 : i32 to index
        %parallel_loop3A_267 = arith.constant 96 : index
        %parallel_loop3A_268 = tpu.vector_load %arg8[%parallel_loop3A_266, %parallel_loop3A_267] {strides = array<i32>} : memref<125x128xf32, #tpu.memory_space<vmem>>, vector<16xf32>,
        %parallel_loop3A_269 = arith.mulf %parallel_loop3A_268, %parallel_loop3A_223 : vector<16xf32>
        %parallel_loop3A_270 = arith.index_cast %parallel_loop3A_220 : i32 to index
        %parallel_loop3A_271 = arith.constant 96 : index
        %parallel_loop3A_272 = tpu.vector_load %arg8[%parallel_loop3A_270, %parallel_loop3A_271] {strides = array<i32>} : memref<125x128xf32, #tpu.memory_space<vmem>>, vector<16xf32>,
        tpu.vector_store %arg8[%parallel_loop3A_270, %parallel_loop3A_271], %parallel_loop3A_269 {strides = array<i32>} : memref<125x128xf32, #tpu.memory_space<vmem>>, vector<16xf32>,
        %parallel_loop3A_273 = arith.index_cast %parallel_loop3A_220 : i32 to index
        %parallel_loop3A_274 = arith.constant 112 : index
        %parallel_loop3A_275 = tpu.vector_load %arg8[%parallel_loop3A_273, %parallel_loop3A_274] {strides = array<i32>} : memref<125x128xf32, #tpu.memory_space<vmem>>, vector<16xf32>,
        %parallel_loop3A_276 = arith.mulf %parallel_loop3A_275, %parallel_loop3A_223 : vector<16xf32>
        %parallel_loop3A_277 = arith.index_cast %parallel_loop3A_220 : i32 to index
        %parallel_loop3A_278 = arith.constant 112 : index
        %parallel_loop3A_279 = tpu.vector_load %arg8[%parallel_loop3A_277, %parallel_loop3A_278] {strides = array<i32>} : memref<125x128xf32, #tpu.memory_space<vmem>>, vector<16xf32>,
        tpu.vector_store %arg8[%parallel_loop3A_277, %parallel_loop3A_278], %parallel_loop3A_276 {strides = array<i32>} : memref<125x128xf32, #tpu.memory_space<vmem>>, vector<16xf32>,
      } {sc.loop_unroll_factor = 1 : i64, sc.parallel_access}
      %dma_start3A_123 = arith.constant 1 : i32
      %dma_start3A_124 = arith.constant 0 : i32
      %dma_start3A_125 = tpu.memref_slice %arg10[%dma_start3A_123, %dma_start3A_124] : memref<3x125xi32, #tpu.memory_space<vmem>> -> memref<1x125xi32, #tpu.memory_space<vmem>>
      %dma_start3A_126 = tpu.memref_squeeze %dma_start3A_125 : memref<1x125xi32, #tpu.memory_space<vmem>> -> memref<125xi32, #tpu.memory_space<vmem>>
      %dma_start3A_127 = arith.constant 0 : i32
      %dma_start3A_128 = arith.constant 0 : i32
      %dma_start3A_129 = tpu.memref_slice %arg21[%dma_start3A_127, %dma_start3A_128] : memref<10000x128xf32, #tpu.memory_space<vmem_shared>> -> memref<10000x128xf32, #tpu.memory_space<vmem_shared>>
      tpu.enqueue_indirect_dma source(%arg8 : memref<125x128xf32, #tpu.memory_space<vmem>>) target(%dma_start3A_129 : memref<10000x128xf32, #tpu.memory_space<vmem_shared>>) offsets(%dma_start3A_126 : memref<125xi32, #tpu.memory_space<vmem>>) semaphore(%arg16 : memref<!tpu.dma_semaphore, #tpu.memory_space<semaphore_mem>>) {add = true}
      %mul3A_130 = arith.constant 2 : i32
      %mul3A_131 = arith.muli %mul3A_130, %add3A_45 : i32
      %add3A_132 = arith.constant 1 : i32
      %add3A_133 = arith.addi %mul3A_131, %add3A_132 : i32
      %mul3A_134 = arith.constant 2 : i32
      %mul3A_135 = arith.muli %add3A_133, %mul3A_134 : i32
      %add3A_136 = arith.constant 0 : i32
      %add3A_137 = arith.addi %mul3A_135, %add3A_136 : i32
      %gt3A_138 = arith.constant 0 : i32
      %gt3A_139 = arith.cmpi sgt, %add3A_133, %gt3A_138 : i32
      %convert_element_type3A_140 = arith.extui %gt3A_139 : i1 to i32
      %cond3A_141 = arith.constant 0 : i32
      %cond3A_142 = arith.cmpi ne, %convert_element_type3A_140, %cond3A_141 : i32
      scf.if %cond3A_142 {
        tpu.wait_dma2 semaphore(%arg15 : memref<!tpu.dma_semaphore, #tpu.memory_space<semaphore_mem>>) src(%arg5 : memref<125x128xf32, #tpu.memory_space<hbm>>) dst(%arg7 : memref<125x128xf32, #tpu.memory_space<vmem>>)
      } else {
      }
      %dma_wait3A_143 = arith.constant 0 : i32
      %dma_wait3A_144 = arith.constant 0 : i32
      %dma_wait3A_145 = arith.constant 0 : i32
      %dma_wait3A_146 = arith.constant 0 : i32
      %dma_wait3A_147 = tpu.memref_slice %arg3[%dma_wait3A_143, %dma_wait3A_144, %dma_wait3A_145, %dma_wait3A_146] : memref<32x80x3x125xi32, #tpu.memory_space<hbm>> -> memref<1x1x3x125xi32, #tpu.memory_space<hbm>>
      %dma_wait3A_148 = tpu.memref_squeeze %dma_wait3A_147 : memref<1x1x3x125xi32, #tpu.memory_space<hbm>> -> memref<3x125xi32, #tpu.memory_space<hbm>>
      %dma_wait3A_149 = arith.constant 0 : i32
      %dma_wait3A_150 = arith.constant 0 : i32
      %dma_wait3A_151 = tpu.memref_slice %arg3[%dma_wait3A_143, %dma_wait3A_144, %dma_wait3A_149, %dma_wait3A_150] : memref<32x80x3x125xi32, #tpu.memory_space<hbm>> -> memref<1x1x3x125xi32, #tpu.memory_space<hbm>>
      %dma_wait3A_152 = tpu.memref_squeeze %dma_wait3A_151 : memref<1x1x3x125xi32, #tpu.memory_space<hbm>> -> memref<3x125xi32, #tpu.memory_space<hbm>>
      tpu.wait_dma2 semaphore(%arg19 : memref<!tpu.dma_semaphore, #tpu.memory_space<semaphore_mem>>) src(%dma_wait3A_152 : memref<3x125xi32, #tpu.memory_space<hbm>>) dst(%arg9 : memref<3x125xi32, #tpu.memory_space<vmem>>)
      %dma_start3A_153 = arith.constant 0 : i32
      %dma_start3A_154 = arith.constant 0 : i32
      %dma_start3A_155 = tpu.memref_slice %arg11[%dma_start3A_153, %dma_start3A_154] : memref<3x125xi32, #tpu.memory_space<vmem>> -> memref<1x125xi32, #tpu.memory_space<vmem>>
      %dma_start3A_156 = tpu.memref_squeeze %dma_start3A_155 : memref<1x125xi32, #tpu.memory_space<vmem>> -> memref<125xi32, #tpu.memory_space<vmem>>
      %dma_start3A_157 = arith.constant 0 : i32
      %dma_start3A_158 = arith.constant 0 : i32
      %dma_start3A_159 = tpu.memref_slice %arg2[%dma_start3A_157, %dma_start3A_158] : memref<10000x128xf32, #tpu.memory_space<hbm>> -> memref<10000x128xf32, #tpu.memory_space<hbm>>
      tpu.enqueue_indirect_dma source(%dma_start3A_159 : memref<10000x128xf32, #tpu.memory_space<hbm>>) target(%arg7 : memref<125x128xf32, #tpu.memory_space<vmem>>) offsets(%dma_start3A_156 : memref<125xi32, #tpu.memory_space<vmem>>) semaphore(%arg13 : memref<!tpu.dma_semaphore, #tpu.memory_space<semaphore_mem>>)
      %lt3A_160 = arith.constant 39 : i32
      %lt3A_161 = arith.cmpi slt, %add3A_133, %lt3A_160 : i32
      %convert_element_type3A_162 = arith.extui %lt3A_161 : i1 to i32
      %cond3A_163 = arith.constant 0 : i32
      %cond3A_164 = arith.cmpi ne, %convert_element_type3A_162, %cond3A_163 : i32
      scf.if %cond3A_164 {
        %add3A_220 = arith.constant 2 : i32
        %add3A_221 = arith.addi %add3A_137, %add3A_220 : i32
        %dma_start3A_222 = arith.constant 0 : i32
        %dma_start3A_223 = arith.constant 0 : i32
        %dma_start3A_224 = tpu.memref_slice %arg3[%add3A, %add3A_221, %dma_start3A_222, %dma_start3A_223] : memref<32x80x3x125xi32, #tpu.memory_space<hbm>> -> memref<1x1x3x125xi32, #tpu.memory_space<hbm>>
        %dma_start3A_225 = tpu.memref_squeeze %dma_start3A_224 : memref<1x1x3x125xi32, #tpu.memory_space<hbm>> -> memref<3x125xi32, #tpu.memory_space<hbm>>
        %dma_start3A_226 = arith.constant 0 : i32
        %dma_start3A_227 = arith.constant 0 : i32
        %dma_start3A_228 = tpu.memref_slice %arg3[%add3A, %add3A_221, %dma_start3A_226, %dma_start3A_227] : memref<32x80x3x125xi32, #tpu.memory_space<hbm>> -> memref<1x1x3x125xi32, #tpu.memory_space<hbm>>
        %dma_start3A_229 = tpu.memref_squeeze %dma_start3A_228 : memref<1x1x3x125xi32, #tpu.memory_space<hbm>> -> memref<3x125xi32, #tpu.memory_space<hbm>>
        tpu.enqueue_dma source(%dma_start3A_229 : memref<3x125xi32, #tpu.memory_space<hbm>>) target(%arg9 : memref<3x125xi32, #tpu.memory_space<vmem>>) target_semaphore(%arg17 : memref<!tpu.dma_semaphore, #tpu.memory_space<semaphore_mem>>)
      } else {
      }
      %mul3A_165 = arith.constant 2 : i32
      %mul3A_166 = arith.muli %add3A_133, %mul3A_165 : i32
      %add3A_167 = arith.constant 1 : i32
      %add3A_168 = arith.addi %mul3A_166, %add3A_167 : i32
      %gt3A_169 = arith.constant 0 : i32
      %gt3A_170 = arith.cmpi sgt, %add3A_133, %gt3A_169 : i32
      %convert_element_type3A_171 = arith.extui %gt3A_170 : i1 to i32
      %cond3A_172 = arith.constant 0 : i32
      %cond3A_173 = arith.cmpi ne, %convert_element_type3A_171, %cond3A_172 : i32
      scf.if %cond3A_173 {
        tpu.wait_dma2 semaphore(%arg16 : memref<!tpu.dma_semaphore, #tpu.memory_space<semaphore_mem>>) src(%arg5 : memref<125x128xf32, #tpu.memory_space<hbm>>) dst(%arg7 : memref<125x128xf32, #tpu.memory_space<vmem>>)
      } else {
      }
      %dma_wait3A_174 = arith.constant 0 : i32
      %dma_wait3A_175 = arith.constant 0 : i32
      %dma_wait3A_176 = arith.constant 0 : i32
      %dma_wait3A_177 = arith.constant 0 : i32
      %dma_wait3A_178 = tpu.memref_slice %arg3[%dma_wait3A_174, %dma_wait3A_175, %dma_wait3A_176, %dma_wait3A_177] : memref<32x80x3x125xi32, #tpu.memory_space<hbm>> -> memref<1x1x3x125xi32, #tpu.memory_space<hbm>>
      %dma_wait3A_179 = tpu.memref_squeeze %dma_wait3A_178 : memref<1x1x3x125xi32, #tpu.memory_space<hbm>> -> memref<3x125xi32, #tpu.memory_space<hbm>>
      %dma_wait3A_180 = arith.constant 0 : i32
      %dma_wait3A_181 = arith.constant 0 : i32
      %dma_wait3A_182 = tpu.memref_slice %arg3[%dma_wait3A_174, %dma_wait3A_175, %dma_wait3A_180, %dma_wait3A_181] : memref<32x80x3x125xi32, #tpu.memory_space<hbm>> -> memref<1x1x3x125xi32, #tpu.memory_space<hbm>>
      %dma_wait3A_183 = tpu.memref_squeeze %dma_wait3A_182 : memref<1x1x3x125xi32, #tpu.memory_space<hbm>> -> memref<3x125xi32, #tpu.memory_space<hbm>>
      tpu.wait_dma2 semaphore(%arg20 : memref<!tpu.dma_semaphore, #tpu.memory_space<semaphore_mem>>) src(%dma_wait3A_183 : memref<3x125xi32, #tpu.memory_space<hbm>>) dst(%arg9 : memref<3x125xi32, #tpu.memory_space<vmem>>)
      %dma_start3A_184 = arith.constant 0 : i32
      %dma_start3A_185 = arith.constant 0 : i32
      %dma_start3A_186 = tpu.memref_slice %arg12[%dma_start3A_184, %dma_start3A_185] : memref<3x125xi32, #tpu.memory_space<vmem>> -> memref<1x125xi32, #tpu.memory_space<vmem>>
      %dma_start3A_187 = tpu.memref_squeeze %dma_start3A_186 : memref<1x125xi32, #tpu.memory_space<vmem>> -> memref<125xi32, #tpu.memory_space<vmem>>
      %dma_start3A_188 = arith.constant 0 : i32
      %dma_start3A_189 = arith.constant 0 : i32
      %dma_start3A_190 = tpu.memref_slice %arg2[%dma_start3A_188, %dma_start3A_189] : memref<10000x128xf32, #tpu.memory_space<hbm>> -> memref<10000x128xf32, #tpu.memory_space<hbm>>
      tpu.enqueue_indirect_dma source(%dma_start3A_190 : memref<10000x128xf32, #tpu.memory_space<hbm>>) target(%arg8 : memref<125x128xf32, #tpu.memory_space<vmem>>) offsets(%dma_start3A_187 : memref<125xi32, #tpu.memory_space<vmem>>) semaphore(%arg14 : memref<!tpu.dma_semaphore, #tpu.memory_space<semaphore_mem>>)
      %lt3A_191 = arith.constant 39 : i32
      %lt3A_192 = arith.cmpi slt, %add3A_133, %lt3A_191 : i32
      %convert_element_type3A_193 = arith.extui %lt3A_192 : i1 to i32
      %cond3A_194 = arith.constant 0 : i32
      %cond3A_195 = arith.cmpi ne, %convert_element_type3A_193, %cond3A_194 : i32
      scf.if %cond3A_195 {
        %add3A_220 = arith.constant 2 : i32
        %add3A_221 = arith.addi %add3A_168, %add3A_220 : i32
        %dma_start3A_222 = arith.constant 0 : i32
        %dma_start3A_223 = arith.constant 0 : i32
        %dma_start3A_224 = tpu.memref_slice %arg3[%add3A, %add3A_221, %dma_start3A_222, %dma_start3A_223] : memref<32x80x3x125xi32, #tpu.memory_space<hbm>> -> memref<1x1x3x125xi32, #tpu.memory_space<hbm>>
        %dma_start3A_225 = tpu.memref_squeeze %dma_start3A_224 : memref<1x1x3x125xi32, #tpu.memory_space<hbm>> -> memref<3x125xi32, #tpu.memory_space<hbm>>
        %dma_start3A_226 = arith.constant 0 : i32
        %dma_start3A_227 = arith.constant 0 : i32
        %dma_start3A_228 = tpu.memref_slice %arg3[%add3A, %add3A_221, %dma_start3A_226, %dma_start3A_227] : memref<32x80x3x125xi32, #tpu.memory_space<hbm>> -> memref<1x1x3x125xi32, #tpu.memory_space<hbm>>
        %dma_start3A_229 = tpu.memref_squeeze %dma_start3A_228 : memref<1x1x3x125xi32, #tpu.memory_space<hbm>> -> memref<3x125xi32, #tpu.memory_space<hbm>>
        tpu.enqueue_dma source(%dma_start3A_229 : memref<3x125xi32, #tpu.memory_space<hbm>>) target(%arg10 : memref<3x125xi32, #tpu.memory_space<vmem>>) target_semaphore(%arg18 : memref<!tpu.dma_semaphore, #tpu.memory_space<semaphore_mem>>)
      } else {
      }
      tpu.wait_dma2 semaphore(%arg13 : memref<!tpu.dma_semaphore, #tpu.memory_space<semaphore_mem>>) src(%arg5 : memref<125x128xf32, #tpu.memory_space<hbm>>) dst(%arg7 : memref<125x128xf32, #tpu.memory_space<vmem>>)
      %broadcast_in_dim3A_196 = arith.constant 2 : i32
      %broadcast_in_dim3A_197 = vector.broadcast %broadcast_in_dim3A_196 : i32 to vector<16xi32>
      %parallel_loop3A_198 = arith.constant 0 : i32
      %parallel_loop3A_199 = arith.constant 125 : i32
      %parallel_loop3A_200 = arith.constant 1 : i32
      scf.for %parallel_loop3A_220 = %parallel_loop3A_198 to %parallel_loop3A_199 step %parallel_loop3A_200  : i32 {
        %parallel_loop3A_221 = vector.broadcast %parallel_loop3A_220 : i32 to vector<16xi32>
        %parallel_loop3A_222 = tpu.vector_load_idx %arg11[%broadcast_in_dim3A_197, %parallel_loop3A_221] : memref<3x125xi32, #tpu.memory_space<vmem>>[vector<16xi32>, vector<16xi32>], vector<16xi32>,
        %parallel_loop3A_223 = vector.bitcast %parallel_loop3A_222 : vector<16xi32> to vector<16xf32>
        %parallel_loop3A_224 = arith.index_cast %parallel_loop3A_220 : i32 to index
        %parallel_loop3A_225 = arith.constant 0 : index
        %parallel_loop3A_226 = tpu.vector_load %arg7[%parallel_loop3A_224, %parallel_loop3A_225] {strides = array<i32>} : memref<125x128xf32, #tpu.memory_space<vmem>>, vector<16xf32>,
        %parallel_loop3A_227 = arith.mulf %parallel_loop3A_226, %parallel_loop3A_223 : vector<16xf32>
        %parallel_loop3A_228 = arith.index_cast %parallel_loop3A_220 : i32 to index
        %parallel_loop3A_229 = arith.constant 0 : index
        %parallel_loop3A_230 = tpu.vector_load %arg7[%parallel_loop3A_228, %parallel_loop3A_229] {strides = array<i32>} : memref<125x128xf32, #tpu.memory_space<vmem>>, vector<16xf32>,
        tpu.vector_store %arg7[%parallel_loop3A_228, %parallel_loop3A_229], %parallel_loop3A_227 {strides = array<i32>} : memref<125x128xf32, #tpu.memory_space<vmem>>, vector<16xf32>,
        %parallel_loop3A_231 = arith.index_cast %parallel_loop3A_220 : i32 to index
        %parallel_loop3A_232 = arith.constant 16 : index
        %parallel_loop3A_233 = tpu.vector_load %arg7[%parallel_loop3A_231, %parallel_loop3A_232] {strides = array<i32>} : memref<125x128xf32, #tpu.memory_space<vmem>>, vector<16xf32>,
        %parallel_loop3A_234 = arith.mulf %parallel_loop3A_233, %parallel_loop3A_223 : vector<16xf32>
        %parallel_loop3A_235 = arith.index_cast %parallel_loop3A_220 : i32 to index
        %parallel_loop3A_236 = arith.constant 16 : index
        %parallel_loop3A_237 = tpu.vector_load %arg7[%parallel_loop3A_235, %parallel_loop3A_236] {strides = array<i32>} : memref<125x128xf32, #tpu.memory_space<vmem>>, vector<16xf32>,
        tpu.vector_store %arg7[%parallel_loop3A_235, %parallel_loop3A_236], %parallel_loop3A_234 {strides = array<i32>} : memref<125x128xf32, #tpu.memory_space<vmem>>, vector<16xf32>,
        %parallel_loop3A_238 = arith.index_cast %parallel_loop3A_220 : i32 to index
        %parallel_loop3A_239 = arith.constant 32 : index
        %parallel_loop3A_240 = tpu.vector_load %arg7[%parallel_loop3A_238, %parallel_loop3A_239] {strides = array<i32>} : memref<125x128xf32, #tpu.memory_space<vmem>>, vector<16xf32>,
        %parallel_loop3A_241 = arith.mulf %parallel_loop3A_240, %parallel_loop3A_223 : vector<16xf32>
        %parallel_loop3A_242 = arith.index_cast %parallel_loop3A_220 : i32 to index
        %parallel_loop3A_243 = arith.constant 32 : index
        %parallel_loop3A_244 = tpu.vector_load %arg7[%parallel_loop3A_242, %parallel_loop3A_243] {strides = array<i32>} : memref<125x128xf32, #tpu.memory_space<vmem>>, vector<16xf32>,
        tpu.vector_store %arg7[%parallel_loop3A_242, %parallel_loop3A_243], %parallel_loop3A_241 {strides = array<i32>} : memref<125x128xf32, #tpu.memory_space<vmem>>, vector<16xf32>,
        %parallel_loop3A_245 = arith.index_cast %parallel_loop3A_220 : i32 to index
        %parallel_loop3A_246 = arith.constant 48 : index
        %parallel_loop3A_247 = tpu.vector_load %arg7[%parallel_loop3A_245, %parallel_loop3A_246] {strides = array<i32>} : memref<125x128xf32, #tpu.memory_space<vmem>>, vector<16xf32>,
        %parallel_loop3A_248 = arith.mulf %parallel_loop3A_247, %parallel_loop3A_223 : vector<16xf32>
        %parallel_loop3A_249 = arith.index_cast %parallel_loop3A_220 : i32 to index
        %parallel_loop3A_250 = arith.constant 48 : index
        %parallel_loop3A_251 = tpu.vector_load %arg7[%parallel_loop3A_249, %parallel_loop3A_250] {strides = array<i32>} : memref<125x128xf32, #tpu.memory_space<vmem>>, vector<16xf32>,
        tpu.vector_store %arg7[%parallel_loop3A_249, %parallel_loop3A_250], %parallel_loop3A_248 {strides = array<i32>} : memref<125x128xf32, #tpu.memory_space<vmem>>, vector<16xf32>,
        %parallel_loop3A_252 = arith.index_cast %parallel_loop3A_220 : i32 to index
        %parallel_loop3A_253 = arith.constant 64 : index
        %parallel_loop3A_254 = tpu.vector_load %arg7[%parallel_loop3A_252, %parallel_loop3A_253] {strides = array<i32>} : memref<125x128xf32, #tpu.memory_space<vmem>>, vector<16xf32>,
        %parallel_loop3A_255 = arith.mulf %parallel_loop3A_254, %parallel_loop3A_223 : vector<16xf32>
        %parallel_loop3A_256 = arith.index_cast %parallel_loop3A_220 : i32 to index
        %parallel_loop3A_257 = arith.constant 64 : index
        %parallel_loop3A_258 = tpu.vector_load %arg7[%parallel_loop3A_256, %parallel_loop3A_257] {strides = array<i32>} : memref<125x128xf32, #tpu.memory_space<vmem>>, vector<16xf32>,
        tpu.vector_store %arg7[%parallel_loop3A_256, %parallel_loop3A_257], %parallel_loop3A_255 {strides = array<i32>} : memref<125x128xf32, #tpu.memory_space<vmem>>, vector<16xf32>,
        %parallel_loop3A_259 = arith.index_cast %parallel_loop3A_220 : i32 to index
        %parallel_loop3A_260 = arith.constant 80 : index
        %parallel_loop3A_261 = tpu.vector_load %arg7[%parallel_loop3A_259, %parallel_loop3A_260] {strides = array<i32>} : memref<125x128xf32, #tpu.memory_space<vmem>>, vector<16xf32>,
        %parallel_loop3A_262 = arith.mulf %parallel_loop3A_261, %parallel_loop3A_223 : vector<16xf32>
        %parallel_loop3A_263 = arith.index_cast %parallel_loop3A_220 : i32 to index
        %parallel_loop3A_264 = arith.constant 80 : index
        %parallel_loop3A_265 = tpu.vector_load %arg7[%parallel_loop3A_263, %parallel_loop3A_264] {strides = array<i32>} : memref<125x128xf32, #tpu.memory_space<vmem>>, vector<16xf32>,
        tpu.vector_store %arg7[%parallel_loop3A_263, %parallel_loop3A_264], %parallel_loop3A_262 {strides = array<i32>} : memref<125x128xf32, #tpu.memory_space<vmem>>, vector<16xf32>,
        %parallel_loop3A_266 = arith.index_cast %parallel_loop3A_220 : i32 to index
        %parallel_loop3A_267 = arith.constant 96 : index
        %parallel_loop3A_268 = tpu.vector_load %arg7[%parallel_loop3A_266, %parallel_loop3A_267] {strides = array<i32>} : memref<125x128xf32, #tpu.memory_space<vmem>>, vector<16xf32>,
        %parallel_loop3A_269 = arith.mulf %parallel_loop3A_268, %parallel_loop3A_223 : vector<16xf32>
        %parallel_loop3A_270 = arith.index_cast %parallel_loop3A_220 : i32 to index
        %parallel_loop3A_271 = arith.constant 96 : index
        %parallel_loop3A_272 = tpu.vector_load %arg7[%parallel_loop3A_270, %parallel_loop3A_271] {strides = array<i32>} : memref<125x128xf32, #tpu.memory_space<vmem>>, vector<16xf32>,
        tpu.vector_store %arg7[%parallel_loop3A_270, %parallel_loop3A_271], %parallel_loop3A_269 {strides = array<i32>} : memref<125x128xf32, #tpu.memory_space<vmem>>, vector<16xf32>,
        %parallel_loop3A_273 = arith.index_cast %parallel_loop3A_220 : i32 to index
        %parallel_loop3A_274 = arith.constant 112 : index
        %parallel_loop3A_275 = tpu.vector_load %arg7[%parallel_loop3A_273, %parallel_loop3A_274] {strides = array<i32>} : memref<125x128xf32, #tpu.memory_space<vmem>>, vector<16xf32>,
        %parallel_loop3A_276 = arith.mulf %parallel_loop3A_275, %parallel_loop3A_223 : vector<16xf32>
        %parallel_loop3A_277 = arith.index_cast %parallel_loop3A_220 : i32 to index
        %parallel_loop3A_278 = arith.constant 112 : index
        %parallel_loop3A_279 = tpu.vector_load %arg7[%parallel_loop3A_277, %parallel_loop3A_278] {strides = array<i32>} : memref<125x128xf32, #tpu.memory_space<vmem>>, vector<16xf32>,
        tpu.vector_store %arg7[%parallel_loop3A_277, %parallel_loop3A_278], %parallel_loop3A_276 {strides = array<i32>} : memref<125x128xf32, #tpu.memory_space<vmem>>, vector<16xf32>,
      } {sc.loop_unroll_factor = 1 : i64, sc.parallel_access}
      %dma_start3A_201 = arith.constant 1 : i32
      %dma_start3A_202 = arith.constant 0 : i32
      %dma_start3A_203 = tpu.memref_slice %arg11[%dma_start3A_201, %dma_start3A_202] : memref<3x125xi32, #tpu.memory_space<vmem>> -> memref<1x125xi32, #tpu.memory_space<vmem>>
      %dma_start3A_204 = tpu.memref_squeeze %dma_start3A_203 : memref<1x125xi32, #tpu.memory_space<vmem>> -> memref<125xi32, #tpu.memory_space<vmem>>
      %dma_start3A_205 = arith.constant 0 : i32
      %dma_start3A_206 = arith.constant 0 : i32
      %dma_start3A_207 = tpu.memref_slice %arg21[%dma_start3A_205, %dma_start3A_206] : memref<10000x128xf32, #tpu.memory_space<vmem_shared>> -> memref<10000x128xf32, #tpu.memory_space<vmem_shared>>
      tpu.enqueue_indirect_dma source(%arg7 : memref<125x128xf32, #tpu.memory_space<vmem>>) target(%dma_start3A_207 : memref<10000x128xf32, #tpu.memory_space<vmem_shared>>) offsets(%dma_start3A_204 : memref<125xi32, #tpu.memory_space<vmem>>) semaphore(%arg15 : memref<!tpu.dma_semaphore, #tpu.memory_space<semaphore_mem>>) {add = true}
      tpu.wait_dma2 semaphore(%arg14 : memref<!tpu.dma_semaphore, #tpu.memory_space<semaphore_mem>>) src(%arg5 : memref<125x128xf32, #tpu.memory_space<hbm>>) dst(%arg7 : memref<125x128xf32, #tpu.memory_space<vmem>>)
      %broadcast_in_dim3A_208 = arith.constant 2 : i32
      %broadcast_in_dim3A_209 = vector.broadcast %broadcast_in_dim3A_208 : i32 to vector<16xi32>
      %parallel_loop3A_210 = arith.constant 0 : i32
      %parallel_loop3A_211 = arith.constant 125 : i32
      %parallel_loop3A_212 = arith.constant 1 : i32
      scf.for %parallel_loop3A_220 = %parallel_loop3A_210 to %parallel_loop3A_211 step %parallel_loop3A_212  : i32 {
        %parallel_loop3A_221 = vector.broadcast %parallel_loop3A_220 : i32 to vector<16xi32>
        %parallel_loop3A_222 = tpu.vector_load_idx %arg12[%broadcast_in_dim3A_209, %parallel_loop3A_221] : memref<3x125xi32, #tpu.memory_space<vmem>>[vector<16xi32>, vector<16xi32>], vector<16xi32>,
        %parallel_loop3A_223 = vector.bitcast %parallel_loop3A_222 : vector<16xi32> to vector<16xf32>
        %parallel_loop3A_224 = arith.index_cast %parallel_loop3A_220 : i32 to index
        %parallel_loop3A_225 = arith.constant 0 : index
        %parallel_loop3A_226 = tpu.vector_load %arg8[%parallel_loop3A_224, %parallel_loop3A_225] {strides = array<i32>} : memref<125x128xf32, #tpu.memory_space<vmem>>, vector<16xf32>,
        %parallel_loop3A_227 = arith.mulf %parallel_loop3A_226, %parallel_loop3A_223 : vector<16xf32>
        %parallel_loop3A_228 = arith.index_cast %parallel_loop3A_220 : i32 to index
        %parallel_loop3A_229 = arith.constant 0 : index
        %parallel_loop3A_230 = tpu.vector_load %arg8[%parallel_loop3A_228, %parallel_loop3A_229] {strides = array<i32>} : memref<125x128xf32, #tpu.memory_space<vmem>>, vector<16xf32>,
        tpu.vector_store %arg8[%parallel_loop3A_228, %parallel_loop3A_229], %parallel_loop3A_227 {strides = array<i32>} : memref<125x128xf32, #tpu.memory_space<vmem>>, vector<16xf32>,
        %parallel_loop3A_231 = arith.index_cast %parallel_loop3A_220 : i32 to index
        %parallel_loop3A_232 = arith.constant 16 : index
        %parallel_loop3A_233 = tpu.vector_load %arg8[%parallel_loop3A_231, %parallel_loop3A_232] {strides = array<i32>} : memref<125x128xf32, #tpu.memory_space<vmem>>, vector<16xf32>,
        %parallel_loop3A_234 = arith.mulf %parallel_loop3A_233, %parallel_loop3A_223 : vector<16xf32>
        %parallel_loop3A_235 = arith.index_cast %parallel_loop3A_220 : i32 to index
        %parallel_loop3A_236 = arith.constant 16 : index
        %parallel_loop3A_237 = tpu.vector_load %arg8[%parallel_loop3A_235, %parallel_loop3A_236] {strides = array<i32>} : memref<125x128xf32, #tpu.memory_space<vmem>>, vector<16xf32>,
        tpu.vector_store %arg8[%parallel_loop3A_235, %parallel_loop3A_236], %parallel_loop3A_234 {strides = array<i32>} : memref<125x128xf32, #tpu.memory_space<vmem>>, vector<16xf32>,
        %parallel_loop3A_238 = arith.index_cast %parallel_loop3A_220 : i32 to index
        %parallel_loop3A_239 = arith.constant 32 : index
        %parallel_loop3A_240 = tpu.vector_load %arg8[%parallel_loop3A_238, %parallel_loop3A_239] {strides = array<i32>} : memref<125x128xf32, #tpu.memory_space<vmem>>, vector<16xf32>,
        %parallel_loop3A_241 = arith.mulf %parallel_loop3A_240, %parallel_loop3A_223 : vector<16xf32>
        %parallel_loop3A_242 = arith.index_cast %parallel_loop3A_220 : i32 to index
        %parallel_loop3A_243 = arith.constant 32 : index
        %parallel_loop3A_244 = tpu.vector_load %arg8[%parallel_loop3A_242, %parallel_loop3A_243] {strides = array<i32>} : memref<125x128xf32, #tpu.memory_space<vmem>>, vector<16xf32>,
        tpu.vector_store %arg8[%parallel_loop3A_242, %parallel_loop3A_243], %parallel_loop3A_241 {strides = array<i32>} : memref<125x128xf32, #tpu.memory_space<vmem>>, vector<16xf32>,
        %parallel_loop3A_245 = arith.index_cast %parallel_loop3A_220 : i32 to index
        %parallel_loop3A_246 = arith.constant 48 : index
        %parallel_loop3A_247 = tpu.vector_load %arg8[%parallel_loop3A_245, %parallel_loop3A_246] {strides = array<i32>} : memref<125x128xf32, #tpu.memory_space<vmem>>, vector<16xf32>,
        %parallel_loop3A_248 = arith.mulf %parallel_loop3A_247, %parallel_loop3A_223 : vector<16xf32>
        %parallel_loop3A_249 = arith.index_cast %parallel_loop3A_220 : i32 to index
        %parallel_loop3A_250 = arith.constant 48 : index
        %parallel_loop3A_251 = tpu.vector_load %arg8[%parallel_loop3A_249, %parallel_loop3A_250] {strides = array<i32>} : memref<125x128xf32, #tpu.memory_space<vmem>>, vector<16xf32>,
        tpu.vector_store %arg8[%parallel_loop3A_249, %parallel_loop3A_250], %parallel_loop3A_248 {strides = array<i32>} : memref<125x128xf32, #tpu.memory_space<vmem>>, vector<16xf32>,
        %parallel_loop3A_252 = arith.index_cast %parallel_loop3A_220 : i32 to index
        %parallel_loop3A_253 = arith.constant 64 : index
        %parallel_loop3A_254 = tpu.vector_load %arg8[%parallel_loop3A_252, %parallel_loop3A_253] {strides = array<i32>} : memref<125x128xf32, #tpu.memory_space<vmem>>, vector<16xf32>,
        %parallel_loop3A_255 = arith.mulf %parallel_loop3A_254, %parallel_loop3A_223 : vector<16xf32>
        %parallel_loop3A_256 = arith.index_cast %parallel_loop3A_220 : i32 to index
        %parallel_loop3A_257 = arith.constant 64 : index
        %parallel_loop3A_258 = tpu.vector_load %arg8[%parallel_loop3A_256, %parallel_loop3A_257] {strides = array<i32>} : memref<125x128xf32, #tpu.memory_space<vmem>>, vector<16xf32>,
        tpu.vector_store %arg8[%parallel_loop3A_256, %parallel_loop3A_257], %parallel_loop3A_255 {strides = array<i32>} : memref<125x128xf32, #tpu.memory_space<vmem>>, vector<16xf32>,
        %parallel_loop3A_259 = arith.index_cast %parallel_loop3A_220 : i32 to index
        %parallel_loop3A_260 = arith.constant 80 : index
        %parallel_loop3A_261 = tpu.vector_load %arg8[%parallel_loop3A_259, %parallel_loop3A_260] {strides = array<i32>} : memref<125x128xf32, #tpu.memory_space<vmem>>, vector<16xf32>,
        %parallel_loop3A_262 = arith.mulf %parallel_loop3A_261, %parallel_loop3A_223 : vector<16xf32>
        %parallel_loop3A_263 = arith.index_cast %parallel_loop3A_220 : i32 to index
        %parallel_loop3A_264 = arith.constant 80 : index
        %parallel_loop3A_265 = tpu.vector_load %arg8[%parallel_loop3A_263, %parallel_loop3A_264] {strides = array<i32>} : memref<125x128xf32, #tpu.memory_space<vmem>>, vector<16xf32>,
        tpu.vector_store %arg8[%parallel_loop3A_263, %parallel_loop3A_264], %parallel_loop3A_262 {strides = array<i32>} : memref<125x128xf32, #tpu.memory_space<vmem>>, vector<16xf32>,
        %parallel_loop3A_266 = arith.index_cast %parallel_loop3A_220 : i32 to index
        %parallel_loop3A_267 = arith.constant 96 : index
        %parallel_loop3A_268 = tpu.vector_load %arg8[%parallel_loop3A_266, %parallel_loop3A_267] {strides = array<i32>} : memref<125x128xf32, #tpu.memory_space<vmem>>, vector<16xf32>,
        %parallel_loop3A_269 = arith.mulf %parallel_loop3A_268, %parallel_loop3A_223 : vector<16xf32>
        %parallel_loop3A_270 = arith.index_cast %parallel_loop3A_220 : i32 to index
        %parallel_loop3A_271 = arith.constant 96 : index
        %parallel_loop3A_272 = tpu.vector_load %arg8[%parallel_loop3A_270, %parallel_loop3A_271] {strides = array<i32>} : memref<125x128xf32, #tpu.memory_space<vmem>>, vector<16xf32>,
        tpu.vector_store %arg8[%parallel_loop3A_270, %parallel_loop3A_271], %parallel_loop3A_269 {strides = array<i32>} : memref<125x128xf32, #tpu.memory_space<vmem>>, vector<16xf32>,
        %parallel_loop3A_273 = arith.index_cast %parallel_loop3A_220 : i32 to index
        %parallel_loop3A_274 = arith.constant 112 : index
        %parallel_loop3A_275 = tpu.vector_load %arg8[%parallel_loop3A_273, %parallel_loop3A_274] {strides = array<i32>} : memref<125x128xf32, #tpu.memory_space<vmem>>, vector<16xf32>,
        %parallel_loop3A_276 = arith.mulf %parallel_loop3A_275, %parallel_loop3A_223 : vector<16xf32>
        %parallel_loop3A_277 = arith.index_cast %parallel_loop3A_220 : i32 to index
        %parallel_loop3A_278 = arith.constant 112 : index
        %parallel_loop3A_279 = tpu.vector_load %arg8[%parallel_loop3A_277, %parallel_loop3A_278] {strides = array<i32>} : memref<125x128xf32, #tpu.memory_space<vmem>>, vector<16xf32>,
        tpu.vector_store %arg8[%parallel_loop3A_277, %parallel_loop3A_278], %parallel_loop3A_276 {strides = array<i32>} : memref<125x128xf32, #tpu.memory_space<vmem>>, vector<16xf32>,
      } {sc.loop_unroll_factor = 1 : i64, sc.parallel_access}
      %dma_start3A_213 = arith.constant 1 : i32
      %dma_start3A_214 = arith.constant 0 : i32
      %dma_start3A_215 = tpu.memref_slice %arg12[%dma_start3A_213, %dma_start3A_214] : memref<3x125xi32, #tpu.memory_space<vmem>> -> memref<1x125xi32, #tpu.memory_space<vmem>>
      %dma_start3A_216 = tpu.memref_squeeze %dma_start3A_215 : memref<1x125xi32, #tpu.memory_space<vmem>> -> memref<125xi32, #tpu.memory_space<vmem>>
      %dma_start3A_217 = arith.constant 0 : i32
      %dma_start3A_218 = arith.constant 0 : i32
      %dma_start3A_219 = tpu.memref_slice %arg21[%dma_start3A_217, %dma_start3A_218] : memref<10000x128xf32, #tpu.memory_space<vmem_shared>> -> memref<10000x128xf32, #tpu.memory_space<vmem_shared>>
      tpu.enqueue_indirect_dma source(%arg8 : memref<125x128xf32, #tpu.memory_space<vmem>>) target(%dma_start3A_219 : memref<10000x128xf32, #tpu.memory_space<vmem_shared>>) offsets(%dma_start3A_216 : memref<125xi32, #tpu.memory_space<vmem>>) semaphore(%arg16 : memref<!tpu.dma_semaphore, #tpu.memory_space<semaphore_mem>>) {add = true}
    }
    %scan3A_29 = arith.constant 20 : i32
    tpu.wait_dma2 semaphore(%arg15 : memref<!tpu.dma_semaphore, #tpu.memory_space<semaphore_mem>>) src(%arg5 : memref<125x128xf32, #tpu.memory_space<hbm>>) dst(%arg7 : memref<125x128xf32, #tpu.memory_space<vmem>>)
    tpu.wait_dma2 semaphore(%arg16 : memref<!tpu.dma_semaphore, #tpu.memory_space<semaphore_mem>>) src(%arg5 : memref<125x128xf32, #tpu.memory_space<hbm>>) dst(%arg7 : memref<125x128xf32, #tpu.memory_space<vmem>>)
    %barrier3A_30 = arith.constant 0 : index
    tpu.barrier barrier_id(%barrier3A_30)
    %lt3A_31 = arith.constant 15 : i32
    %lt3A_32 = arith.cmpi slt, %arg1, %lt3A_31 : i32
    %convert_element_type3A_33 = arith.extui %lt3A_32 : i1 to i32
    %cond3A_34 = arith.constant 0 : i32
    %cond3A_35 = arith.cmpi ne, %convert_element_type3A_33, %cond3A_34 : i32
    scf.if %cond3A_35 {
      "tpu.region"() ({
        %run_scoped3A = tpu.sem_alloc : memref<!tpu.dma_semaphore, #tpu.memory_space<semaphore_mem>>
        %dma_start3A_41 = arith.constant 0 : i32
        %dma_start3A_42 = arith.constant 0 : i32
        %dma_start3A_43 = tpu.memref_slice %arg6[%arg0, %dma_start3A_41, %dma_start3A_42] : memref<2x10000x128xf32, #tpu.memory_space<hbm>> -> memref<1x10000x128xf32, #tpu.memory_space<hbm>>
        %dma_start3A_44 = tpu.memref_squeeze %dma_start3A_43 : memref<1x10000x128xf32, #tpu.memory_space<hbm>> -> memref<10000x128xf32, #tpu.memory_space<hbm>>
        %dma_start3A_45 = arith.constant 0 : i32
        %dma_start3A_46 = tpu.memref_slice %dma_start3A_44[%multiple_of3A, %dma_start3A_45] : memref<10000x128xf32, #tpu.memory_space<hbm>> -> memref<624x128xf32, #tpu.memory_space<hbm>>
        %dma_start3A_47 = arith.constant 0 : i32
        %dma_start3A_48 = tpu.memref_slice %arg21[%multiple_of3A, %dma_start3A_47] : memref<10000x128xf32, #tpu.memory_space<vmem_shared>> -> memref<624x128xf32, #tpu.memory_space<vmem_shared>>
        tpu.enqueue_dma source(%dma_start3A_48 : memref<624x128xf32, #tpu.memory_space<vmem_shared>>) target(%dma_start3A_46 : memref<624x128xf32, #tpu.memory_space<hbm>>) target_semaphore(%run_scoped3A : memref<!tpu.dma_semaphore, #tpu.memory_space<semaphore_mem>>)
        %dma_wait3A = arith.constant 0 : i32
        %dma_wait3A_49 = arith.constant 0 : i32
        %dma_wait3A_50 = tpu.memref_slice %arg6[%arg0, %dma_wait3A, %dma_wait3A_49] : memref<2x10000x128xf32, #tpu.memory_space<hbm>> -> memref<1x10000x128xf32, #tpu.memory_space<hbm>>
        %dma_wait3A_51 = tpu.memref_squeeze %dma_wait3A_50 : memref<1x10000x128xf32, #tpu.memory_space<hbm>> -> memref<10000x128xf32, #tpu.memory_space<hbm>>
        %dma_wait3A_52 = arith.constant 0 : i32
        %dma_wait3A_53 = tpu.memref_slice %dma_wait3A_51[%multiple_of3A, %dma_wait3A_52] : memref<10000x128xf32, #tpu.memory_space<hbm>> -> memref<624x128xf32, #tpu.memory_space<hbm>>
        %dma_wait3A_54 = arith.constant 0 : i32
        %dma_wait3A_55 = tpu.memref_slice %arg21[%multiple_of3A, %dma_wait3A_54] : memref<10000x128xf32, #tpu.memory_space<vmem_shared>> -> memref<624x128xf32, #tpu.memory_space<vmem_shared>>
        tpu.wait_dma2 semaphore(%run_scoped3A : memref<!tpu.dma_semaphore, #tpu.memory_space<semaphore_mem>>) src(%dma_wait3A_55 : memref<624x128xf32, #tpu.memory_space<vmem_shared>>) dst(%dma_wait3A_53 : memref<624x128xf32, #tpu.memory_space<hbm>>)
        tpu.yield
      }) : () -> ()
    } else {
    }
    %eq3A_36 = arith.constant 15 : i32
    %eq3A_37 = arith.cmpi eq, %arg1, %eq3A_36 : i32
    %convert_element_type3A_38 = arith.extui %eq3A_37 : i1 to i32
    %cond3A_39 = arith.constant 0 : i32
    %cond3A_40 = arith.cmpi ne, %convert_element_type3A_38, %cond3A_39 : i32
    scf.if %cond3A_40 {
      "tpu.region"() ({
        %run_scoped3A = tpu.sem_alloc : memref<!tpu.dma_semaphore, #tpu.memory_space<semaphore_mem>>
        %dma_start3A_41 = arith.constant 0 : i32
        %dma_start3A_42 = arith.constant 0 : i32
        %dma_start3A_43 = tpu.memref_slice %arg6[%arg0, %dma_start3A_41, %dma_start3A_42] : memref<2x10000x128xf32, #tpu.memory_space<hbm>> -> memref<1x10000x128xf32, #tpu.memory_space<hbm>>
        %dma_start3A_44 = tpu.memref_squeeze %dma_start3A_43 : memref<1x10000x128xf32, #tpu.memory_space<hbm>> -> memref<10000x128xf32, #tpu.memory_space<hbm>>
        %dma_start3A_45 = arith.constant 0 : i32
        %dma_start3A_46 = tpu.memref_slice %dma_start3A_44[%multiple_of3A, %dma_start3A_45] : memref<10000x128xf32, #tpu.memory_space<hbm>> -> memref<640x128xf32, #tpu.memory_space<hbm>>
        %dma_start3A_47 = arith.constant 0 : i32
        %dma_start3A_48 = tpu.memref_slice %arg21[%multiple_of3A, %dma_start3A_47] : memref<10000x128xf32, #tpu.memory_space<vmem_shared>> -> memref<640x128xf32, #tpu.memory_space<vmem_shared>>
        tpu.enqueue_dma source(%dma_start3A_48 : memref<640x128xf32, #tpu.memory_space<vmem_shared>>) target(%dma_start3A_46 : memref<640x128xf32, #tpu.memory_space<hbm>>) target_semaphore(%run_scoped3A : memref<!tpu.dma_semaphore, #tpu.memory_space<semaphore_mem>>)
        %dma_wait3A = arith.constant 0 : i32
        %dma_wait3A_49 = arith.constant 0 : i32
        %dma_wait3A_50 = tpu.memref_slice %arg6[%arg0, %dma_wait3A, %dma_wait3A_49] : memref<2x10000x128xf32, #tpu.memory_space<hbm>> -> memref<1x10000x128xf32, #tpu.memory_space<hbm>>
        %dma_wait3A_51 = tpu.memref_squeeze %dma_wait3A_50 : memref<1x10000x128xf32, #tpu.memory_space<hbm>> -> memref<10000x128xf32, #tpu.memory_space<hbm>>
        %dma_wait3A_52 = arith.constant 0 : i32
        %dma_wait3A_53 = tpu.memref_slice %dma_wait3A_51[%multiple_of3A, %dma_wait3A_52] : memref<10000x128xf32, #tpu.memory_space<hbm>> -> memref<640x128xf32, #tpu.memory_space<hbm>>
        %dma_wait3A_54 = arith.constant 0 : i32
        %dma_wait3A_55 = tpu.memref_slice %arg21[%multiple_of3A, %dma_wait3A_54] : memref<10000x128xf32, #tpu.memory_space<vmem_shared>> -> memref<640x128xf32, #tpu.memory_space<vmem_shared>>
        tpu.wait_dma2 semaphore(%run_scoped3A : memref<!tpu.dma_semaphore, #tpu.memory_space<semaphore_mem>>) src(%dma_wait3A_55 : memref<640x128xf32, #tpu.memory_space<vmem_shared>>) dst(%dma_wait3A_53 : memref<640x128xf32, #tpu.memory_space<hbm>>)
        tpu.yield
      }) : () -> ()
    } else {
    }
    return
  }
}

module attributes {stable_mosaic.version = 14 : i64} {
  func.func @_tc_a_body(%arg0: i32, %arg1: memref<1000x32xf32, #tpu.memory_space<vmem>>, %arg2: memref<1000x128xf32, #tpu.memory_space<vmem>>, %arg3: memref<128x128xf32, #tpu.memory_space<vmem>>, %arg4: memref<1000x1xf32, #tpu.memory_space<vmem>>, %arg5: memref<1000x128xf32, #tpu.memory_space<vmem>>) attributes {dimension_semantics = [#tpu.dimension_semantics<arbitrary>], iteration_bounds = array<i64: 10>, scalar_prefetch = 0 : i64, scratch_operands = 0 : i64, tpu.core_type = #tpu.core_type<tc>, window_params = [{transform_indices = @transform_0, window_bounds = array<i64: 1000, 32>}, {transform_indices = @transform_1, window_bounds = array<i64: 1000, 128>}, {pipeline_mode = #tpu.pipeline_mode<synchronous>, transform_indices = @transform_2, window_bounds = array<i64: 128, 128>}, {transform_indices = @transform_3, window_bounds = array<i64: 1000, 1>}, {transform_indices = @transform_4, window_bounds = array<i64: 1000, 128>}]} {
    %get3A = arith.constant 0 : index
    %get3A_0 = arith.constant 0 : index
    %get3A_1 = vector.load %arg1[%get3A, %get3A_0] : memref<1000x32xf32, #tpu.memory_space<vmem>>, vector<1000x32xf32>
    %reduce_sum3A = arith.constant dense<0.000000e+00> : vector<1000xf32>
    %reduce_sum3A_2 = vector.multi_reduction <add>, %get3A_1, %reduce_sum3A [1] : vector<1000x32xf32> to vector<1000xf32>
    %broadcast_in_dim3A = vector.shape_cast %reduce_sum3A_2 : vector<1000xf32> to vector<1000x1xf32>
    %add3A = arith.constant 1.000000e+00 : f32
    %add3A_3 = vector.broadcast %add3A : f32 to vector<1000x1xf32>
    %add3A_4 = arith.addf %broadcast_in_dim3A, %add3A_3 : vector<1000x1xf32>
    %rsqrt3A = math.rsqrt %add3A_4 : vector<1000x1xf32>
    %swap3A = arith.constant 0 : index
    %swap3A_5 = arith.constant 0 : index
    %swap3A_6 = vector.load %arg4[%swap3A, %swap3A_5] : memref<1000x1xf32, #tpu.memory_space<vmem>>, vector<1000x1xf32>
    tpu.vector_store %arg4[%swap3A, %swap3A_5], %rsqrt3A {strides = array<i32>} : memref<1000x1xf32, #tpu.memory_space<vmem>>, vector<1000x1xf32>,
    %get3A_7 = arith.constant 0 : index
    %get3A_8 = arith.constant 0 : index
    %get3A_9 = vector.load %arg2[%get3A_7, %get3A_8] : memref<1000x128xf32, #tpu.memory_space<vmem>>, vector<1000x128xf32>
    %get3A_10 = arith.constant 0 : index
    %get3A_11 = arith.constant 0 : index
    %get3A_12 = vector.load %arg3[%get3A_10, %get3A_11] : memref<128x128xf32, #tpu.memory_space<vmem>>, vector<128x128xf32>
    %dot_general3A = arith.constant dense<0.000000e+00> : vector<1000x128xf32>
    %dot_general3A_13 = tpu.matmul %get3A_9, %get3A_12, %dot_general3A {dimension_numbers = #tpu.dot_dimension_numbers<[1], [0], [0], [1], [0, 0, 1, 1], [], []>, transpose_lhs_hint = false} : vector<1000x128xf32>, vector<128x128xf32>, vector<1000x128xf32> -> vector<1000x128xf32>
    %mul3A = vector.broadcast %rsqrt3A : vector<1000x1xf32> to vector<1000x128xf32>
    %mul3A_14 = arith.mulf %mul3A, %dot_general3A_13 : vector<1000x128xf32>
    %swap3A_15 = arith.constant 0 : index
    %swap3A_16 = arith.constant 0 : index
    %swap3A_17 = vector.load %arg5[%swap3A_15, %swap3A_16] : memref<1000x128xf32, #tpu.memory_space<vmem>>, vector<1000x128xf32>
    tpu.vector_store %arg5[%swap3A_15, %swap3A_16], %mul3A_14 {strides = array<i32>} : memref<1000x128xf32, #tpu.memory_space<vmem>>, vector<1000x128xf32>,
    return
  }
  func.func @transform_0(%arg0: i32) -> (i32, i32) {
    %c0_i32 = arith.constant 0 : i32
    %c0_i32_0 = arith.constant 0 : i32
    return %arg0, %c0_i32 : i32, i32
  }
  func.func @transform_1(%arg0: i32) -> (i32, i32) {
    %c0_i32 = arith.constant 0 : i32
    %c0_i32_0 = arith.constant 0 : i32
    return %arg0, %c0_i32 : i32, i32
  }
  func.func @transform_2(%arg0: i32) -> (i32, i32) {
    %c0_i32 = arith.constant 0 : i32
    %c0_i32_0 = arith.constant 0 : i32
    %c0_i32_1 = arith.constant 0 : i32
    return %c0_i32, %c0_i32_0 : i32, i32
  }
  func.func @transform_3(%arg0: i32) -> (i32, i32) {
    %c0_i32 = arith.constant 0 : i32
    %c0_i32_0 = arith.constant 0 : i32
    return %arg0, %c0_i32 : i32, i32
  }
  func.func @transform_4(%arg0: i32) -> (i32, i32) {
    %c0_i32 = arith.constant 0 : i32
    %c0_i32_0 = arith.constant 0 : i32
    return %arg0, %c0_i32 : i32, i32
  }
}

module attributes {stable_mosaic.version = 14 : i64} {
  func.func @_tc_b_body(%arg0: i32, %arg1: memref<2x1000x128xf32, #tpu.memory_space<vmem>>, %arg2: memref<1000x128xf32, #tpu.memory_space<vmem>>, %arg3: memref<1000x1xf32, #tpu.memory_space<vmem>>, %arg4: memref<1x128xf32, #tpu.memory_space<vmem>>, %arg5: memref<128x128xf32, #tpu.memory_space<vmem>>, %arg6: memref<1000x128xf32, #tpu.memory_space<vmem>>) attributes {dimension_semantics = [#tpu.dimension_semantics<arbitrary>], iteration_bounds = array<i64: 10>, scalar_prefetch = 0 : i64, scratch_operands = 0 : i64, tpu.core_type = #tpu.core_type<tc>, window_params = [{transform_indices = @transform_0, window_bounds = array<i64: 2, 1000, 128>}, {transform_indices = @transform_1, window_bounds = array<i64: 1000, 128>}, {transform_indices = @transform_2, window_bounds = array<i64: 1000, 1>}, {pipeline_mode = #tpu.pipeline_mode<synchronous>, transform_indices = @transform_3, window_bounds = array<i64: 1, 128>}, {pipeline_mode = #tpu.pipeline_mode<synchronous>, transform_indices = @transform_4, window_bounds = array<i64: 128, 128>}, {transform_indices = @transform_5, window_bounds = array<i64: 1000, 128>}]} {
    %get3A = arith.constant 0 : index
    %get3A_0 = arith.constant 0 : index
    %get3A_1 = vector.load %arg3[%get3A, %get3A_0] : memref<1000x1xf32, #tpu.memory_space<vmem>>, vector<1000x1xf32>
    %get3A_2 = arith.constant 0 : index
    %get3A_3 = arith.constant 0 : index
    %get3A_4 = arith.constant 0 : index
    %get3A_5 = vector.load %arg1[%get3A_2, %get3A_3, %get3A_4] : memref<2x1000x128xf32, #tpu.memory_space<vmem>>, vector<1x1000x128xf32>
    %get3A_6 = vector.shape_cast %get3A_5 : vector<1x1000x128xf32> to vector<1000x128xf32>
    %get3A_7 = arith.constant 1 : index
    %get3A_8 = arith.constant 0 : index
    %get3A_9 = arith.constant 0 : index
    %get3A_10 = vector.load %arg1[%get3A_7, %get3A_8, %get3A_9] : memref<2x1000x128xf32, #tpu.memory_space<vmem>>, vector<1x1000x128xf32>
    %get3A_11 = vector.shape_cast %get3A_10 : vector<1x1000x128xf32> to vector<1000x128xf32>
    %add3A = arith.addf %get3A_6, %get3A_11 : vector<1000x128xf32>
    %get3A_12 = arith.constant 0 : index
    %get3A_13 = arith.constant 0 : index
    %get3A_14 = vector.load %arg2[%get3A_12, %get3A_13] : memref<1000x128xf32, #tpu.memory_space<vmem>>, vector<1000x128xf32>
    %add3A_15 = arith.addf %add3A, %get3A_14 : vector<1000x128xf32>
    %mul3A = vector.broadcast %get3A_1 : vector<1000x1xf32> to vector<1000x128xf32>
    %mul3A_16 = arith.mulf %mul3A, %add3A_15 : vector<1000x128xf32>
    %get3A_17 = arith.constant 0 : index
    %get3A_18 = arith.constant 0 : index
    %get3A_19 = vector.load %arg4[%get3A_17, %get3A_18] : memref<1x128xf32, #tpu.memory_space<vmem>>, vector<1x128xf32>
    %add3A_20 = vector.broadcast %get3A_19 : vector<1x128xf32> to vector<1000x128xf32>
    %add3A_21 = arith.addf %mul3A_16, %add3A_20 : vector<1000x128xf32>
    %max3A = arith.constant 0.000000e+00 : f32
    %max3A_22 = vector.broadcast %max3A : f32 to vector<1000x128xf32>
    %max3A_23 = arith.maximumf %add3A_21, %max3A_22 : vector<1000x128xf32>
    %get3A_24 = arith.constant 0 : index
    %get3A_25 = arith.constant 0 : index
    %get3A_26 = vector.load %arg5[%get3A_24, %get3A_25] : memref<128x128xf32, #tpu.memory_space<vmem>>, vector<128x128xf32>
    %dot_general3A = arith.constant dense<0.000000e+00> : vector<1000x128xf32>
    %dot_general3A_27 = tpu.matmul %max3A_23, %get3A_26, %dot_general3A {dimension_numbers = #tpu.dot_dimension_numbers<[1], [0], [0], [1], [0, 0, 1, 1], [], []>, transpose_lhs_hint = false} : vector<1000x128xf32>, vector<128x128xf32>, vector<1000x128xf32> -> vector<1000x128xf32>
    %mul3A_28 = vector.broadcast %get3A_1 : vector<1000x1xf32> to vector<1000x128xf32>
    %mul3A_29 = arith.mulf %mul3A_28, %dot_general3A_27 : vector<1000x128xf32>
    %swap3A = arith.constant 0 : index
    %swap3A_30 = arith.constant 0 : index
    %swap3A_31 = vector.load %arg6[%swap3A, %swap3A_30] : memref<1000x128xf32, #tpu.memory_space<vmem>>, vector<1000x128xf32>
    tpu.vector_store %arg6[%swap3A, %swap3A_30], %mul3A_29 {strides = array<i32>} : memref<1000x128xf32, #tpu.memory_space<vmem>>, vector<1000x128xf32>,
    return
  }
  func.func @transform_0(%arg0: i32) -> (i32, i32, i32) {
    %c0_i32 = arith.constant 0 : i32
    %c0_i32_0 = arith.constant 0 : i32
    %c0_i32_1 = arith.constant 0 : i32
    return %c0_i32, %arg0, %c0_i32_0 : i32, i32, i32
  }
  func.func @transform_1(%arg0: i32) -> (i32, i32) {
    %c0_i32 = arith.constant 0 : i32
    %c0_i32_0 = arith.constant 0 : i32
    return %arg0, %c0_i32 : i32, i32
  }
  func.func @transform_2(%arg0: i32) -> (i32, i32) {
    %c0_i32 = arith.constant 0 : i32
    %c0_i32_0 = arith.constant 0 : i32
    return %arg0, %c0_i32 : i32, i32
  }
  func.func @transform_3(%arg0: i32) -> (i32, i32) {
    %c0_i32 = arith.constant 0 : i32
    %c0_i32_0 = arith.constant 0 : i32
    %c0_i32_1 = arith.constant 0 : i32
    return %c0_i32, %c0_i32_0 : i32, i32
  }
  func.func @transform_4(%arg0: i32) -> (i32, i32) {
    %c0_i32 = arith.constant 0 : i32
    %c0_i32_0 = arith.constant 0 : i32
    %c0_i32_1 = arith.constant 0 : i32
    return %c0_i32, %c0_i32_0 : i32, i32
  }
  func.func @transform_5(%arg0: i32) -> (i32, i32) {
    %c0_i32 = arith.constant 0 : i32
    %c0_i32_0 = arith.constant 0 : i32
    return %arg0, %c0_i32 : i32, i32
  }
}

module attributes {stable_mosaic.version = 14 : i64} {
  func.func @_tc_c_body(%arg0: i32, %arg1: memref<2x1000x128xf32, #tpu.memory_space<vmem>>, %arg2: memref<1000x128xf32, #tpu.memory_space<vmem>>, %arg3: memref<1000x1xf32, #tpu.memory_space<vmem>>, %arg4: memref<1x128xf32, #tpu.memory_space<vmem>>, %arg5: memref<1000x128xf32, #tpu.memory_space<vmem>>) attributes {dimension_semantics = [#tpu.dimension_semantics<arbitrary>], iteration_bounds = array<i64: 10>, scalar_prefetch = 0 : i64, scratch_operands = 0 : i64, tpu.core_type = #tpu.core_type<tc>, window_params = [{transform_indices = @transform_0, window_bounds = array<i64: 2, 1000, 128>}, {transform_indices = @transform_1, window_bounds = array<i64: 1000, 128>}, {transform_indices = @transform_2, window_bounds = array<i64: 1000, 1>}, {pipeline_mode = #tpu.pipeline_mode<synchronous>, transform_indices = @transform_3, window_bounds = array<i64: 1, 128>}, {transform_indices = @transform_4, window_bounds = array<i64: 1000, 128>}]} {
    %get3A = arith.constant 0 : index
    %get3A_0 = arith.constant 0 : index
    %get3A_1 = vector.load %arg3[%get3A, %get3A_0] : memref<1000x1xf32, #tpu.memory_space<vmem>>, vector<1000x1xf32>
    %get3A_2 = arith.constant 0 : index
    %get3A_3 = arith.constant 0 : index
    %get3A_4 = arith.constant 0 : index
    %get3A_5 = vector.load %arg1[%get3A_2, %get3A_3, %get3A_4] : memref<2x1000x128xf32, #tpu.memory_space<vmem>>, vector<1x1000x128xf32>
    %get3A_6 = vector.shape_cast %get3A_5 : vector<1x1000x128xf32> to vector<1000x128xf32>
    %get3A_7 = arith.constant 1 : index
    %get3A_8 = arith.constant 0 : index
    %get3A_9 = arith.constant 0 : index
    %get3A_10 = vector.load %arg1[%get3A_7, %get3A_8, %get3A_9] : memref<2x1000x128xf32, #tpu.memory_space<vmem>>, vector<1x1000x128xf32>
    %get3A_11 = vector.shape_cast %get3A_10 : vector<1x1000x128xf32> to vector<1000x128xf32>
    %add3A = arith.addf %get3A_6, %get3A_11 : vector<1000x128xf32>
    %get3A_12 = arith.constant 0 : index
    %get3A_13 = arith.constant 0 : index
    %get3A_14 = vector.load %arg2[%get3A_12, %get3A_13] : memref<1000x128xf32, #tpu.memory_space<vmem>>, vector<1000x128xf32>
    %add3A_15 = arith.addf %add3A, %get3A_14 : vector<1000x128xf32>
    %mul3A = vector.broadcast %get3A_1 : vector<1000x1xf32> to vector<1000x128xf32>
    %mul3A_16 = arith.mulf %mul3A, %add3A_15 : vector<1000x128xf32>
    %get3A_17 = arith.constant 0 : index
    %get3A_18 = arith.constant 0 : index
    %get3A_19 = vector.load %arg4[%get3A_17, %get3A_18] : memref<1x128xf32, #tpu.memory_space<vmem>>, vector<1x128xf32>
    %add3A_20 = vector.broadcast %get3A_19 : vector<1x128xf32> to vector<1000x128xf32>
    %add3A_21 = arith.addf %mul3A_16, %add3A_20 : vector<1000x128xf32>
    %swap3A = arith.constant 0 : index
    %swap3A_22 = arith.constant 0 : index
    %swap3A_23 = vector.load %arg5[%swap3A, %swap3A_22] : memref<1000x128xf32, #tpu.memory_space<vmem>>, vector<1000x128xf32>
    tpu.vector_store %arg5[%swap3A, %swap3A_22], %add3A_21 {strides = array<i32>} : memref<1000x128xf32, #tpu.memory_space<vmem>>, vector<1000x128xf32>,
    return
  }
  func.func @transform_0(%arg0: i32) -> (i32, i32, i32) {
    %c0_i32 = arith.constant 0 : i32
    %c0_i32_0 = arith.constant 0 : i32
    %c0_i32_1 = arith.constant 0 : i32
    return %c0_i32, %arg0, %c0_i32_0 : i32, i32, i32
  }
  func.func @transform_1(%arg0: i32) -> (i32, i32) {
    %c0_i32 = arith.constant 0 : i32
    %c0_i32_0 = arith.constant 0 : i32
    return %arg0, %c0_i32 : i32, i32
  }
  func.func @transform_2(%arg0: i32) -> (i32, i32) {
    %c0_i32 = arith.constant 0 : i32
    %c0_i32_0 = arith.constant 0 : i32
    return %arg0, %c0_i32 : i32, i32
  }
  func.func @transform_3(%arg0: i32) -> (i32, i32) {
    %c0_i32 = arith.constant 0 : i32
    %c0_i32_0 = arith.constant 0 : i32
    %c0_i32_1 = arith.constant 0 : i32
    return %c0_i32, %c0_i32_0 : i32, i32
  }
  func.func @transform_4(%arg0: i32) -> (i32, i32) {
    %c0_i32 = arith.constant 0 : i32
    %c0_i32_0 = arith.constant 0 : i32
    return %arg0, %c0_i32 : i32, i32
  }
}

</mosaic_0001>

<sc_bundles>
// kernel: kernel.11.cloned.1.call-start
scs
__scs_entry_jumppad:
0x0: {  	(pc) =	sbr.rel $0x88, $3  }
0x1: {  	(tag) =	ssettag $0x0;
	lr =	simm.s32 $0x1  }
0x2: {  	[smem:$0x3F9A] =	sst lr;
	_ =	strace $0xD0000000  }
0x3: {  	_ = 	snop  }
0x4: {  	_ = 	snop  }
0x5: {  	_ = 	snop  }
0x6: {  	_ = 	snop  }
0x7: {  	_ = 	snop  }
__scs_overlays_trampoline_lowered:
0x8: {  	[smem:$0x3FA9] =	sst s0  }
0x9: {  	[smem:$0x3FAA] =	sst s1  }
0xa: {  	[smem:$0x3FAB] =	sst s2  }
0xb: {  	[smem:$0x3FAC] =	sst s3  }
0xc: {  	[smem:$0x3FAD] =	sst s4  }
0xd: {  	[smem:$0x3FAE] =	sst s5  }
0xe: {  	[smem:$0x3FAF] =	sst s6  }
0xf: {  	[smem:$0x3FB0] =	sst s7  }
0x10: {  	[smem:$0x3FB1] =	sst s8  }
0x11: {  	[smem:$0x3FB2] =	sst s9;
	s0 =	simm.s32 @!p0 $0x0  }
0x12: {  	s1 =	sld [smem:$0x3F98];
	s0 =	simm.s32 @p0 $0x1  }
0x13: {  	[smem:$0x3FB3] =	sst s0;
	s0 =	simm.s32 @!p1 $0x0  }
0x14: {  	s2 =	sld [smem:$0x3F97];
	s0 =	simm.s32 @p1 $0x1  }
0x15: {  	[smem:$0x3FB4] =	sst s0;
	s0 =	simm.s32 @!p2 $0x0  }
0x16: {  	s3 =	sld [smem:$0x3FDB];
	s0 =	simm.s32 @p2 $0x1  }
0x17: {  	s4 =	simm.s32 $0x1BF5;
	[smem:$0x3FB6] =	sst s0  }
0x18: {  	s0 =	sld [smem:$0x3F99];
	_ =	swait.ge [sflag:s4], $0x0  }
0x19: {  	s7 =	sld [smem:$0x3F9A]  }
0x1a: {  	s8 =	sadd.s32 $0xFFFFE003, lr  }
0x1b: {  	s9 =	sadd.s32 $0xFFFFFEF7, lr;
	s5 =	simm.s32 $0xFFFFFFFF;
	p2 =	slt.u32 s8, $0xFFFFF086  }
0x1c: {  	p1 =	slt.u32 s9, $0xF7A;
	s5 =	simm.s32 @!p2 $0x0  }
0x1d: {  	s5 =	simm.s32 @p1 $0x1;
	p0 =	seq.s32 s7, s2  }
0x1e: {  	s7 =	smul.u32 @!p0 $0xF7A, s2;
	p2 =	seq.s32 @!p0 s5, $0x0  }
0x1f: {  	s9 =	smul.u32 $0xF7A, s1;
	s8 =	simm.s32 @!p0 $0x1BF5;
	p2 =	por !p2, p0  }
0x20: {  	[sflag:s8] =	ssyncset.s32 @!p0 $0xFFFFF086;
	s6 =	sadd.s32 @!p0 s3, s7;
	s7 =	simm.s32 @!p0 $0x108  }
0x21: {  	s3 =	sadd.s32 s3, s9;
	s6 =	sadd.s32 @!p0 $0x88, s6;
	s7 =	simm.s32 @p2 $0x1082  }
0x22: {  	[simem:s7], [sflag:s8] =	dma.local @!p0 [hbm:s6], $0xF7A  }
0x23: {  	s9 =	sor.u32 $0xD0000000, s2;
	s6 =	simm.s32 $0x108;
	_ =	swait.ge @!p0 [sflag:s8], $0x0  }
0x24: {  	s3 =	sadd.s32 $0x88, s3;
	s6 =	simm.s32 @!p1 $0x1082;
	[sflag:s4] =	ssyncset.s32 $0xFFFFF086  }
0x25: {  	[simem:s6], [sflag:s4] =	dma.local [hbm:s3], $0xF7A  }
0x26: {  	[smem:$0x3F9A] =	sst s1;
	(tag) =	ssettag s2;
	_ =	strace s9  }
0x27: {  	s1 =	sld [smem:$0x3FAA]  }
0x28: {  	s2 =	sld [smem:$0x3FAB]  }
0x29: {  	s4 =	sld [smem:$0x3FAD]  }
0x2a: {  	p0 =	seq.s32 s5, $0x0;
	s5 =	sld [smem:$0x3FAE]  }
0x2b: {  	s6 =	sld [smem:$0x3FAF]  }
0x2c: {  	s7 =	sld [smem:$0x3FB0]  }
0x2d: {  	s3 =	simm.s32 $0x108;
	s8 =	sld [smem:$0x3FB1]  }
0x2e: {  	s3 =	simm.s32 @!p0 $0x1082;
	s9 =	sld [smem:$0x3FB2]  }
0x2f: {  	lr =	sadd.s32 s0, s3;
	s0 =	sld [smem:$0x3FA9]  }
0x30: {  	s3 =	sld [smem:$0x3FAC]  }
0x31: {  	[smem:$0x3FB5] =	sst s10  }
0x32: {  	s10 =	sld [smem:$0x3FB3];
	_ =	sdelay $0x3  }
0x33: {  	p0 =	seq.s32 s10, $0x1;
	s10 =	sld [smem:$0x3FB5];
	_ =	sdelay $0x3  }
0x34: {  	[smem:$0x3FB5] =	sst s10  }
0x35: {  	s10 =	sld [smem:$0x3FB4];
	_ =	sdelay $0x3  }
0x36: {  	p1 =	seq.s32 s10, $0x1;
	s10 =	sld [smem:$0x3FB5];
	_ =	sdelay $0x3  }
0x37: {  	[smem:$0x3FB5] =	sst s10  }
0x38: {  	s10 =	sld [smem:$0x3FB6]  }
0x39: {  	_ = 	snop;
	(pc) =	sbr.ind lr, $3  }
0x3a: {  	_ = 	snop  }
0x3b: {  	_ = 	snop  }
0x3c: {  	p2 =	seq.s32 s10, $0x1;
	s10 =	sld [smem:$0x3FB5]  }
0x3d: {  	_ =	shalt  }
0x3e: {  	_ =	shalt  }
0x3f: {  	_ =	shalt  }
0x40: {  	_ =	shalt  }
0x41: {  	_ =	shalt  }
0x42: {  	_ =	shalt  }
0x43: {  	_ =	shalt  }
0x44: {  	_ =	shalt  }
0x45: {  	_ =	shalt  }
0x46: {  	_ =	shalt  }
0x47: {  	_ =	shalt  }
0x48: {  	_ =	shalt  }
0x49: {  	_ =	shalt  }
0x4a: {  	_ =	shalt  }
0x4b: {  	_ =	shalt  }
0x4c: {  	_ =	shalt  }
0x4d: {  	_ =	shalt  }
0x4e: {  	_ =	shalt  }
0x4f: {  	_ =	shalt  }
0x50: {  	_ =	shalt  }
0x51: {  	_ =	shalt  }
0x52: {  	_ =	shalt  }
0x53: {  	_ =	shalt  }
0x54: {  	_ =	shalt  }
0x55: {  	_ =	shalt  }
0x56: {  	_ =	shalt  }
0x57: {  	_ =	shalt  }
0x58: {  	_ =	shalt  }
0x59: {  	_ =	shalt  }
0x5a: {  	_ =	shalt  }
0x5b: {  	_ =	shalt  }
0x5c: {  	_ =	shalt  }
0x5d: {  	_ =	shalt  }
0x5e: {  	_ =	shalt  }
0x5f: {  	_ =	shalt  }
0x60: {  	_ =	shalt  }
0x61: {  	_ =	shalt  }
0x62: {  	_ =	shalt  }
0x63: {  	_ =	shalt  }
0x64: {  	_ =	shalt  }
0x65: {  	_ =	shalt  }
0x66: {  	_ =	shalt  }
0x67: {  	_ =	shalt  }
0x68: {  	_ =	shalt  }
0x69: {  	_ =	shalt  }
0x6a: {  	_ =	shalt  }
0x6b: {  	_ =	shalt  }
0x6c: {  	_ =	shalt  }
0x6d: {  	_ =	shalt  }
0x6e: {  	_ =	shalt  }
0x6f: {  	_ =	shalt  }
0x70: {  	_ =	shalt  }
0x71: {  	_ =	shalt  }
0x72: {  	_ =	shalt  }
0x73: {  	_ =	shalt  }
0x74: {  	_ =	shalt  }
0x75: {  	_ =	shalt  }
0x76: {  	_ =	shalt  }
0x77: {  	_ =	shalt  }
0x78: {  	_ =	shalt  }
0x79: {  	_ =	shalt  }
0x7a: {  	_ =	shalt  }
0x7b: {  	_ =	shalt  }
0x7c: {  	_ =	shalt  }
0x7d: {  	_ =	shalt  }
0x7e: {  	_ =	shalt  }
0x7f: {  	_ =	shalt  }
0x80: {  	_ =	shalt  }
0x81: {  	_ =	shalt  }
0x82: {  	_ =	shalt  }
0x83: {  	_ =	shalt  }
0x84: {  	_ =	shalt  }
0x85: {  	_ =	shalt  }
0x86: {  	_ =	shalt  }
0x87: {  	_ =	shalt  }
.Lfunc_end0:
.L_simem_size_0:
called_computation.1_lowered:
.L_overlay_start_0:
0x88: {  	s2 =	sld [smem:$0x3FD9]  }
0x89: {  	s3 =	sld [smem:$0x3FFE];
	_ =	sdelay $0x1  }
0x8a: {  	s1 =	srdreg.scid  }
0x8b: {  	s0 =	sand.u32 $0x1, s1  }
0x8c: {  	s17 =	sshll.u32 s0, $0xA;
	s2 =	sadd.s32 s3, s2  }
0x8d: {  	s2 =	sadd.s32 s2, s17  }
0x8e: {  	[smem:$0x3FC1] =	sst s2  }
0x8f: {  	_ = 	snop  }
0x90: {  	s2 =	sld [smem:$0x3FD0];
	(tm) =	ssettm $0x1  }
0x91: {  	s18 =	sld [smem:$0x3FFB];
	_ =	sdelay $0x3  }
0x92: {  	_ =	strace s18  }
0x93: {  	s3 =	sld [smem:$0x3FFC];
	_ =	sdelay $0x3  }
0x94: {  	_ =	strace s3  }
0x95: {  	s3 =	sld [smem:$0x3FFD];
	_ =	sdelay $0x3  }
0x96: {  	_ =	strace s3  }
0x97: {  	_ =	strace $0x8FFFFFFF  }
0x98: {  	s19 =	sld [smem:$0x3FDB];
	_ =	sdelay $0x1  }
0x99: {  	s4 =	simm.s32 $_scs_section_size  }
0x9a: {  	s5 =	simm.s32 $_size__tile_overlayer_lowered;
	s6 =	simm.s32 $_tile_overlayer_lowered  }
0x9b: {  	s22 =	simm.s32 $0x1BFF;
	s21 =	sshll.u32 s6, $0x1;
	s3 =	sadd.s32 s4, s19  }
0x9c: {  	s7 =	simm.s32 $0x0;
	s20 =	sshll.u32 s5, $0x1;
	s5 =	sadd.s32 s21, s3  }
0x9d: {  	[timem:s7], [sflag:s22] =	dma.local [hbm:s5], s20  }
0x9e: {  	_ =	swait.ge [sflag:s22], s20  }
0x9f: {  	s4 =	ssub.s32 $0x0, s20;
	[sflag:s22] =	ssyncset.done $0x0  }
0xa0: {  	[sflag:s22] =	ssyncadd.s32 s4;
	_ =	sdelay $0x1  }
0xa1: {  	s23 =	simm.s32 $0x1B8B  }
0xa2: {  	_ =	swait.ge [sflag:s23], $0x1  }
0xa3: {  	[sflag:s23] =	ssyncset.done $0x0  }
0xa4: {  	s25 =	simm.s32 $0x1B8E;
	s24 =	sld [smem:$0x3FFE];
	[sflag:s23] =	ssyncadd.s32 $0xFFFFFFFF  }
0xa5: {  	s26 =	simm.s32 $execute0_lowered;
	[smem:$0x3FD2] =	sst s25  }
0xa6: {  	s5 =	sshll.u32 s26, $0x1;
	_ =	strace $0x80000049;
	[dreg:$0x1] =	wrdreg $0xFFFFFFFF  }
0xa7: {  	s28 =	simm.s32 $_size_execute0_lowered;
	s3 =	sadd.s32 s3, s5;
	[dreg:$0x0] =	wrdreg $0x0  }
0xa8: {  	s5 =	sshll.u32 s28, $0x1;
	[dreg:$0x2] =	wrdreg s3  }
0xa9: {  	[dreg:$0x3] =	wrdreg s5  }
0xaa: {  	[dreg:$0x4] =	wrdreg $0xC0  }
0xab: {  	_ =	task [dreg:s7], $0x5FFFF  }
0xac: {  	[dreg:$0x1] =	wrdreg $0xFFFFFFFF  }
0xad: {  	[dreg:$0x0] =	wrdreg $0x60  }
0xae: {  	[dreg:$0x2] =	wrdreg s2  }
0xaf: {  	[dreg:$0x3] =	wrdreg s24  }
0xb0: {  	[dreg:$0x4] =	wrdreg $0x88000  }
0xb1: {  	[dreg:$0x5] =	wrdreg $0x9  }
0xb2: {  	_ =	task.clear_ibuf [dreg:s7], $0x6FFFF;
	_ =	strace $0x90000049  }
0xb3: {  	s29 =	simm.s32 $0x9;
	_ =	strace $0x8000004B  }
0xb4: {  	_ =	swait.ge [sflag:s29], $0x1  }
0xb5: {  	[sflag:s29] =	ssyncadd.s32 $0xFFFFFFFF  }
0xb6: {  	_ =	strace $0x9000004B  }
0xb7: {  	_ =	sfence  }
0xb8: {  	s30 =	sld [smem:$0x0];
	_ =	sdelay $0x2  }
0xb9: {  	s31 =	sshll.u32 s1, $0xD;
	s1 =	sshrl.u32 s1, $0x2  }
0xba: {  	s3 =	sand.u32 $0x4000, s31;
	s1 =	sadd.s32 s1, s30  }
0xbb: {  	s0 =	sor.u32 s3, s0;
	s1 =	sshll.u32 s1, $0x11  }
0xbc: {  	s0 =	sor.u32 s1, s0  }
0xbd: {  	s0 =	sadd.s32 $0x8F2B, s0  }
0xbe: {  	[sflag:s0] =	ssyncadd.remote.s32 $0x1  }
0xbf: {  	_ =	sfence.sel $0xFFFF  }
0xc0: {  	[dreg:$0x0] =	wrdreg $0xFFFFFFFF;
	(pc) =	sbr.abs _section_cstart, $3  }
0xc1: {  	[dreg:$0x1] =	wrdreg $0xFFFFFFFF  }
0xc2: {  	_ =	task.clear_ibuf [dreg:s7], $0x2FFFF;
	_ =	strace $0x9FFFFFFF  }
0xc3: {  	(tm) =	ssettm $0x7FFFFFFF  }
tec
execute0_lowered:
.L_overlay_start_1:
0x0: {  	(tag) =	ssettag $0x1  }
0x1: {  	s1 =	rddreg [dreg:$0x0]  }
0x2: {  	s0 =	rddreg [dreg:$0x1]  }
0x3: {  	s3 =	rddreg [dreg:$0x2];
	s4 =	simm.s32 $0x0;
	s13 =	stileid.u32  }
0x4: {  	s2 =	srdreg.scid;
	s15 =	simm.s32 $0x8000;
	s16 =	simm.s32 $0x8200  }
0x5: {  	s20 =	simm.s32 $0x5;
	s21 =	simm.s32 $0x7D;
	s22 =	simm.s32 $0x8400  }
0x6: {  	s23 =	simm.s32 $0x6;
	s24 =	simm.s32 $0x4000;
	s28 =	simm.s32 $0x8080  }
0x7: {  	s29 =	simm.s32 $0x2;
	s30 =	simm.s32 $0x8280;
	s31 =	simm.s32 $0x3  }
0x8: {  	s8 =	smul.u32 $0x2700, s13;
	s2 =	sand.u32 $0x1, s2;
	s5 =	sshll.u32 s13, $0x1  }
0x9: {  	[smem:$0x7FF] =	sst s4;
	s6 =	sadd.s32 $0xC200, s0;
	s9 =	smul.u32 $0x4E000, s13  }
0xa: {  	p0 =	seq.s32 s13, $0xF;
	s7 =	smul.u32 $0x27100, s2;
	s5 =	sor.u32 s2, s5  }
0xb: {  	_ =	strace $0x8000004A;
	s2 =	ssub.s32 $0x2, s2;
	s5 =	smul.u32 $0xA000, s5  }
0xc: {  	[dreg:$0x4] =	wrdreg s8;
	s8 =	sadd.s32 s8, s0;
	s11 =	sshrl.u32 s2, $0x1  }
0xd: {  	s9 =	sshrl.u32 s9, $0x2;
	s7 =	sadd.s32 s7, s0;
	s2 =	ssub.s32 s2, s11  }
0xe: {  	s9 =	sadd.s32 s9, s3;
	s8 =	sadd.s32 $0x34200, s8;
	s0 =	sadd.s32 $0x58B00, s0  }
0xf: {  	s10 =	sshrl.u32 s5, $0x3;
	[dreg:$0x7] =	wrdreg s8;
	s8 =	sadd.s32 $0x124800, s3  }
0x10: {  	[dreg:$0x8] =	wrdreg s0;
	s11 =	sor.u32 $0x400, s5;
	s12 =	sor.u32 $0x600, s5  }
0x11: {  	s25 =	sadd.s32 $0x5B400, s7;
	s26 =	smax.u32 s2, $0x1;
	s0 =	sshll.u32 @!p0 s13, $0x6  }
0x12: {  	s19 =	sshrl.u32 @!p0 s9, $0x3;
	s10 =	sadd.s32 s6, s10;
	[dreg:$0x9] =	wrdreg s25  }
0x13: {  	[dreg:$0xa] =	wrdreg s26;
	s2 =	sshrl.u32 @p0 s8, $0x3;
	s0 =	sor.u32 @!p0 $0x1C09, s0  }
0x14: {  	s25 =	simm.s32 $0x8600;
	s26 =	simm.s32 $0x1;
	s8 =	simm.s32 $0x8680  }
0x15: {  	[dreg:$0x5] =	wrdreg s10;
	s10 =	sadd.s32 $0x40, s10;
	s13 =	smov.u32 s2  }
0x16: {  	s9 =	smov.u32 s0;
	s0 =	simm.s32 $0x7;
	[dreg:$0x6] =	wrdreg s10  }
0x17: {  	s2 =	simm.s32 $0x8480;
	s10 =	simm.s32 $0x0;
	[dreg:$0xb] =	wrdreg s9  }
.LBB2_1:
0x18: {  	s5 =	rddreg [dreg:$0x5]  }
0x19: {  	s18 =	rddreg [dreg:$0x6]  }
0x1a: {  	[tilespmem:s15], [sflag:$0x5] =	stream.linear.gather [hbm4b:s5+s4], $0x180, $0x38;
	[tilespmem:$0x1C080] =	vst v63  }
0x1b: {  	s7 =	rddreg [dreg:$0x8];
	s5 =	simm.s32 @p0 $0x1FC9  }
0x1c: {  	[tilespmem:s16], [sflag:$0x6] =	stream.linear.gather [hbm4b:s18+s4], $0x180, $0x38;
	[tilespmem:$0x1C080] =	vst v63  }
0x1d: {  	[spmem:s13], [sflag:s5] =	dma.local @p0 [hbm:s7], $0x2800  }
0x1e: {  	s5 =	simm.s32 @p0 $0x9  }
0x1f: {  	_ =	swait.ge @p0 [sflag:s5], $0x2800  }
0x20: {  	[sflag:s5] =	ssyncset.done @p0 $0x0  }
0x21: {  	[sflag:s5] =	ssyncadd.s32 @p0 $0xFFFFD800;
	s5 =	rddreg [dreg:$0x7]  }
0x22: {  	[spmem:s19], [sflag:s9] =	dma.local @!p0 [hbm:s5], $0x2700  }
0x23: {  	s5 =	simm.s32 @!p0 $0x9  }
0x24: {  	_ =	swait.ge @!p0 [sflag:s5], $0x2700  }
0x25: {  	[sflag:s5] =	ssyncset.done @!p0 $0x0  }
0x26: {  	[sflag:s5] =	ssyncadd.s32 @!p0 $0xFFFFD900  }
0x27: {  	s18 =	smov.u32 s13;
	s5 =	simm.s32 $0x0;
	[bflag:$0x0] =	sbarrier.arrive $0xFFFF  }
.LBB2_2:
0x28: {  	p1 =	seq.s32 s5, $0x0  }
0x29: {  	s7 =	simm.s32 @!p1 $0x3  }
0x2a: {  	_ =	swait.ge @!p1 [sflag:s7], $0x3E80  }
0x2b: {  	[sflag:s7] =	ssyncset.done @!p1 $0x0  }
0x2c: {  	[sflag:s7] =	ssyncadd.s32 @!p1 $0xFFFFC180  }
0x2d: {  	s17 =	sshll.u32 s5, $0xB;
	_ =	swait.ge [sflag:s20], $0x180  }
0x2e: {  	s9 =	sadd.s32 s17, s11;
	[sflag:s20] =	ssyncset.done $0x0  }
0x2f: {  	s9 =	sshrl.u32 s9, $0x3;
	[sflag:s20] =	ssyncadd.s32 $0xFFFFFE80  }
0x30: {  	[tilespmem:s4], [sflag:$0x1] =	stream.indirect.gather [hbm4b:s1+s21], $0x80, s15, s21, $0xb8;
	[tilespmem:$0x1C080] =	vst v63  }
0x31: {  	s9 =	sadd.s32 s6, s9  }
0x32: {  	[tilespmem:s22], [sflag:$0x7] =	stream.linear.gather [hbm4b:s9+s4], $0x180, $0x38;
	[tilespmem:$0x1C080] =	vst v63  }
0x33: {  	s9 =	simm.s32 @!p1 $0x4  }
0x34: {  	_ =	swait.ge @!p1 [sflag:s9], $0x3E80  }
0x35: {  	[sflag:s9] =	ssyncset.done @!p1 $0x0  }
0x36: {  	s13 =	simm.s32 $0x0;
	[sflag:s9] =	ssyncadd.s32 @!p1 $0xFFFFC180  }
0x37: {  	v0 =	vmov s13;
	_ =	swait.ge [sflag:s23], $0x180  }
0x38: {  	v0 =	vand.u32 $0x7F, v0;
	s7 =	sadd.s32 s17, s12;
	[sflag:s23] =	ssyncset.done $0x0  }
0x39: {  	v0 =	vor.u32 $0x100, v0;
	s7 =	sshrl.u32 s7, $0x3;
	[sflag:s23] =	ssyncadd.s32 $0xFFFFFE80  }
0x3a: {  	v0 =	vbroadcast v0, $0x0;
	[tilespmem:s24], [sflag:$0x2] =	stream.indirect.gather [hbm4b:s1+s21], $0x80, s16, s21, $0xb8;
	[tilespmem:$0x1C080] =	vst v63  }
0x3b: {  	s7 =	sadd.s32 s6, s7  }
0x3c: {  	[tilespmem:s25], [sflag:$0x8] =	stream.linear.gather [hbm4b:s7+s13], $0x180, $0x38;
	[tilespmem:$0x1C080] =	vst v63  }
0x3d: {  	_ =	swait.ge [sflag:s26], $0x3E80  }
0x3e: {  	[sflag:s26] =	ssyncset.done $0x0  }
0x3f: {  	s14 =	simm.s32 $0x1;
	[sflag:s26] =	ssyncadd.s32 $0xFFFFC180  }
0x40: {  	v1 =	vmov s14;
	s9 =	simm.s32 $0x40;
	v0 =	vld.idx.msk [tilespmem:v0+s15+$0x0], $0xffff  }
0x41: {  	v1 =	vand.u32 $0x7F, v1;
	v2 =	vld [tilespmem:s9+$0x30]  }
0x42: {  	v1 =	vor.u32 $0x100, v1;
	v6 =	vld [tilespmem:s9+$0xFFFFFFC0]  }
0x43: {  	v1 =	vbroadcast v1, $0x0;
	v7 =	vld [tilespmem:s9+$0xFFFFFFD0]  }
0x44: {  	v9 =	vld [tilespmem:s9+$0xFFFFFFE0]  }
0x45: {  	v5 =	vld [tilespmem:s9+$0xFFFFFFF0]  }
0x46: {  	v3 =	vld [tilespmem:s9+$0x0];
	v8 =	vmul.f32 v0, v2  }
0x47: {  	v4 =	vld [tilespmem:s9+$0x10];
	v10 =	vmul.f32 v0, v6  }
0x48: {  	s17 =	simm.s32 $0x2;
	v2 =	vld [tilespmem:s9+$0x20];
	v6 =	vmul.f32 v0, v7;
	[tilespmem:s9+$0x30] =	vst v8  }
0x49: {  	s14 =	sshll.u32 s5, $0x1;
	s13 =	simm.s32 $0x3;
	s7 =	simm.s32 $0xC0;
	v1 =	vld.idx.msk [tilespmem:v1+s15+$0x0], $0xffff;
	v7 =	vmul.f32 v0, v9;
	v8 =	vmov s17;
	[tilespmem:s9+$0xFFFFFFC0] =	vst v10  }
.LBB2_3:
0x4a: {  	p1 =	sne.s32 s13, $0x7C;
	v8 =	vand.u32 $0x7F, v8;
	v9 =	vld [tilespmem:s7+$0x30];
	[tilespmem:s9+$0xFFFFFFD0] =	vst v6;
	v5 =	vmul.f32 v0, v5  }
0x4b: {  	v6 =	vor.u32 $0x100, v8;
	v8 =	vld [tilespmem:s7+$0xFFFFFFC0];
	[tilespmem:s9+$0xFFFFFFE0] =	vst v7;
	v3 =	vmul.f32 v0, v3  }
0x4c: {  	v7 =	vbroadcast v6, $0x0;
	v6 =	vld [tilespmem:s7+$0xFFFFFFD0];
	[tilespmem:s9+$0xFFFFFFF0] =	vst v5;
	v4 =	vmul.f32 v0, v4  }
0x4d: {  	v10 =	vld [tilespmem:s7+$0xFFFFFFE0];
	[tilespmem:s9+$0x0] =	vst v3;
	v2 =	vmul.f32 v0, v2  }
.Ltmp0:
0x4e: {  	v5 =	vld [tilespmem:s7+$0xFFFFFFF0];
	[tilespmem:s9+$0x10] =	vst v4;
	(pc) =	sbr.rel @p1 .LBB2_3-.Ltmp0, $4  }
0x4f: {  	v0 =	vmov v1;
	v3 =	vld [tilespmem:s7+$0x0];
	v9 =	vmul.f32 v1, v9;
	[tilespmem:s9+$0x20] =	vst v2;
	s9 =	smov.u32 s7  }
0x50: {  	v11 =	vmul.f32 v0, v8;
	v4 =	vld [tilespmem:s7+$0x10]  }
0x51: {  	v6 =	vmul.f32 v0, v6;
	v2 =	vld [tilespmem:s7+$0x20];
	[tilespmem:s7+$0x30] =	vst v9  }
0x52: {  	v8 =	vmov s13;
	s13 =	sadd.s32 $0x1, s13;
	s7 =	sadd.s32 $0x80, s7;
	v1 =	vld.idx.msk [tilespmem:v7+s15+$0x0], $0xffff;
	[tilespmem:s9+$0xFFFFFFC0] =	vst v11;
	v7 =	vmul.f32 v0, v10  }
0x53: {  	v8 =	vand.u32 $0x7F, v8;
	v9 =	vld [tilespmem:s7+$0x30]  }
0x54: {  	v10 =	vld [tilespmem:s7+$0xFFFFFFC0];
	[tilespmem:s9+$0xFFFFFFD0] =	vst v6;
	v8 =	vor.u32 $0x100, v8  }
0x55: {  	v5 =	vmul.f32 v0, v5;
	[tilespmem:s9+$0xFFFFFFE0] =	vst v7;
	v7 =	vld [tilespmem:s7+$0xFFFFFFE0];
	v6 =	vbroadcast v8, $0x0  }
0x56: {  	v3 =	vmul.f32 v0, v3;
	v8 =	vld [tilespmem:s7+$0xFFFFFFD0]  }
0x57: {  	[tilespmem:s9+$0xFFFFFFF0] =	vst v5;
	v4 =	vmul.f32 v0, v4;
	v5 =	vld [tilespmem:s7+$0xFFFFFFF0]  }
0x58: {  	[tilespmem:s9+$0x0] =	vst v3;
	v0 =	vmul.f32 v0, v2;
	v2 =	vld [tilespmem:s7+$0x0]  }
0x59: {  	[tilespmem:s9+$0x10] =	vst v4;
	v4 =	vld [tilespmem:s7+$0x10];
	v3 =	vmul.f32 v1, v9  }
0x5a: {  	[tilespmem:s9+$0x20] =	vst v0;
	v0 =	vmul.f32 v1, v10;
	v9 =	vld [tilespmem:s7+$0x20]  }
0x5b: {  	s13 =	sadd.s32 $0x80, s7;
	v8 =	vmul.f32 v1, v8;
	[tilespmem:s7+$0x30] =	vst v3;
	v3 =	vld.idx.msk [tilespmem:v6+s15+$0x0], $0xffff  }
0x5c: {  	[tilespmem:s7+$0xFFFFFFC0] =	vst v0;
	v0 =	vmul.f32 v1, v7;
	v6 =	vld [tilespmem:s13+$0x30]  }
0x5d: {  	v5 =	vmul.f32 v1, v5;
	v7 =	vld [tilespmem:s13+$0xFFFFFFC0];
	[tilespmem:s7+$0xFFFFFFD0] =	vst v8  }
0x5e: {  	[tilespmem:s7+$0xFFFFFFE0] =	vst v0;
	v0 =	vmul.f32 v1, v2;
	v2 =	vld [tilespmem:s13+$0xFFFFFFD0]  }
0x5f: {  	[tilespmem:s7+$0xFFFFFFF0] =	vst v5;
	v4 =	vmul.f32 v1, v4;
	v5 =	vld [tilespmem:s13+$0xFFFFFFE0]  }
0x60: {  	[tilespmem:s7+$0x0] =	vst v0;
	v0 =	vmul.f32 v1, v9;
	v1 =	vld [tilespmem:s13+$0xFFFFFFF0]  }
0x61: {  	[tilespmem:s7+$0x10] =	vst v4;
	v4 =	vld [tilespmem:s13+$0x0];
	v6 =	vmul.f32 v3, v6  }
0x62: {  	[tilespmem:s7+$0x20] =	vst v0;
	v0 =	vmul.f32 v3, v7;
	v7 =	vld [tilespmem:s13+$0x10]  }
0x63: {  	v8 =	vld [tilespmem:s13+$0x20];
	v2 =	vmul.f32 v3, v2;
	[tilespmem:s13+$0x30] =	vst v6  }
0x64: {  	[tilespmem:s13+$0xFFFFFFC0] =	vst v0;
	v0 =	vmul.f32 v3, v5  }
0x65: {  	s17 =	simm.s32 $0x0;
	[tilespmem:s13+$0xFFFFFFD0] =	vst v2;
	v1 =	vmul.f32 v3, v1  }
0x66: {  	v2 =	vmov s17;
	[tilespmem:s13+$0xFFFFFFE0] =	vst v0;
	v0 =	vmul.f32 v3, v4  }
0x67: {  	v2 =	vand.u32 $0x7F, v2;
	[tilespmem:s13+$0xFFFFFFF0] =	vst v1;
	v1 =	vmul.f32 v3, v7  }
0x68: {  	v2 =	vor.u32 $0x100, v2;
	[tilespmem:s13+$0x0] =	vst v0;
	v0 =	vmul.f32 v3, v8  }
0x69: {  	[tilespmem:s13+$0x10] =	vst v1;
	v1 =	vbroadcast v2, $0x0  }
0x6a: {  	[tilespmem:s13+$0x20] =	vst v0  }
0x6b: {  	[spmem:s3] =	stream.indirect.scatter.add.f32 [tilespmem:s17], [sflag:$0x3], $0x80, s28, s21, $0xb8;
	[tilespmem:$0x1C080] =	vst v63  }
0x6c: {  	_ =	swait.ge [sflag:s29], $0x3E80  }
0x6d: {  	[sflag:s29] =	ssyncset.done $0x0  }
0x6e: {  	s13 =	simm.s32 $0x1;
	[sflag:s29] =	ssyncadd.s32 $0xFFFFC180  }
0x6f: {  	s9 =	simm.s32 $0x4040;
	v0 =	vmov s13;
	v1 =	vld.idx.msk [tilespmem:v1+s16+$0x0], $0xffff  }
0x70: {  	v0 =	vand.u32 $0x7F, v0;
	v2 =	vld [tilespmem:s9+$0x30]  }
0x71: {  	v0 =	vor.u32 $0x100, v0;
	v6 =	vld [tilespmem:s9+$0xFFFFFFC0]  }
0x72: {  	v0 =	vbroadcast v0, $0x0;
	v7 =	vld [tilespmem:s9+$0xFFFFFFD0]  }
0x73: {  	v9 =	vld [tilespmem:s9+$0xFFFFFFE0]  }
0x74: {  	v5 =	vld [tilespmem:s9+$0xFFFFFFF0]  }
0x75: {  	v3 =	vld [tilespmem:s9+$0x0];
	v8 =	vmul.f32 v1, v2  }
0x76: {  	v4 =	vld [tilespmem:s9+$0x10];
	v10 =	vmul.f32 v1, v6  }
0x77: {  	s17 =	simm.s32 $0x2;
	v2 =	vld [tilespmem:s9+$0x20];
	v6 =	vmul.f32 v1, v7;
	[tilespmem:s9+$0x30] =	vst v8  }
0x78: {  	s7 =	simm.s32 $0x40C0;
	s13 =	simm.s32 $0x3;
	v0 =	vld.idx.msk [tilespmem:v0+s16+$0x0], $0xffff;
	v7 =	vmul.f32 v1, v9;
	v8 =	vmov s17;
	[tilespmem:s9+$0xFFFFFFC0] =	vst v10  }
.LBB2_5:
0x79: {  	p1 =	sne.s32 s13, $0x7C;
	v8 =	vand.u32 $0x7F, v8;
	v9 =	vld [tilespmem:s7+$0x30];
	[tilespmem:s9+$0xFFFFFFD0] =	vst v6;
	v5 =	vmul.f32 v1, v5  }
0x7a: {  	v6 =	vor.u32 $0x100, v8;
	v8 =	vld [tilespmem:s7+$0xFFFFFFC0];
	[tilespmem:s9+$0xFFFFFFE0] =	vst v7;
	v3 =	vmul.f32 v1, v3  }
0x7b: {  	v7 =	vbroadcast v6, $0x0;
	v6 =	vld [tilespmem:s7+$0xFFFFFFD0];
	[tilespmem:s9+$0xFFFFFFF0] =	vst v5;
	v4 =	vmul.f32 v1, v4  }
0x7c: {  	v10 =	vld [tilespmem:s7+$0xFFFFFFE0];
	[tilespmem:s9+$0x0] =	vst v3;
	v2 =	vmul.f32 v1, v2  }
.Ltmp1:
0x7d: {  	v5 =	vld [tilespmem:s7+$0xFFFFFFF0];
	[tilespmem:s9+$0x10] =	vst v4;
	(pc) =	sbr.rel @p1 .LBB2_5-.Ltmp1, $4  }
0x7e: {  	v1 =	vmov v0;
	v3 =	vld [tilespmem:s7+$0x0];
	v9 =	vmul.f32 v0, v9;
	[tilespmem:s9+$0x20] =	vst v2;
	s9 =	smov.u32 s7  }
0x7f: {  	v11 =	vmul.f32 v1, v8;
	v4 =	vld [tilespmem:s7+$0x10]  }
0x80: {  	v6 =	vmul.f32 v1, v6;
	v2 =	vld [tilespmem:s7+$0x20];
	[tilespmem:s7+$0x30] =	vst v9  }
0x81: {  	v8 =	vmov s13;
	s13 =	sadd.s32 $0x1, s13;
	s7 =	sadd.s32 $0x80, s7;
	v0 =	vld.idx.msk [tilespmem:v7+s16+$0x0], $0xffff;
	[tilespmem:s9+$0xFFFFFFC0] =	vst v11;
	v7 =	vmul.f32 v1, v10  }
0x82: {  	v8 =	vand.u32 $0x7F, v8;
	v9 =	vld [tilespmem:s7+$0x30]  }
0x83: {  	v10 =	vld [tilespmem:s7+$0xFFFFFFC0];
	[tilespmem:s9+$0xFFFFFFD0] =	vst v6;
	v8 =	vor.u32 $0x100, v8  }
0x84: {  	v5 =	vmul.f32 v1, v5;
	[tilespmem:s9+$0xFFFFFFE0] =	vst v7;
	v7 =	vld [tilespmem:s7+$0xFFFFFFE0];
	v6 =	vbroadcast v8, $0x0  }
0x85: {  	v3 =	vmul.f32 v1, v3;
	v8 =	vld [tilespmem:s7+$0xFFFFFFD0]  }
0x86: {  	[tilespmem:s9+$0xFFFFFFF0] =	vst v5;
	v4 =	vmul.f32 v1, v4;
	v5 =	vld [tilespmem:s7+$0xFFFFFFF0]  }
0x87: {  	[tilespmem:s9+$0x0] =	vst v3;
	v1 =	vmul.f32 v1, v2;
	v2 =	vld [tilespmem:s7+$0x0]  }
0x88: {  	[tilespmem:s9+$0x10] =	vst v4;
	v4 =	vld [tilespmem:s7+$0x10];
	v3 =	vmul.f32 v0, v9  }
0x89: {  	[tilespmem:s9+$0x20] =	vst v1;
	v1 =	vmul.f32 v0, v10;
	v9 =	vld [tilespmem:s7+$0x20]  }
0x8a: {  	s13 =	sadd.s32 $0x80, s7;
	v8 =	vmul.f32 v0, v8;
	[tilespmem:s7+$0x30] =	vst v3;
	v3 =	vld.idx.msk [tilespmem:v6+s16+$0x0], $0xffff  }
0x8b: {  	[tilespmem:s7+$0xFFFFFFC0] =	vst v1;
	v1 =	vmul.f32 v0, v7;
	v6 =	vld [tilespmem:s13+$0x30]  }
0x8c: {  	v5 =	vmul.f32 v0, v5;
	v7 =	vld [tilespmem:s13+$0xFFFFFFC0];
	[tilespmem:s7+$0xFFFFFFD0] =	vst v8  }
0x8d: {  	[tilespmem:s7+$0xFFFFFFE0] =	vst v1;
	v1 =	vmul.f32 v0, v2;
	v2 =	vld [tilespmem:s13+$0xFFFFFFD0]  }
0x8e: {  	[tilespmem:s7+$0xFFFFFFF0] =	vst v5;
	v4 =	vmul.f32 v0, v4;
	v5 =	vld [tilespmem:s13+$0xFFFFFFE0]  }
0x8f: {  	v0 =	vmul.f32 v0, v9;
	[tilespmem:s7+$0x0] =	vst v1;
	v1 =	vld [tilespmem:s13+$0xFFFFFFF0]  }
0x90: {  	[tilespmem:s7+$0x10] =	vst v4;
	v4 =	vld [tilespmem:s13+$0x0];
	v6 =	vmul.f32 v3, v6  }
0x91: {  	[tilespmem:s7+$0x20] =	vst v0;
	v0 =	vmul.f32 v3, v7;
	v7 =	vld [tilespmem:s13+$0x10]  }
0x92: {  	v8 =	vld [tilespmem:s13+$0x20];
	v2 =	vmul.f32 v3, v2;
	[tilespmem:s13+$0x30] =	vst v6  }
0x93: {  	[tilespmem:s13+$0xFFFFFFC0] =	vst v0;
	v0 =	vmul.f32 v3, v5  }
0x94: {  	[tilespmem:s13+$0xFFFFFFD0] =	vst v2;
	v1 =	vmul.f32 v3, v1  }
0x95: {  	[tilespmem:s13+$0xFFFFFFE0] =	vst v0;
	v0 =	vmul.f32 v3, v4  }
0x96: {  	[tilespmem:s13+$0xFFFFFFF0] =	vst v1;
	v1 =	vmul.f32 v3, v7  }
0x97: {  	[tilespmem:s13+$0x0] =	vst v0;
	v0 =	vmul.f32 v3, v8  }
0x98: {  	[tilespmem:s13+$0x10] =	vst v1  }
0x99: {  	[tilespmem:s13+$0x20] =	vst v0  }
0x9a: {  	[spmem:s3] =	stream.indirect.scatter.add.f32 [tilespmem:s24], [sflag:$0x4], $0x80, s30, s21, $0xb8;
	[tilespmem:$0x1C080] =	vst v63  }
0x9b: {  	_ =	swait.ge [sflag:s31], $0x3E80  }
0x9c: {  	[sflag:s31] =	ssyncset.done $0x0  }
0x9d: {  	[sflag:s31] =	ssyncadd.s32 $0xFFFFC180  }
0x9e: {  	s7 =	sor.u32 $0x1, s14;
	_ =	swait.ge [sflag:s0], $0x180  }
0x9f: {  	p1 =	sgt.u32 s7, $0x26;
	[sflag:s0] =	ssyncset.done $0x0  }
0xa0: {  	s9 =	simm.s32 @p1 $0x4;
	[sflag:s0] =	ssyncadd.s32 $0xFFFFFE80  }
0xa1: {  	[tilespmem:s4], [sflag:$0x1] =	stream.indirect.gather [hbm4b:s1+s21], $0x80, s22, s21, $0xb8;
	[tilespmem:$0x1C080] =	vst v63  }
0xa2: {  	_ =	swait.ge @p1 [sflag:s9], $0x3E80  }
0xa3: {  	[sflag:s9] =	ssyncset.done @p1 $0x0  }
0xa4: {  	[sflag:s9] =	ssyncadd.s32 @p1 $0xFFFFC180;
	s9 =	simm.s32 @p1 $0x8  }
0xa5: {  	_ =	swait.ge @p1 [sflag:s9], $0x180  }
0xa6: {  	s14 =	simm.s32 @p1 $0x4000;
	s7 =	sshll.u32 @!p1 s7, $0xA;
	[sflag:s9] =	ssyncset.done @p1 $0x0  }
0xa7: {  	s13 =	simm.s32 @p1 $0x8600;
	[sflag:s9] =	ssyncadd.s32 @p1 $0xFFFFFE80;
	s9 =	simm.s32 @p1 $0x7D  }
0xa8: {  	[tilespmem:s14], [sflag:$0x2] =	stream.indirect.gather @p1 [hbm4b:s1+s9], $0x80, s13, s9, $0xb8;
	[tilespmem:$0x1C080] =	vst v63  }
0xa9: {  	s9 =	sadd.s32 @!p1 s7, s11  }
0xaa: {  	s9 =	sshrl.u32 @!p1 s9, $0x3  }
0xab: {  	s13 =	simm.s32 @!p1 $0x0;
	s14 =	simm.s32 @!p1 $0x8000;
	s9 =	sadd.s32 @!p1 s6, s9  }
0xac: {  	[tilespmem:s14], [sflag:$0x5] =	stream.linear.gather @!p1 [hbm4b:s9+s13], $0x180, $0x38;
	[tilespmem:$0x1C080] =	vst v63  }
0xad: {  	s9 =	simm.s32 @!p1 $0x4  }
0xae: {  	_ =	swait.ge @!p1 [sflag:s9], $0x3E80  }
0xaf: {  	[sflag:s9] =	ssyncset.done @!p1 $0x0  }
0xb0: {  	[sflag:s9] =	ssyncadd.s32 @!p1 $0xFFFFC180;
	s9 =	simm.s32 @!p1 $0x8  }
0xb1: {  	_ =	swait.ge @!p1 [sflag:s9], $0x180  }
0xb2: {  	[sflag:s9] =	ssyncset.done @!p1 $0x0  }
0xb3: {  	[sflag:s9] =	ssyncadd.s32 @!p1 $0xFFFFFE80;
	s9 =	simm.s32 $0x0  }
0xb4: {  	v0 =	vmov s9  }
0xb5: {  	s17 =	simm.s32 @!p1 $0x8600;
	s7 =	sadd.s32 @!p1 s7, s12;
	v0 =	vand.u32 $0x7F, v0  }
0xb6: {  	s7 =	sshrl.u32 @!p1 s7, $0x3;
	s14 =	simm.s32 @!p1 $0x7D;
	s9 =	simm.s32 @!p1 $0x4000;
	v0 =	vor.u32 $0x100, v0  }
0xb7: {  	[tilespmem:s9], [sflag:$0x2] =	stream.indirect.gather @!p1 [hbm4b:s1+s14], $0x80, s17, s14, $0xb8;
	v0 =	vbroadcast v0, $0x0;
	[tilespmem:$0x1C080] =	vst v63  }
0xb8: {  	s7 =	sadd.s32 @!p1 s6, s7;
	s9 =	simm.s32 @!p1 $0x8200  }
0xb9: {  	[tilespmem:s9], [sflag:$0x6] =	stream.linear.gather @!p1 [hbm4b:s7+s13], $0x180, $0x38;
	[tilespmem:$0x1C080] =	vst v63  }
0xba: {  	_ =	swait.ge [sflag:s26], $0x3E80  }
0xbb: {  	[sflag:s26] =	ssyncset.done $0x0  }
0xbc: {  	s14 =	simm.s32 $0x1;
	[sflag:s26] =	ssyncadd.s32 $0xFFFFC180  }
0xbd: {  	s9 =	simm.s32 $0x40;
	v1 =	vld.idx.msk [tilespmem:v0+s22+$0x0], $0xffff;
	v0 =	vmov s14  }
0xbe: {  	v2 =	vld [tilespmem:s9+$0x30];
	v0 =	vand.u32 $0x7F, v0  }
0xbf: {  	v6 =	vld [tilespmem:s9+$0xFFFFFFC0];
	v0 =	vor.u32 $0x100, v0  }
0xc0: {  	v7 =	vld [tilespmem:s9+$0xFFFFFFD0];
	v0 =	vbroadcast v0, $0x0  }
0xc1: {  	v9 =	vld [tilespmem:s9+$0xFFFFFFE0]  }
0xc2: {  	v5 =	vld [tilespmem:s9+$0xFFFFFFF0]  }
0xc3: {  	v3 =	vld [tilespmem:s9+$0x0];
	v8 =	vmul.f32 v1, v2  }
0xc4: {  	v4 =	vld [tilespmem:s9+$0x10];
	v10 =	vmul.f32 v1, v6  }
0xc5: {  	s17 =	simm.s32 $0x2;
	v2 =	vld [tilespmem:s9+$0x20];
	v6 =	vmul.f32 v1, v7;
	[tilespmem:s9+$0x30] =	vst v8  }
0xc6: {  	s13 =	simm.s32 $0x3;
	s7 =	simm.s32 $0xC0;
	v7 =	vmul.f32 v1, v9;
	v8 =	vmov s17;
	[tilespmem:s9+$0xFFFFFFC0] =	vst v10;
	v0 =	vld.idx.msk [tilespmem:v0+s22+$0x0], $0xffff  }
.LBB2_7:
0xc7: {  	p1 =	sne.s32 s13, $0x7C;
	v8 =	vand.u32 $0x7F, v8;
	v9 =	vld [tilespmem:s7+$0x30];
	[tilespmem:s9+$0xFFFFFFD0] =	vst v6;
	v5 =	vmul.f32 v1, v5  }
0xc8: {  	v6 =	vor.u32 $0x100, v8;
	v8 =	vld [tilespmem:s7+$0xFFFFFFC0];
	[tilespmem:s9+$0xFFFFFFE0] =	vst v7;
	v3 =	vmul.f32 v1, v3  }
0xc9: {  	v7 =	vbroadcast v6, $0x0;
	v6 =	vld [tilespmem:s7+$0xFFFFFFD0];
	[tilespmem:s9+$0xFFFFFFF0] =	vst v5;
	v4 =	vmul.f32 v1, v4  }
0xca: {  	v10 =	vld [tilespmem:s7+$0xFFFFFFE0];
	[tilespmem:s9+$0x0] =	vst v3;
	v2 =	vmul.f32 v1, v2  }
.Ltmp2:
0xcb: {  	v5 =	vld [tilespmem:s7+$0xFFFFFFF0];
	[tilespmem:s9+$0x10] =	vst v4;
	(pc) =	sbr.rel @p1 .LBB2_7-.Ltmp2, $4  }
0xcc: {  	v1 =	vmov v0;
	v3 =	vld [tilespmem:s7+$0x0];
	v9 =	vmul.f32 v0, v9;
	[tilespmem:s9+$0x20] =	vst v2;
	s9 =	smov.u32 s7  }
0xcd: {  	v11 =	vmul.f32 v1, v8;
	v4 =	vld [tilespmem:s7+$0x10]  }
0xce: {  	v6 =	vmul.f32 v1, v6;
	v2 =	vld [tilespmem:s7+$0x20];
	[tilespmem:s7+$0x30] =	vst v9  }
0xcf: {  	v8 =	vmov s13;
	s13 =	sadd.s32 $0x1, s13;
	s7 =	sadd.s32 $0x80, s7;
	v0 =	vld.idx.msk [tilespmem:v7+s22+$0x0], $0xffff;
	[tilespmem:s9+$0xFFFFFFC0] =	vst v11;
	v7 =	vmul.f32 v1, v10  }
0xd0: {  	v8 =	vand.u32 $0x7F, v8;
	v9 =	vld [tilespmem:s7+$0x30]  }
0xd1: {  	v10 =	vld [tilespmem:s7+$0xFFFFFFC0];
	[tilespmem:s9+$0xFFFFFFD0] =	vst v6;
	v8 =	vor.u32 $0x100, v8  }
0xd2: {  	v5 =	vmul.f32 v1, v5;
	[tilespmem:s9+$0xFFFFFFE0] =	vst v7;
	v7 =	vld [tilespmem:s7+$0xFFFFFFE0];
	v6 =	vbroadcast v8, $0x0  }
0xd3: {  	v3 =	vmul.f32 v1, v3;
	v8 =	vld [tilespmem:s7+$0xFFFFFFD0]  }
0xd4: {  	[tilespmem:s9+$0xFFFFFFF0] =	vst v5;
	v4 =	vmul.f32 v1, v4;
	v5 =	vld [tilespmem:s7+$0xFFFFFFF0]  }
0xd5: {  	[tilespmem:s9+$0x0] =	vst v3;
	v1 =	vmul.f32 v1, v2;
	v2 =	vld [tilespmem:s7+$0x0]  }
0xd6: {  	[tilespmem:s9+$0x10] =	vst v4;
	v4 =	vld [tilespmem:s7+$0x10];
	v3 =	vmul.f32 v0, v9  }
0xd7: {  	[tilespmem:s9+$0x20] =	vst v1;
	v1 =	vmul.f32 v0, v10;
	v9 =	vld [tilespmem:s7+$0x20]  }
0xd8: {  	s17 =	sadd.s32 $0x80, s7;
	v8 =	vmul.f32 v0, v8;
	[tilespmem:s7+$0x30] =	vst v3;
	v3 =	vld.idx.msk [tilespmem:v6+s22+$0x0], $0xffff  }
0xd9: {  	[tilespmem:s7+$0xFFFFFFC0] =	vst v1;
	v1 =	vmul.f32 v0, v7;
	v6 =	vld [tilespmem:s17+$0x30]  }
0xda: {  	v5 =	vmul.f32 v0, v5;
	v7 =	vld [tilespmem:s17+$0xFFFFFFC0];
	[tilespmem:s7+$0xFFFFFFD0] =	vst v8  }
0xdb: {  	[tilespmem:s7+$0xFFFFFFE0] =	vst v1;
	v1 =	vmul.f32 v0, v2;
	v2 =	vld [tilespmem:s17+$0xFFFFFFD0]  }
0xdc: {  	[tilespmem:s7+$0xFFFFFFF0] =	vst v5;
	v4 =	vmul.f32 v0, v4;
	v5 =	vld [tilespmem:s17+$0xFFFFFFE0]  }
0xdd: {  	v0 =	vmul.f32 v0, v9;
	[tilespmem:s7+$0x0] =	vst v1;
	v1 =	vld [tilespmem:s17+$0xFFFFFFF0]  }
0xde: {  	[tilespmem:s7+$0x10] =	vst v4;
	v4 =	vld [tilespmem:s17+$0x0];
	v6 =	vmul.f32 v3, v6  }
0xdf: {  	[tilespmem:s7+$0x20] =	vst v0;
	v0 =	vmul.f32 v3, v7;
	v7 =	vld [tilespmem:s17+$0x10]  }
0xe0: {  	v8 =	vld [tilespmem:s17+$0x20];
	v2 =	vmul.f32 v3, v2;
	[tilespmem:s17+$0x30] =	vst v6  }
0xe1: {  	[tilespmem:s17+$0xFFFFFFC0] =	vst v0;
	v0 =	vmul.f32 v3, v5  }
0xe2: {  	s13 =	simm.s32 $0x0;
	[tilespmem:s17+$0xFFFFFFD0] =	vst v2;
	v1 =	vmul.f32 v3, v1  }
0xe3: {  	v2 =	vmov s13;
	[tilespmem:s17+$0xFFFFFFE0] =	vst v0;
	v0 =	vmul.f32 v3, v4  }
0xe4: {  	v2 =	vand.u32 $0x7F, v2;
	[tilespmem:s17+$0xFFFFFFF0] =	vst v1;
	v1 =	vmul.f32 v3, v7  }
0xe5: {  	v2 =	vor.u32 $0x100, v2;
	[tilespmem:s17+$0x0] =	vst v0;
	v0 =	vmul.f32 v3, v8  }
0xe6: {  	[tilespmem:s17+$0x10] =	vst v1;
	v1 =	vbroadcast v2, $0x0  }
0xe7: {  	[tilespmem:s17+$0x20] =	vst v0  }
0xe8: {  	[spmem:s3] =	stream.indirect.scatter.add.f32 [tilespmem:s13], [sflag:$0x3], $0x80, s2, s21, $0xb8;
	[tilespmem:$0x1C080] =	vst v63  }
0xe9: {  	_ =	swait.ge [sflag:s29], $0x3E80  }
0xea: {  	[sflag:s29] =	ssyncset.done $0x0  }
0xeb: {  	s14 =	simm.s32 $0x1;
	[sflag:s29] =	ssyncadd.s32 $0xFFFFC180  }
0xec: {  	s9 =	simm.s32 $0x4040;
	v0 =	vmov s14;
	v1 =	vld.idx.msk [tilespmem:v1+s25+$0x0], $0xffff  }
0xed: {  	v0 =	vand.u32 $0x7F, v0;
	v2 =	vld [tilespmem:s9+$0x30]  }
0xee: {  	v0 =	vor.u32 $0x100, v0;
	v6 =	vld [tilespmem:s9+$0xFFFFFFC0]  }
0xef: {  	v0 =	vbroadcast v0, $0x0;
	v7 =	vld [tilespmem:s9+$0xFFFFFFD0]  }
0xf0: {  	v9 =	vld [tilespmem:s9+$0xFFFFFFE0]  }
0xf1: {  	v5 =	vld [tilespmem:s9+$0xFFFFFFF0]  }
0xf2: {  	v3 =	vld [tilespmem:s9+$0x0];
	v8 =	vmul.f32 v1, v2  }
0xf3: {  	v4 =	vld [tilespmem:s9+$0x10];
	v10 =	vmul.f32 v1, v6  }
0xf4: {  	s17 =	simm.s32 $0x2;
	v2 =	vld [tilespmem:s9+$0x20];
	v6 =	vmul.f32 v1, v7;
	[tilespmem:s9+$0x30] =	vst v8  }
0xf5: {  	s7 =	simm.s32 $0x40C0;
	s13 =	simm.s32 $0x3;
	v0 =	vld.idx.msk [tilespmem:v0+s25+$0x0], $0xffff;
	v7 =	vmul.f32 v1, v9;
	v8 =	vmov s17;
	[tilespmem:s9+$0xFFFFFFC0] =	vst v10  }
.LBB2_9:
0xf6: {  	p1 =	sne.s32 s13, $0x7C;
	v8 =	vand.u32 $0x7F, v8;
	v9 =	vld [tilespmem:s7+$0x30];
	[tilespmem:s9+$0xFFFFFFD0] =	vst v6;
	v5 =	vmul.f32 v1, v5  }
0xf7: {  	v6 =	vor.u32 $0x100, v8;
	v8 =	vld [tilespmem:s7+$0xFFFFFFC0];
	[tilespmem:s9+$0xFFFFFFE0] =	vst v7;
	v3 =	vmul.f32 v1, v3  }
0xf8: {  	v7 =	vbroadcast v6, $0x0;
	v6 =	vld [tilespmem:s7+$0xFFFFFFD0];
	[tilespmem:s9+$0xFFFFFFF0] =	vst v5;
	v4 =	vmul.f32 v1, v4  }
0xf9: {  	v10 =	vld [tilespmem:s7+$0xFFFFFFE0];
	[tilespmem:s9+$0x0] =	vst v3;
	v2 =	vmul.f32 v1, v2  }
.Ltmp3:
0xfa: {  	v5 =	vld [tilespmem:s7+$0xFFFFFFF0];
	[tilespmem:s9+$0x10] =	vst v4;
	(pc) =	sbr.rel @p1 .LBB2_9-.Ltmp3, $4  }
0xfb: {  	v1 =	vmov v0;
	v3 =	vld [tilespmem:s7+$0x0];
	v9 =	vmul.f32 v0, v9;
	[tilespmem:s9+$0x20] =	vst v2;
	s9 =	smov.u32 s7  }
0xfc: {  	v11 =	vmul.f32 v1, v8;
	v4 =	vld [tilespmem:s7+$0x10]  }
0xfd: {  	v6 =	vmul.f32 v1, v6;
	v2 =	vld [tilespmem:s7+$0x20];
	[tilespmem:s7+$0x30] =	vst v9  }
0xfe: {  	v8 =	vmov s13;
	s13 =	sadd.s32 $0x1, s13;
	s7 =	sadd.s32 $0x80, s7;
	v0 =	vld.idx.msk [tilespmem:v7+s25+$0x0], $0xffff;
	[tilespmem:s9+$0xFFFFFFC0] =	vst v11;
	v7 =	vmul.f32 v1, v10  }
0xff: {  	v9 =	vld [tilespmem:s7+$0x30]  }
0x100: {  	v8 =	vand.u32 $0x7F, v8;
	v10 =	vld [tilespmem:s7+$0xFFFFFFC0]  }
0x101: {  	[tilespmem:s9+$0xFFFFFFD0] =	vst v6;
	v5 =	vmul.f32 v1, v5;
	v38 =	vld [tilespmem:s7+$0xFFFFFFD0];
	v8 =	vor.u32 $0x100, v8  }
0x102: {  	v39 =	vld [tilespmem:s7+$0xFFFFFFE0];
	[tilespmem:s9+$0xFFFFFFE0] =	vst v7;
	v3 =	vmul.f32 v1, v3;
	v37 =	vbroadcast v8, $0x0  }
0x103: {  	v40 =	vld [tilespmem:s7+$0xFFFFFFF0];
	[tilespmem:s9+$0xFFFFFFF0] =	vst v5;
	v4 =	vmul.f32 v1, v4  }
0x104: {  	v42 =	vld [tilespmem:s7+$0x0];
	[tilespmem:s9+$0x0] =	vst v3;
	v41 =	vmul.f32 v1, v2  }
0x105: {  	v44 =	vld [tilespmem:s7+$0x10];
	[tilespmem:s9+$0x10] =	vst v4;
	v43 =	vmul.f32 v0, v9  }
0x106: {  	v46 =	vld [tilespmem:s7+$0x20];
	s17 =	sadd.s32 $0x80, s7;
	[tilespmem:s9+$0x20] =	vst v41;
	v45 =	vmul.f32 v0, v10  }
0x107: {  	v49 =	vld [tilespmem:s17+$0x30];
	v8 =	vmul.f32 v0, v38;
	[tilespmem:s7+$0x30] =	vst v43  }
0x108: {  	v48 =	vmul.f32 v0, v39;
	[tilespmem:s7+$0xFFFFFFC0] =	vst v45;
	v47 =	vld.idx.msk [tilespmem:v37+s25+$0x0], $0xffff  }
0x109: {  	v50 =	vld [tilespmem:s17+$0xFFFFFFC0];
	v5 =	vmul.f32 v0, v40;
	[tilespmem:s7+$0xFFFFFFD0] =	vst v8  }
0x10a: {  	v52 =	vld [tilespmem:s17+$0xFFFFFFD0];
	v51 =	vmul.f32 v0, v42;
	[tilespmem:s7+$0xFFFFFFE0] =	vst v48  }
0x10b: {  	v53 =	vld [tilespmem:s17+$0xFFFFFFE0];
	v4 =	vmul.f32 v0, v44;
	[tilespmem:s7+$0xFFFFFFF0] =	vst v5  }
0x10c: {  	v55 =	vld [tilespmem:s17+$0xFFFFFFF0];
	v54 =	vmul.f32 v0, v46;
	[tilespmem:s7+$0x0] =	vst v51  }
0x10d: {  	v56 =	vld [tilespmem:s17+$0x0];
	[tilespmem:s7+$0x10] =	vst v4;
	v6 =	vmul.f32 v47, v49  }
0x10e: {  	v58 =	vld [tilespmem:s17+$0x10];
	[tilespmem:s7+$0x20] =	vst v54;
	v57 =	vmul.f32 v47, v50  }
0x10f: {  	v59 =	vld [tilespmem:s17+$0x20];
	v2 =	vmul.f32 v47, v52;
	[tilespmem:s17+$0x30] =	vst v6  }
0x110: {  	v60 =	vmul.f32 v47, v53;
	[tilespmem:s17+$0xFFFFFFC0] =	vst v57  }
0x111: {  	s5 =	sadd.s32 $0x1, s5;
	v1 =	vmul.f32 v47, v55;
	[tilespmem:s17+$0xFFFFFFD0] =	vst v2  }
0x112: {  	p1 =	sne.s32 s5, $0x14;
	v61 =	vmul.f32 v47, v56;
	[tilespmem:s17+$0xFFFFFFE0] =	vst v60  }
.Ltmp4:
0x113: {  	v62 =	vmul.f32 v47, v58;
	[tilespmem:s17+$0xFFFFFFF0] =	vst v1;
	(pc) =	sbr.rel @p1 .LBB2_2-.Ltmp4, $4  }
0x114: {  	v63 =	vmul.f32 v47, v59;
	[tilespmem:s17+$0x0] =	vst v61  }
0x115: {  	[tilespmem:s17+$0x10] =	vst v62  }
0x116: {  	[tilespmem:s17+$0x20] =	vst v63  }
0x117: {  	[spmem:s3] =	stream.indirect.scatter.add.f32 [tilespmem:s24], [sflag:$0x4], $0x80, s8, s21, $0xb8;
	[tilespmem:$0x1C080] =	vst v63  }
0x118: {  	_ =	swait.ge [sflag:s31], $0x3E80  }
0x119: {  	[sflag:s31] =	ssyncset.done $0x0  }
0x11a: {  	s5 =	simm.s32 $0x4;
	[sflag:s31] =	ssyncadd.s32 $0xFFFFC180  }
0x11b: {  	_ =	swait.ge [sflag:s5], $0x3E80  }
0x11c: {  	[sflag:s5] =	ssyncset.done $0x0  }
0x11d: {  	[sflag:s5] =	ssyncadd.s32 $0xFFFFC180  }
0x11e: {  	[bflag:$0x0] =	sbarrier.arrive $0xFFFF  }
0x11f: {  	s9 =	rddreg [dreg:$0x9]  }
0x120: {  	s7 =	simm.s32 @p0 $0x1FC9;
	s5 =	sadd.s32 @p0 $0x24900, s9  }
0x121: {  	[hbm:s5], [sflag:s7] =	dma.local @p0 [spmem:s18], $0x2800  }
0x122: {  	s5 =	simm.s32 @p0 $0x9  }
0x123: {  	_ =	swait.ge @p0 [sflag:s5], $0x2800  }
0x124: {  	[sflag:s5] =	ssyncset.done @p0 $0x0  }
0x125: {  	[sflag:s5] =	ssyncadd.s32 @p0 $0xFFFFD800;
	s5 =	rddreg [dreg:$0x4]  }
0x126: {  	s5 =	sadd.s32 @!p0 s5, s9;
	s9 =	rddreg [dreg:$0xb]  }
0x127: {  	[hbm:s5], [sflag:s9] =	dma.local @!p0 [spmem:s19], $0x2700  }
0x128: {  	s5 =	simm.s32 @!p0 $0x9  }
0x129: {  	_ =	swait.ge @!p0 [sflag:s5], $0x2700  }
0x12a: {  	s13 =	smov.u32 s18;
	s10 =	sadd.s32 $0x1, s10;
	s18 =	rddreg [dreg:$0xa]  }
0x12b: {  	p1 =	sne.s32 s10, s18  }
.Ltmp5:
0x12c: {  	_ = 	snop;
	(pc) =	sbr.rel @p1 .LBB2_1-.Ltmp5, $3  }
0x12d: {  	_ =	sdelay $0x1  }
0x12e: {  	[sflag:s5] =	ssyncset.done @!p0 $0x0  }
0x12f: {  	[sflag:s5] =	ssyncadd.s32 @!p0 $0xFFFFD900  }
0x130: {  	_ =	sfence.sel $0x180000  }
0x131: {  	[bflag:$0x0] =	sbarrier.arrive $0xFFFF  }
0x132: {  	_ =	strace $0x9000004A  }
0x133: {  	s0 =	stileid.u32;
	[bflag:$0x2] =	sbarrier.arrive $0xFFFF  }
0x134: {  	p0 =	sne.s32 s0, $0x0;
	s0 =	rddreg [dreg:$0x3]  }
0x135: {  	s0 =	sadd.s32 @!p0 $0x100000, s0  }
0x136: {  	[sflag:s0] =	ssyncadd.tile.s32 @!p0 $0x1;
	_ =	shalt  }
.Lfunc_end2:
_tile_overlayer_lowered:
.L_overlay_start_2:
0x137: {  	(tag) =	ssettag $0x2  }
0x138: {  	s0 =	rddreg [dreg:$0x0];
	s2 =	stileid.u32  }
0x139: {  	s1 =	rddreg [dreg:$0x1];
	p0 =	sne.s32 s2, $0x0  }
0x13a: {  	s3 =	rddreg [dreg:$0x2];
	[bflag:$0x3] =	sbarrier.arrive $0xFFFF;
	s2 =	simm.s32 @!p0 $0x1C09  }
0x13b: {  	[timem:s3], [sflag:s2] =	dma.local @!p0 [hbm:s0], s1  }
0x13c: {  	s0 =	simm.s32 @!p0 $0x9  }
0x13d: {  	_ =	swait.ge @!p0 [sflag:s0], s1  }
0x13e: {  	s1 =	ssub.s32 @!p0 $0x0, s1;
	[sflag:s0] =	ssyncset.done @!p0 $0x0  }
0x13f: {  	[sflag:s0] =	ssyncadd.s32 @!p0 s1  }
0x140: {  	[bflag:$0x3] =	sbarrier.arrive $0xFFFF  }
0x141: {  	_ =	shalt  }

// kernel: kernel.14.cloned.1.call-start
scs
__scs_entry_jumppad:
0x0: {  	(pc) =	sbr.rel $0x88, $3  }
0x1: {  	(tag) =	ssettag $0x0;
	lr =	simm.s32 $0x1  }
0x2: {  	[smem:$0x3F9A] =	sst lr;
	_ =	strace $0xD0000000  }
0x3: {  	_ = 	snop  }
0x4: {  	_ = 	snop  }
0x5: {  	_ = 	snop  }
0x6: {  	_ = 	snop  }
0x7: {  	_ = 	snop  }
__scs_overlays_trampoline_lowered:
0x8: {  	[smem:$0x3FA9] =	sst s0  }
0x9: {  	[smem:$0x3FAA] =	sst s1  }
0xa: {  	[smem:$0x3FAB] =	sst s2  }
0xb: {  	[smem:$0x3FAC] =	sst s3  }
0xc: {  	[smem:$0x3FAD] =	sst s4  }
0xd: {  	[smem:$0x3FAE] =	sst s5  }
0xe: {  	[smem:$0x3FAF] =	sst s6  }
0xf: {  	[smem:$0x3FB0] =	sst s7  }
0x10: {  	[smem:$0x3FB1] =	sst s8  }
0x11: {  	[smem:$0x3FB2] =	sst s9;
	s0 =	simm.s32 @!p0 $0x0  }
0x12: {  	s1 =	sld [smem:$0x3F98];
	s0 =	simm.s32 @p0 $0x1  }
0x13: {  	[smem:$0x3FB3] =	sst s0;
	s0 =	simm.s32 @!p1 $0x0  }
0x14: {  	s2 =	sld [smem:$0x3F97];
	s0 =	simm.s32 @p1 $0x1  }
0x15: {  	[smem:$0x3FB4] =	sst s0;
	s0 =	simm.s32 @!p2 $0x0  }
0x16: {  	s3 =	sld [smem:$0x3FDB];
	s0 =	simm.s32 @p2 $0x1  }
0x17: {  	s4 =	simm.s32 $0x1BF5;
	[smem:$0x3FB6] =	sst s0  }
0x18: {  	s0 =	sld [smem:$0x3F99];
	_ =	swait.ge [sflag:s4], $0x0  }
0x19: {  	s7 =	sld [smem:$0x3F9A]  }
0x1a: {  	s8 =	sadd.s32 $0xFFFFE003, lr  }
0x1b: {  	s9 =	sadd.s32 $0xFFFFFEF7, lr;
	s5 =	simm.s32 $0xFFFFFFFF;
	p2 =	slt.u32 s8, $0xFFFFF086  }
0x1c: {  	p1 =	slt.u32 s9, $0xF7A;
	s5 =	simm.s32 @!p2 $0x0  }
0x1d: {  	s5 =	simm.s32 @p1 $0x1;
	p0 =	seq.s32 s7, s2  }
0x1e: {  	s7 =	smul.u32 @!p0 $0xF7A, s2;
	p2 =	seq.s32 @!p0 s5, $0x0  }
0x1f: {  	s9 =	smul.u32 $0xF7A, s1;
	s8 =	simm.s32 @!p0 $0x1BF5;
	p2 =	por !p2, p0  }
0x20: {  	[sflag:s8] =	ssyncset.s32 @!p0 $0xFFFFF086;
	s6 =	sadd.s32 @!p0 s3, s7;
	s7 =	simm.s32 @!p0 $0x108  }
0x21: {  	s3 =	sadd.s32 s3, s9;
	s6 =	sadd.s32 @!p0 $0x88, s6;
	s7 =	simm.s32 @p2 $0x1082  }
0x22: {  	[simem:s7], [sflag:s8] =	dma.local @!p0 [hbm:s6], $0xF7A  }
0x23: {  	s9 =	sor.u32 $0xD0000000, s2;
	s6 =	simm.s32 $0x108;
	_ =	swait.ge @!p0 [sflag:s8], $0x0  }
0x24: {  	s3 =	sadd.s32 $0x88, s3;
	s6 =	simm.s32 @!p1 $0x1082;
	[sflag:s4] =	ssyncset.s32 $0xFFFFF086  }
0x25: {  	[simem:s6], [sflag:s4] =	dma.local [hbm:s3], $0xF7A  }
0x26: {  	[smem:$0x3F9A] =	sst s1;
	(tag) =	ssettag s2;
	_ =	strace s9  }
0x27: {  	s1 =	sld [smem:$0x3FAA]  }
0x28: {  	s2 =	sld [smem:$0x3FAB]  }
0x29: {  	s4 =	sld [smem:$0x3FAD]  }
0x2a: {  	p0 =	seq.s32 s5, $0x0;
	s5 =	sld [smem:$0x3FAE]  }
0x2b: {  	s6 =	sld [smem:$0x3FAF]  }
0x2c: {  	s7 =	sld [smem:$0x3FB0]  }
0x2d: {  	s3 =	simm.s32 $0x108;
	s8 =	sld [smem:$0x3FB1]  }
0x2e: {  	s3 =	simm.s32 @!p0 $0x1082;
	s9 =	sld [smem:$0x3FB2]  }
0x2f: {  	lr =	sadd.s32 s0, s3;
	s0 =	sld [smem:$0x3FA9]  }
0x30: {  	s3 =	sld [smem:$0x3FAC]  }
0x31: {  	[smem:$0x3FB5] =	sst s10  }
0x32: {  	s10 =	sld [smem:$0x3FB3];
	_ =	sdelay $0x3  }
0x33: {  	p0 =	seq.s32 s10, $0x1;
	s10 =	sld [smem:$0x3FB5];
	_ =	sdelay $0x3  }
0x34: {  	[smem:$0x3FB5] =	sst s10  }
0x35: {  	s10 =	sld [smem:$0x3FB4];
	_ =	sdelay $0x3  }
0x36: {  	p1 =	seq.s32 s10, $0x1;
	s10 =	sld [smem:$0x3FB5];
	_ =	sdelay $0x3  }
0x37: {  	[smem:$0x3FB5] =	sst s10  }
0x38: {  	s10 =	sld [smem:$0x3FB6]  }
0x39: {  	_ = 	snop;
	(pc) =	sbr.ind lr, $3  }
0x3a: {  	_ = 	snop  }
0x3b: {  	_ = 	snop  }
0x3c: {  	p2 =	seq.s32 s10, $0x1;
	s10 =	sld [smem:$0x3FB5]  }
0x3d: {  	_ =	shalt  }
0x3e: {  	_ =	shalt  }
0x3f: {  	_ =	shalt  }
0x40: {  	_ =	shalt  }
0x41: {  	_ =	shalt  }
0x42: {  	_ =	shalt  }
0x43: {  	_ =	shalt  }
0x44: {  	_ =	shalt  }
0x45: {  	_ =	shalt  }
0x46: {  	_ =	shalt  }
0x47: {  	_ =	shalt  }
0x48: {  	_ =	shalt  }
0x49: {  	_ =	shalt  }
0x4a: {  	_ =	shalt  }
0x4b: {  	_ =	shalt  }
0x4c: {  	_ =	shalt  }
0x4d: {  	_ =	shalt  }
0x4e: {  	_ =	shalt  }
0x4f: {  	_ =	shalt  }
0x50: {  	_ =	shalt  }
0x51: {  	_ =	shalt  }
0x52: {  	_ =	shalt  }
0x53: {  	_ =	shalt  }
0x54: {  	_ =	shalt  }
0x55: {  	_ =	shalt  }
0x56: {  	_ =	shalt  }
0x57: {  	_ =	shalt  }
0x58: {  	_ =	shalt  }
0x59: {  	_ =	shalt  }
0x5a: {  	_ =	shalt  }
0x5b: {  	_ =	shalt  }
0x5c: {  	_ =	shalt  }
0x5d: {  	_ =	shalt  }
0x5e: {  	_ =	shalt  }
0x5f: {  	_ =	shalt  }
0x60: {  	_ =	shalt  }
0x61: {  	_ =	shalt  }
0x62: {  	_ =	shalt  }
0x63: {  	_ =	shalt  }
0x64: {  	_ =	shalt  }
0x65: {  	_ =	shalt  }
0x66: {  	_ =	shalt  }
0x67: {  	_ =	shalt  }
0x68: {  	_ =	shalt  }
0x69: {  	_ =	shalt  }
0x6a: {  	_ =	shalt  }
0x6b: {  	_ =	shalt  }
0x6c: {  	_ =	shalt  }
0x6d: {  	_ =	shalt  }
0x6e: {  	_ =	shalt  }
0x6f: {  	_ =	shalt  }
0x70: {  	_ =	shalt  }
0x71: {  	_ =	shalt  }
0x72: {  	_ =	shalt  }
0x73: {  	_ =	shalt  }
0x74: {  	_ =	shalt  }
0x75: {  	_ =	shalt  }
0x76: {  	_ =	shalt  }
0x77: {  	_ =	shalt  }
0x78: {  	_ =	shalt  }
0x79: {  	_ =	shalt  }
0x7a: {  	_ =	shalt  }
0x7b: {  	_ =	shalt  }
0x7c: {  	_ =	shalt  }
0x7d: {  	_ =	shalt  }
0x7e: {  	_ =	shalt  }
0x7f: {  	_ =	shalt  }
0x80: {  	_ =	shalt  }
0x81: {  	_ =	shalt  }
0x82: {  	_ =	shalt  }
0x83: {  	_ =	shalt  }
0x84: {  	_ =	shalt  }
0x85: {  	_ =	shalt  }
0x86: {  	_ =	shalt  }
0x87: {  	_ =	shalt  }
.Lfunc_end0:
.L_simem_size_0:
called_computation.2_lowered:
.L_overlay_start_0:
0x88: {  	s2 =	sld [smem:$0x3FD9]  }
0x89: {  	s3 =	sld [smem:$0x3FFE];
	_ =	sdelay $0x1  }
0x8a: {  	s1 =	srdreg.scid  }
0x8b: {  	s0 =	sand.u32 $0x1, s1  }
0x8c: {  	s17 =	sshll.u32 s0, $0xA;
	s2 =	sadd.s32 s3, s2  }
0x8d: {  	s2 =	sadd.s32 s2, s17  }
0x8e: {  	[smem:$0x3FC1] =	sst s2  }
0x8f: {  	_ = 	snop  }
0x90: {  	s2 =	sld [smem:$0x3FD0];
	(tm) =	ssettm $0x1  }
0x91: {  	s18 =	sld [smem:$0x3FFB];
	_ =	sdelay $0x3  }
0x92: {  	_ =	strace s18  }
0x93: {  	s3 =	sld [smem:$0x3FFC];
	_ =	sdelay $0x3  }
0x94: {  	_ =	strace s3  }
0x95: {  	s3 =	sld [smem:$0x3FFD];
	_ =	sdelay $0x3  }
0x96: {  	_ =	strace s3  }
0x97: {  	_ =	strace $0x8FFFFFFF  }
0x98: {  	s19 =	sld [smem:$0x3FDB];
	_ =	sdelay $0x1  }
0x99: {  	s4 =	simm.s32 $_scs_section_size  }
0x9a: {  	s5 =	simm.s32 $_size__tile_overlayer_lowered;
	s6 =	simm.s32 $_tile_overlayer_lowered  }
0x9b: {  	s22 =	simm.s32 $0x1BFF;
	s21 =	sshll.u32 s6, $0x1;
	s3 =	sadd.s32 s4, s19  }
0x9c: {  	s7 =	simm.s32 $0x0;
	s20 =	sshll.u32 s5, $0x1;
	s5 =	sadd.s32 s21, s3  }
0x9d: {  	[timem:s7], [sflag:s22] =	dma.local [hbm:s5], s20  }
0x9e: {  	_ =	swait.ge [sflag:s22], s20  }
0x9f: {  	s4 =	ssub.s32 $0x0, s20;
	[sflag:s22] =	ssyncset.done $0x0  }
0xa0: {  	[sflag:s22] =	ssyncadd.s32 s4;
	_ =	sdelay $0x1  }
0xa1: {  	s23 =	simm.s32 $0x1B8B  }
0xa2: {  	_ =	swait.ge [sflag:s23], $0x1  }
0xa3: {  	[sflag:s23] =	ssyncset.done $0x0  }
0xa4: {  	s25 =	simm.s32 $0x1B8E;
	s24 =	sld [smem:$0x3FFE];
	[sflag:s23] =	ssyncadd.s32 $0xFFFFFFFF  }
0xa5: {  	s26 =	simm.s32 $execute0_lowered;
	[smem:$0x3FD2] =	sst s25  }
0xa6: {  	s5 =	sshll.u32 s26, $0x1;
	_ =	strace $0x8000004C;
	[dreg:$0x1] =	wrdreg $0xFFFFFFFF  }
0xa7: {  	s28 =	simm.s32 $_size_execute0_lowered;
	s3 =	sadd.s32 s3, s5;
	[dreg:$0x0] =	wrdreg $0x0  }
0xa8: {  	s5 =	sshll.u32 s28, $0x1;
	[dreg:$0x2] =	wrdreg s3  }
0xa9: {  	[dreg:$0x3] =	wrdreg s5  }
0xaa: {  	[dreg:$0x4] =	wrdreg $0xC0  }
0xab: {  	_ =	task [dreg:s7], $0x5FFFF  }
0xac: {  	[dreg:$0x1] =	wrdreg $0xFFFFFFFF  }
0xad: {  	[dreg:$0x0] =	wrdreg $0x60  }
0xae: {  	[dreg:$0x2] =	wrdreg s2  }
0xaf: {  	[dreg:$0x3] =	wrdreg s24  }
0xb0: {  	[dreg:$0x4] =	wrdreg $0x88000  }
0xb1: {  	[dreg:$0x5] =	wrdreg $0x9  }
0xb2: {  	_ =	task.clear_ibuf [dreg:s7], $0x6FFFF;
	_ =	strace $0x9000004C  }
0xb3: {  	s29 =	simm.s32 $0x9;
	_ =	strace $0x8000004E  }
0xb4: {  	_ =	swait.ge [sflag:s29], $0x1  }
0xb5: {  	[sflag:s29] =	ssyncadd.s32 $0xFFFFFFFF  }
0xb6: {  	_ =	strace $0x9000004E  }
0xb7: {  	_ =	sfence  }
0xb8: {  	s30 =	sld [smem:$0x0];
	_ =	sdelay $0x2  }
0xb9: {  	s31 =	sshll.u32 s1, $0xD;
	s1 =	sshrl.u32 s1, $0x2  }
0xba: {  	s3 =	sand.u32 $0x4000, s31;
	s1 =	sadd.s32 s1, s30  }
0xbb: {  	s0 =	sor.u32 s3, s0;
	s1 =	sshll.u32 s1, $0x11  }
0xbc: {  	s0 =	sor.u32 s1, s0  }
0xbd: {  	s0 =	sadd.s32 $0x8F2B, s0  }
0xbe: {  	[sflag:s0] =	ssyncadd.remote.s32 $0x1  }
0xbf: {  	_ =	sfence.sel $0xFFFF  }
0xc0: {  	[dreg:$0x0] =	wrdreg $0xFFFFFFFF;
	(pc) =	sbr.abs _section_cstart, $3  }
0xc1: {  	[dreg:$0x1] =	wrdreg $0xFFFFFFFF  }
0xc2: {  	_ =	task.clear_ibuf [dreg:s7], $0x2FFFF;
	_ =	strace $0x9FFFFFFF  }
0xc3: {  	(tm) =	ssettm $0x7FFFFFFF  }
tec
execute0_lowered:
.L_overlay_start_1:
0x0: {  	(tag) =	ssettag $0x1  }
0x1: {  	s1 =	rddreg [dreg:$0x0]  }
0x2: {  	s0 =	rddreg [dreg:$0x1]  }
0x3: {  	s3 =	rddreg [dreg:$0x2];
	s4 =	simm.s32 $0x0;
	s13 =	stileid.u32  }
0x4: {  	s2 =	srdreg.scid;
	s15 =	simm.s32 $0x8000;
	s16 =	simm.s32 $0x8200  }
0x5: {  	s20 =	simm.s32 $0x5;
	s21 =	simm.s32 $0x7D;
	s22 =	simm.s32 $0x8400  }
0x6: {  	s23 =	simm.s32 $0x6;
	s24 =	simm.s32 $0x4000;
	s28 =	simm.s32 $0x8080  }
0x7: {  	s29 =	simm.s32 $0x2;
	s30 =	simm.s32 $0x8280;
	s31 =	simm.s32 $0x3  }
0x8: {  	s8 =	smul.u32 $0x2700, s13;
	s2 =	sand.u32 $0x1, s2;
	s5 =	sshll.u32 s13, $0x1  }
0x9: {  	[smem:$0x7FF] =	sst s4;
	s6 =	sadd.s32 $0xC200, s0;
	s9 =	smul.u32 $0x4E000, s13  }
0xa: {  	p0 =	seq.s32 s13, $0xF;
	s7 =	smul.u32 $0x27100, s2;
	s5 =	sor.u32 s2, s5  }
0xb: {  	_ =	strace $0x8000004D;
	s2 =	ssub.s32 $0x2, s2;
	s5 =	smul.u32 $0xA000, s5  }
0xc: {  	[dreg:$0x4] =	wrdreg s8;
	s8 =	sadd.s32 s8, s0;
	s11 =	sshrl.u32 s2, $0x1  }
0xd: {  	s9 =	sshrl.u32 s9, $0x2;
	s7 =	sadd.s32 s7, s0;
	s2 =	ssub.s32 s2, s11  }
0xe: {  	s9 =	sadd.s32 s9, s3;
	s8 =	sadd.s32 $0x34200, s8;
	s0 =	sadd.s32 $0x58B00, s0  }
0xf: {  	s10 =	sshrl.u32 s5, $0x3;
	[dreg:$0x7] =	wrdreg s8;
	s8 =	sadd.s32 $0x124800, s3  }
0x10: {  	[dreg:$0x8] =	wrdreg s0;
	s11 =	sor.u32 $0x400, s5;
	s12 =	sor.u32 $0x600, s5  }
0x11: {  	s25 =	sadd.s32 $0x5B400, s7;
	s26 =	smax.u32 s2, $0x1;
	s0 =	sshll.u32 @!p0 s13, $0x6  }
0x12: {  	s19 =	sshrl.u32 @!p0 s9, $0x3;
	s10 =	sadd.s32 s6, s10;
	[dreg:$0x9] =	wrdreg s25  }
0x13: {  	[dreg:$0xa] =	wrdreg s26;
	s2 =	sshrl.u32 @p0 s8, $0x3;
	s0 =	sor.u32 @!p0 $0x1C09, s0  }
0x14: {  	s25 =	simm.s32 $0x8600;
	s26 =	simm.s32 $0x1;
	s8 =	simm.s32 $0x8680  }
0x15: {  	[dreg:$0x5] =	wrdreg s10;
	s10 =	sadd.s32 $0x40, s10;
	s13 =	smov.u32 s2  }
0x16: {  	s9 =	smov.u32 s0;
	s0 =	simm.s32 $0x7;
	[dreg:$0x6] =	wrdreg s10  }
0x17: {  	s2 =	simm.s32 $0x8480;
	s10 =	simm.s32 $0x0;
	[dreg:$0xb] =	wrdreg s9  }
.LBB2_1:
0x18: {  	s5 =	rddreg [dreg:$0x5]  }
0x19: {  	s18 =	rddreg [dreg:$0x6]  }
0x1a: {  	[tilespmem:s15], [sflag:$0x5] =	stream.linear.gather [hbm4b:s5+s4], $0x180, $0x38;
	[tilespmem:$0x1C080] =	vst v63  }
0x1b: {  	s7 =	rddreg [dreg:$0x8];
	s5 =	simm.s32 @p0 $0x1FC9  }
0x1c: {  	[tilespmem:s16], [sflag:$0x6] =	stream.linear.gather [hbm4b:s18+s4], $0x180, $0x38;
	[tilespmem:$0x1C080] =	vst v63  }
0x1d: {  	[spmem:s13], [sflag:s5] =	dma.local @p0 [hbm:s7], $0x2800  }
0x1e: {  	s5 =	simm.s32 @p0 $0x9  }
0x1f: {  	_ =	swait.ge @p0 [sflag:s5], $0x2800  }
0x20: {  	[sflag:s5] =	ssyncset.done @p0 $0x0  }
0x21: {  	[sflag:s5] =	ssyncadd.s32 @p0 $0xFFFFD800;
	s5 =	rddreg [dreg:$0x7]  }
0x22: {  	[spmem:s19], [sflag:s9] =	dma.local @!p0 [hbm:s5], $0x2700  }
0x23: {  	s5 =	simm.s32 @!p0 $0x9  }
0x24: {  	_ =	swait.ge @!p0 [sflag:s5], $0x2700  }
0x25: {  	[sflag:s5] =	ssyncset.done @!p0 $0x0  }
0x26: {  	[sflag:s5] =	ssyncadd.s32 @!p0 $0xFFFFD900  }
0x27: {  	s18 =	smov.u32 s13;
	s5 =	simm.s32 $0x0;
	[bflag:$0x0] =	sbarrier.arrive $0xFFFF  }
.LBB2_2:
0x28: {  	p1 =	seq.s32 s5, $0x0  }
0x29: {  	s7 =	simm.s32 @!p1 $0x3  }
0x2a: {  	_ =	swait.ge @!p1 [sflag:s7], $0x3E80  }
0x2b: {  	[sflag:s7] =	ssyncset.done @!p1 $0x0  }
0x2c: {  	[sflag:s7] =	ssyncadd.s32 @!p1 $0xFFFFC180  }
0x2d: {  	s17 =	sshll.u32 s5, $0xB;
	_ =	swait.ge [sflag:s20], $0x180  }
0x2e: {  	s9 =	sadd.s32 s17, s11;
	[sflag:s20] =	ssyncset.done $0x0  }
0x2f: {  	s9 =	sshrl.u32 s9, $0x3;
	[sflag:s20] =	ssyncadd.s32 $0xFFFFFE80  }
0x30: {  	[tilespmem:s4], [sflag:$0x1] =	stream.indirect.gather [hbm4b:s1+s21], $0x80, s15, s21, $0xb8;
	[tilespmem:$0x1C080] =	vst v63  }
0x31: {  	s9 =	sadd.s32 s6, s9  }
0x32: {  	[tilespmem:s22], [sflag:$0x7] =	stream.linear.gather [hbm4b:s9+s4], $0x180, $0x38;
	[tilespmem:$0x1C080] =	vst v63  }
0x33: {  	s9 =	simm.s32 @!p1 $0x4  }
0x34: {  	_ =	swait.ge @!p1 [sflag:s9], $0x3E80  }
0x35: {  	[sflag:s9] =	ssyncset.done @!p1 $0x0  }
0x36: {  	s13 =	simm.s32 $0x0;
	[sflag:s9] =	ssyncadd.s32 @!p1 $0xFFFFC180  }
0x37: {  	v0 =	vmov s13;
	_ =	swait.ge [sflag:s23], $0x180  }
0x38: {  	v0 =	vand.u32 $0x7F, v0;
	s7 =	sadd.s32 s17, s12;
	[sflag:s23] =	ssyncset.done $0x0  }
0x39: {  	v0 =	vor.u32 $0x100, v0;
	s7 =	sshrl.u32 s7, $0x3;
	[sflag:s23] =	ssyncadd.s32 $0xFFFFFE80  }
0x3a: {  	v0 =	vbroadcast v0, $0x0;
	[tilespmem:s24], [sflag:$0x2] =	stream.indirect.gather [hbm4b:s1+s21], $0x80, s16, s21, $0xb8;
	[tilespmem:$0x1C080] =	vst v63  }
0x3b: {  	s7 =	sadd.s32 s6, s7  }
0x3c: {  	[tilespmem:s25], [sflag:$0x8] =	stream.linear.gather [hbm4b:s7+s13], $0x180, $0x38;
	[tilespmem:$0x1C080] =	vst v63  }
0x3d: {  	_ =	swait.ge [sflag:s26], $0x3E80  }
0x3e: {  	[sflag:s26] =	ssyncset.done $0x0  }
0x3f: {  	s14 =	simm.s32 $0x1;
	[sflag:s26] =	ssyncadd.s32 $0xFFFFC180  }
0x40: {  	v1 =	vmov s14;
	s9 =	simm.s32 $0x40;
	v0 =	vld.idx.msk [tilespmem:v0+s15+$0x0], $0xffff  }
0x41: {  	v1 =	vand.u32 $0x7F, v1;
	v2 =	vld [tilespmem:s9+$0x30]  }
0x42: {  	v1 =	vor.u32 $0x100, v1;
	v6 =	vld [tilespmem:s9+$0xFFFFFFC0]  }
0x43: {  	v1 =	vbroadcast v1, $0x0;
	v7 =	vld [tilespmem:s9+$0xFFFFFFD0]  }
0x44: {  	v9 =	vld [tilespmem:s9+$0xFFFFFFE0]  }
0x45: {  	v5 =	vld [tilespmem:s9+$0xFFFFFFF0]  }
0x46: {  	v3 =	vld [tilespmem:s9+$0x0];
	v8 =	vmul.f32 v0, v2  }
0x47: {  	v4 =	vld [tilespmem:s9+$0x10];
	v10 =	vmul.f32 v0, v6  }
0x48: {  	s17 =	simm.s32 $0x2;
	v2 =	vld [tilespmem:s9+$0x20];
	v6 =	vmul.f32 v0, v7;
	[tilespmem:s9+$0x30] =	vst v8  }
0x49: {  	s14 =	sshll.u32 s5, $0x1;
	s13 =	simm.s32 $0x3;
	s7 =	simm.s32 $0xC0;
	v1 =	vld.idx.msk [tilespmem:v1+s15+$0x0], $0xffff;
	v7 =	vmul.f32 v0, v9;
	v8 =	vmov s17;
	[tilespmem:s9+$0xFFFFFFC0] =	vst v10  }
.LBB2_3:
0x4a: {  	p1 =	sne.s32 s13, $0x7C;
	v8 =	vand.u32 $0x7F, v8;
	v9 =	vld [tilespmem:s7+$0x30];
	[tilespmem:s9+$0xFFFFFFD0] =	vst v6;
	v5 =	vmul.f32 v0, v5  }
0x4b: {  	v6 =	vor.u32 $0x100, v8;
	v8 =	vld [tilespmem:s7+$0xFFFFFFC0];
	[tilespmem:s9+$0xFFFFFFE0] =	vst v7;
	v3 =	vmul.f32 v0, v3  }
0x4c: {  	v7 =	vbroadcast v6, $0x0;
	v6 =	vld [tilespmem:s7+$0xFFFFFFD0];
	[tilespmem:s9+$0xFFFFFFF0] =	vst v5;
	v4 =	vmul.f32 v0, v4  }
0x4d: {  	v10 =	vld [tilespmem:s7+$0xFFFFFFE0];
	[tilespmem:s9+$0x0] =	vst v3;
	v2 =	vmul.f32 v0, v2  }
.Ltmp0:
0x4e: {  	v5 =	vld [tilespmem:s7+$0xFFFFFFF0];
	[tilespmem:s9+$0x10] =	vst v4;
	(pc) =	sbr.rel @p1 .LBB2_3-.Ltmp0, $4  }
0x4f: {  	v0 =	vmov v1;
	v3 =	vld [tilespmem:s7+$0x0];
	v9 =	vmul.f32 v1, v9;
	[tilespmem:s9+$0x20] =	vst v2;
	s9 =	smov.u32 s7  }
0x50: {  	v11 =	vmul.f32 v0, v8;
	v4 =	vld [tilespmem:s7+$0x10]  }
0x51: {  	v6 =	vmul.f32 v0, v6;
	v2 =	vld [tilespmem:s7+$0x20];
	[tilespmem:s7+$0x30] =	vst v9  }
0x52: {  	v8 =	vmov s13;
	s13 =	sadd.s32 $0x1, s13;
	s7 =	sadd.s32 $0x80, s7;
	v1 =	vld.idx.msk [tilespmem:v7+s15+$0x0], $0xffff;
	[tilespmem:s9+$0xFFFFFFC0] =	vst v11;
	v7 =	vmul.f32 v0, v10  }
0x53: {  	v8 =	vand.u32 $0x7F, v8;
	v9 =	vld [tilespmem:s7+$0x30]  }
0x54: {  	v10 =	vld [tilespmem:s7+$0xFFFFFFC0];
	[tilespmem:s9+$0xFFFFFFD0] =	vst v6;
	v8 =	vor.u32 $0x100, v8  }
0x55: {  	v5 =	vmul.f32 v0, v5;
	[tilespmem:s9+$0xFFFFFFE0] =	vst v7;
	v7 =	vld [tilespmem:s7+$0xFFFFFFE0];
	v6 =	vbroadcast v8, $0x0  }
0x56: {  	v3 =	vmul.f32 v0, v3;
	v8 =	vld [tilespmem:s7+$0xFFFFFFD0]  }
0x57: {  	[tilespmem:s9+$0xFFFFFFF0] =	vst v5;
	v4 =	vmul.f32 v0, v4;
	v5 =	vld [tilespmem:s7+$0xFFFFFFF0]  }
0x58: {  	[tilespmem:s9+$0x0] =	vst v3;
	v0 =	vmul.f32 v0, v2;
	v2 =	vld [tilespmem:s7+$0x0]  }
0x59: {  	[tilespmem:s9+$0x10] =	vst v4;
	v4 =	vld [tilespmem:s7+$0x10];
	v3 =	vmul.f32 v1, v9  }
0x5a: {  	[tilespmem:s9+$0x20] =	vst v0;
	v0 =	vmul.f32 v1, v10;
	v9 =	vld [tilespmem:s7+$0x20]  }
0x5b: {  	s13 =	sadd.s32 $0x80, s7;
	v8 =	vmul.f32 v1, v8;
	[tilespmem:s7+$0x30] =	vst v3;
	v3 =	vld.idx.msk [tilespmem:v6+s15+$0x0], $0xffff  }
0x5c: {  	[tilespmem:s7+$0xFFFFFFC0] =	vst v0;
	v0 =	vmul.f32 v1, v7;
	v6 =	vld [tilespmem:s13+$0x30]  }
0x5d: {  	v5 =	vmul.f32 v1, v5;
	v7 =	vld [tilespmem:s13+$0xFFFFFFC0];
	[tilespmem:s7+$0xFFFFFFD0] =	vst v8  }
0x5e: {  	[tilespmem:s7+$0xFFFFFFE0] =	vst v0;
	v0 =	vmul.f32 v1, v2;
	v2 =	vld [tilespmem:s13+$0xFFFFFFD0]  }
0x5f: {  	[tilespmem:s7+$0xFFFFFFF0] =	vst v5;
	v4 =	vmul.f32 v1, v4;
	v5 =	vld [tilespmem:s13+$0xFFFFFFE0]  }
0x60: {  	[tilespmem:s7+$0x0] =	vst v0;
	v0 =	vmul.f32 v1, v9;
	v1 =	vld [tilespmem:s13+$0xFFFFFFF0]  }
0x61: {  	[tilespmem:s7+$0x10] =	vst v4;
	v4 =	vld [tilespmem:s13+$0x0];
	v6 =	vmul.f32 v3, v6  }
0x62: {  	[tilespmem:s7+$0x20] =	vst v0;
	v0 =	vmul.f32 v3, v7;
	v7 =	vld [tilespmem:s13+$0x10]  }
0x63: {  	v8 =	vld [tilespmem:s13+$0x20];
	v2 =	vmul.f32 v3, v2;
	[tilespmem:s13+$0x30] =	vst v6  }
0x64: {  	[tilespmem:s13+$0xFFFFFFC0] =	vst v0;
	v0 =	vmul.f32 v3, v5  }
0x65: {  	s17 =	simm.s32 $0x0;
	[tilespmem:s13+$0xFFFFFFD0] =	vst v2;
	v1 =	vmul.f32 v3, v1  }
0x66: {  	v2 =	vmov s17;
	[tilespmem:s13+$0xFFFFFFE0] =	vst v0;
	v0 =	vmul.f32 v3, v4  }
0x67: {  	v2 =	vand.u32 $0x7F, v2;
	[tilespmem:s13+$0xFFFFFFF0] =	vst v1;
	v1 =	vmul.f32 v3, v7  }
0x68: {  	v2 =	vor.u32 $0x100, v2;
	[tilespmem:s13+$0x0] =	vst v0;
	v0 =	vmul.f32 v3, v8  }
0x69: {  	[tilespmem:s13+$0x10] =	vst v1;
	v1 =	vbroadcast v2, $0x0  }
0x6a: {  	[tilespmem:s13+$0x20] =	vst v0  }
0x6b: {  	[spmem:s3] =	stream.indirect.scatter.add.f32 [tilespmem:s17], [sflag:$0x3], $0x80, s28, s21, $0xb8;
	[tilespmem:$0x1C080] =	vst v63  }
0x6c: {  	_ =	swait.ge [sflag:s29], $0x3E80  }
0x6d: {  	[sflag:s29] =	ssyncset.done $0x0  }
0x6e: {  	s13 =	simm.s32 $0x1;
	[sflag:s29] =	ssyncadd.s32 $0xFFFFC180  }
0x6f: {  	s9 =	simm.s32 $0x4040;
	v0 =	vmov s13;
	v1 =	vld.idx.msk [tilespmem:v1+s16+$0x0], $0xffff  }
0x70: {  	v0 =	vand.u32 $0x7F, v0;
	v2 =	vld [tilespmem:s9+$0x30]  }
0x71: {  	v0 =	vor.u32 $0x100, v0;
	v6 =	vld [tilespmem:s9+$0xFFFFFFC0]  }
0x72: {  	v0 =	vbroadcast v0, $0x0;
	v7 =	vld [tilespmem:s9+$0xFFFFFFD0]  }
0x73: {  	v9 =	vld [tilespmem:s9+$0xFFFFFFE0]  }
0x74: {  	v5 =	vld [tilespmem:s9+$0xFFFFFFF0]  }
0x75: {  	v3 =	vld [tilespmem:s9+$0x0];
	v8 =	vmul.f32 v1, v2  }
0x76: {  	v4 =	vld [tilespmem:s9+$0x10];
	v10 =	vmul.f32 v1, v6  }
0x77: {  	s17 =	simm.s32 $0x2;
	v2 =	vld [tilespmem:s9+$0x20];
	v6 =	vmul.f32 v1, v7;
	[tilespmem:s9+$0x30] =	vst v8  }
0x78: {  	s7 =	simm.s32 $0x40C0;
	s13 =	simm.s32 $0x3;
	v0 =	vld.idx.msk [tilespmem:v0+s16+$0x0], $0xffff;
	v7 =	vmul.f32 v1, v9;
	v8 =	vmov s17;
	[tilespmem:s9+$0xFFFFFFC0] =	vst v10  }
.LBB2_5:
0x79: {  	p1 =	sne.s32 s13, $0x7C;
	v8 =	vand.u32 $0x7F, v8;
	v9 =	vld [tilespmem:s7+$0x30];
	[tilespmem:s9+$0xFFFFFFD0] =	vst v6;
	v5 =	vmul.f32 v1, v5  }
0x7a: {  	v6 =	vor.u32 $0x100, v8;
	v8 =	vld [tilespmem:s7+$0xFFFFFFC0];
	[tilespmem:s9+$0xFFFFFFE0] =	vst v7;
	v3 =	vmul.f32 v1, v3  }
0x7b: {  	v7 =	vbroadcast v6, $0x0;
	v6 =	vld [tilespmem:s7+$0xFFFFFFD0];
	[tilespmem:s9+$0xFFFFFFF0] =	vst v5;
	v4 =	vmul.f32 v1, v4  }
0x7c: {  	v10 =	vld [tilespmem:s7+$0xFFFFFFE0];
	[tilespmem:s9+$0x0] =	vst v3;
	v2 =	vmul.f32 v1, v2  }
.Ltmp1:
0x7d: {  	v5 =	vld [tilespmem:s7+$0xFFFFFFF0];
	[tilespmem:s9+$0x10] =	vst v4;
	(pc) =	sbr.rel @p1 .LBB2_5-.Ltmp1, $4  }
0x7e: {  	v1 =	vmov v0;
	v3 =	vld [tilespmem:s7+$0x0];
	v9 =	vmul.f32 v0, v9;
	[tilespmem:s9+$0x20] =	vst v2;
	s9 =	smov.u32 s7  }
0x7f: {  	v11 =	vmul.f32 v1, v8;
	v4 =	vld [tilespmem:s7+$0x10]  }
0x80: {  	v6 =	vmul.f32 v1, v6;
	v2 =	vld [tilespmem:s7+$0x20];
	[tilespmem:s7+$0x30] =	vst v9  }
0x81: {  	v8 =	vmov s13;
	s13 =	sadd.s32 $0x1, s13;
	s7 =	sadd.s32 $0x80, s7;
	v0 =	vld.idx.msk [tilespmem:v7+s16+$0x0], $0xffff;
	[tilespmem:s9+$0xFFFFFFC0] =	vst v11;
	v7 =	vmul.f32 v1, v10  }
0x82: {  	v8 =	vand.u32 $0x7F, v8;
	v9 =	vld [tilespmem:s7+$0x30]  }
0x83: {  	v10 =	vld [tilespmem:s7+$0xFFFFFFC0];
	[tilespmem:s9+$0xFFFFFFD0] =	vst v6;
	v8 =	vor.u32 $0x100, v8  }
0x84: {  	v5 =	vmul.f32 v1, v5;
	[tilespmem:s9+$0xFFFFFFE0] =	vst v7;
	v7 =	vld [tilespmem:s7+$0xFFFFFFE0];
	v6 =	vbroadcast v8, $0x0  }
0x85: {  	v3 =	vmul.f32 v1, v3;
	v8 =	vld [tilespmem:s7+$0xFFFFFFD0]  }
0x86: {  	[tilespmem:s9+$0xFFFFFFF0] =	vst v5;
	v4 =	vmul.f32 v1, v4;
	v5 =	vld [tilespmem:s7+$0xFFFFFFF0]  }
0x87: {  	[tilespmem:s9+$0x0] =	vst v3;
	v1 =	vmul.f32 v1, v2;
	v2 =	vld [tilespmem:s7+$0x0]  }
0x88: {  	[tilespmem:s9+$0x10] =	vst v4;
	v4 =	vld [tilespmem:s7+$0x10];
	v3 =	vmul.f32 v0, v9  }
0x89: {  	[tilespmem:s9+$0x20] =	vst v1;
	v1 =	vmul.f32 v0, v10;
	v9 =	vld [tilespmem:s7+$0x20]  }
0x8a: {  	s13 =	sadd.s32 $0x80, s7;
	v8 =	vmul.f32 v0, v8;
	[tilespmem:s7+$0x30] =	vst v3;
	v3 =	vld.idx.msk [tilespmem:v6+s16+$0x0], $0xffff  }
0x8b: {  	[tilespmem:s7+$0xFFFFFFC0] =	vst v1;
	v1 =	vmul.f32 v0, v7;
	v6 =	vld [tilespmem:s13+$0x30]  }
0x8c: {  	v5 =	vmul.f32 v0, v5;
	v7 =	vld [tilespmem:s13+$0xFFFFFFC0];
	[tilespmem:s7+$0xFFFFFFD0] =	vst v8  }
0x8d: {  	[tilespmem:s7+$0xFFFFFFE0] =	vst v1;
	v1 =	vmul.f32 v0, v2;
	v2 =	vld [tilespmem:s13+$0xFFFFFFD0]  }
0x8e: {  	[tilespmem:s7+$0xFFFFFFF0] =	vst v5;
	v4 =	vmul.f32 v0, v4;
	v5 =	vld [tilespmem:s13+$0xFFFFFFE0]  }
0x8f: {  	v0 =	vmul.f32 v0, v9;
	[tilespmem:s7+$0x0] =	vst v1;
	v1 =	vld [tilespmem:s13+$0xFFFFFFF0]  }
0x90: {  	[tilespmem:s7+$0x10] =	vst v4;
	v4 =	vld [tilespmem:s13+$0x0];
	v6 =	vmul.f32 v3, v6  }
0x91: {  	[tilespmem:s7+$0x20] =	vst v0;
	v0 =	vmul.f32 v3, v7;
	v7 =	vld [tilespmem:s13+$0x10]  }
0x92: {  	v8 =	vld [tilespmem:s13+$0x20];
	v2 =	vmul.f32 v3, v2;
	[tilespmem:s13+$0x30] =	vst v6  }
0x93: {  	[tilespmem:s13+$0xFFFFFFC0] =	vst v0;
	v0 =	vmul.f32 v3, v5  }
0x94: {  	[tilespmem:s13+$0xFFFFFFD0] =	vst v2;
	v1 =	vmul.f32 v3, v1  }
0x95: {  	[tilespmem:s13+$0xFFFFFFE0] =	vst v0;
	v0 =	vmul.f32 v3, v4  }
0x96: {  	[tilespmem:s13+$0xFFFFFFF0] =	vst v1;
	v1 =	vmul.f32 v3, v7  }
0x97: {  	[tilespmem:s13+$0x0] =	vst v0;
	v0 =	vmul.f32 v3, v8  }
0x98: {  	[tilespmem:s13+$0x10] =	vst v1  }
0x99: {  	[tilespmem:s13+$0x20] =	vst v0  }
0x9a: {  	[spmem:s3] =	stream.indirect.scatter.add.f32 [tilespmem:s24], [sflag:$0x4], $0x80, s30, s21, $0xb8;
	[tilespmem:$0x1C080] =	vst v63  }
0x9b: {  	_ =	swait.ge [sflag:s31], $0x3E80  }
0x9c: {  	[sflag:s31] =	ssyncset.done $0x0  }
0x9d: {  	[sflag:s31] =	ssyncadd.s32 $0xFFFFC180  }
0x9e: {  	s7 =	sor.u32 $0x1, s14;
	_ =	swait.ge [sflag:s0], $0x180  }
0x9f: {  	p1 =	sgt.u32 s7, $0x26;
	[sflag:s0] =	ssyncset.done $0x0  }
0xa0: {  	s9 =	simm.s32 @p1 $0x4;
	[sflag:s0] =	ssyncadd.s32 $0xFFFFFE80  }
0xa1: {  	[tilespmem:s4], [sflag:$0x1] =	stream.indirect.gather [hbm4b:s1+s21], $0x80, s22, s21, $0xb8;
	[tilespmem:$0x1C080] =	vst v63  }
0xa2: {  	_ =	swait.ge @p1 [sflag:s9], $0x3E80  }
0xa3: {  	[sflag:s9] =	ssyncset.done @p1 $0x0  }
0xa4: {  	[sflag:s9] =	ssyncadd.s32 @p1 $0xFFFFC180;
	s9 =	simm.s32 @p1 $0x8  }
0xa5: {  	_ =	swait.ge @p1 [sflag:s9], $0x180  }
0xa6: {  	s14 =	simm.s32 @p1 $0x4000;
	s7 =	sshll.u32 @!p1 s7, $0xA;
	[sflag:s9] =	ssyncset.done @p1 $0x0  }
0xa7: {  	s13 =	simm.s32 @p1 $0x8600;
	[sflag:s9] =	ssyncadd.s32 @p1 $0xFFFFFE80;
	s9 =	simm.s32 @p1 $0x7D  }
0xa8: {  	[tilespmem:s14], [sflag:$0x2] =	stream.indirect.gather @p1 [hbm4b:s1+s9], $0x80, s13, s9, $0xb8;
	[tilespmem:$0x1C080] =	vst v63  }
0xa9: {  	s9 =	sadd.s32 @!p1 s7, s11  }
0xaa: {  	s9 =	sshrl.u32 @!p1 s9, $0x3  }
0xab: {  	s13 =	simm.s32 @!p1 $0x0;
	s14 =	simm.s32 @!p1 $0x8000;
	s9 =	sadd.s32 @!p1 s6, s9  }
0xac: {  	[tilespmem:s14], [sflag:$0x5] =	stream.linear.gather @!p1 [hbm4b:s9+s13], $0x180, $0x38;
	[tilespmem:$0x1C080] =	vst v63  }
0xad: {  	s9 =	simm.s32 @!p1 $0x4  }
0xae: {  	_ =	swait.ge @!p1 [sflag:s9], $0x3E80  }
0xaf: {  	[sflag:s9] =	ssyncset.done @!p1 $0x0  }
0xb0: {  	[sflag:s9] =	ssyncadd.s32 @!p1 $0xFFFFC180;
	s9 =	simm.s32 @!p1 $0x8  }
0xb1: {  	_ =	swait.ge @!p1 [sflag:s9], $0x180  }
0xb2: {  	[sflag:s9] =	ssyncset.done @!p1 $0x0  }
0xb3: {  	[sflag:s9] =	ssyncadd.s32 @!p1 $0xFFFFFE80;
	s9 =	simm.s32 $0x0  }
0xb4: {  	v0 =	vmov s9  }
0xb5: {  	s17 =	simm.s32 @!p1 $0x8600;
	s7 =	sadd.s32 @!p1 s7, s12;
	v0 =	vand.u32 $0x7F, v0  }
0xb6: {  	s7 =	sshrl.u32 @!p1 s7, $0x3;
	s14 =	simm.s32 @!p1 $0x7D;
	s9 =	simm.s32 @!p1 $0x4000;
	v0 =	vor.u32 $0x100, v0  }
0xb7: {  	[tilespmem:s9], [sflag:$0x2] =	stream.indirect.gather @!p1 [hbm4b:s1+s14], $0x80, s17, s14, $0xb8;
	v0 =	vbroadcast v0, $0x0;
	[tilespmem:$0x1C080] =	vst v63  }
0xb8: {  	s7 =	sadd.s32 @!p1 s6, s7;
	s9 =	simm.s32 @!p1 $0x8200  }
0xb9: {  	[tilespmem:s9], [sflag:$0x6] =	stream.linear.gather @!p1 [hbm4b:s7+s13], $0x180, $0x38;
	[tilespmem:$0x1C080] =	vst v63  }
0xba: {  	_ =	swait.ge [sflag:s26], $0x3E80  }
0xbb: {  	[sflag:s26] =	ssyncset.done $0x0  }
0xbc: {  	s14 =	simm.s32 $0x1;
	[sflag:s26] =	ssyncadd.s32 $0xFFFFC180  }
0xbd: {  	s9 =	simm.s32 $0x40;
	v1 =	vld.idx.msk [tilespmem:v0+s22+$0x0], $0xffff;
	v0 =	vmov s14  }
0xbe: {  	v2 =	vld [tilespmem:s9+$0x30];
	v0 =	vand.u32 $0x7F, v0  }
0xbf: {  	v6 =	vld [tilespmem:s9+$0xFFFFFFC0];
	v0 =	vor.u32 $0x100, v0  }
0xc0: {  	v7 =	vld [tilespmem:s9+$0xFFFFFFD0];
	v0 =	vbroadcast v0, $0x0  }
0xc1: {  	v9 =	vld [tilespmem:s9+$0xFFFFFFE0]  }
0xc2: {  	v5 =	vld [tilespmem:s9+$0xFFFFFFF0]  }
0xc3: {  	v3 =	vld [tilespmem:s9+$0x0];
	v8 =	vmul.f32 v1, v2  }
0xc4: {  	v4 =	vld [tilespmem:s9+$0x10];
	v10 =	vmul.f32 v1, v6  }
0xc5: {  	s17 =	simm.s32 $0x2;
	v2 =	vld [tilespmem:s9+$0x20];
	v6 =	vmul.f32 v1, v7;
	[tilespmem:s9+$0x30] =	vst v8  }
0xc6: {  	s13 =	simm.s32 $0x3;
	s7 =	simm.s32 $0xC0;
	v7 =	vmul.f32 v1, v9;
	v8 =	vmov s17;
	[tilespmem:s9+$0xFFFFFFC0] =	vst v10;
	v0 =	vld.idx.msk [tilespmem:v0+s22+$0x0], $0xffff  }
.LBB2_7:
0xc7: {  	p1 =	sne.s32 s13, $0x7C;
	v8 =	vand.u32 $0x7F, v8;
	v9 =	vld [tilespmem:s7+$0x30];
	[tilespmem:s9+$0xFFFFFFD0] =	vst v6;
	v5 =	vmul.f32 v1, v5  }
0xc8: {  	v6 =	vor.u32 $0x100, v8;
	v8 =	vld [tilespmem:s7+$0xFFFFFFC0];
	[tilespmem:s9+$0xFFFFFFE0] =	vst v7;
	v3 =	vmul.f32 v1, v3  }
0xc9: {  	v7 =	vbroadcast v6, $0x0;
	v6 =	vld [tilespmem:s7+$0xFFFFFFD0];
	[tilespmem:s9+$0xFFFFFFF0] =	vst v5;
	v4 =	vmul.f32 v1, v4  }
0xca: {  	v10 =	vld [tilespmem:s7+$0xFFFFFFE0];
	[tilespmem:s9+$0x0] =	vst v3;
	v2 =	vmul.f32 v1, v2  }
.Ltmp2:
0xcb: {  	v5 =	vld [tilespmem:s7+$0xFFFFFFF0];
	[tilespmem:s9+$0x10] =	vst v4;
	(pc) =	sbr.rel @p1 .LBB2_7-.Ltmp2, $4  }
0xcc: {  	v1 =	vmov v0;
	v3 =	vld [tilespmem:s7+$0x0];
	v9 =	vmul.f32 v0, v9;
	[tilespmem:s9+$0x20] =	vst v2;
	s9 =	smov.u32 s7  }
0xcd: {  	v11 =	vmul.f32 v1, v8;
	v4 =	vld [tilespmem:s7+$0x10]  }
0xce: {  	v6 =	vmul.f32 v1, v6;
	v2 =	vld [tilespmem:s7+$0x20];
	[tilespmem:s7+$0x30] =	vst v9  }
0xcf: {  	v8 =	vmov s13;
	s13 =	sadd.s32 $0x1, s13;
	s7 =	sadd.s32 $0x80, s7;
	v0 =	vld.idx.msk [tilespmem:v7+s22+$0x0], $0xffff;
	[tilespmem:s9+$0xFFFFFFC0] =	vst v11;
	v7 =	vmul.f32 v1, v10  }
0xd0: {  	v8 =	vand.u32 $0x7F, v8;
	v9 =	vld [tilespmem:s7+$0x30]  }
0xd1: {  	v10 =	vld [tilespmem:s7+$0xFFFFFFC0];
	[tilespmem:s9+$0xFFFFFFD0] =	vst v6;
	v8 =	vor.u32 $0x100, v8  }
0xd2: {  	v5 =	vmul.f32 v1, v5;
	[tilespmem:s9+$0xFFFFFFE0] =	vst v7;
	v7 =	vld [tilespmem:s7+$0xFFFFFFE0];
	v6 =	vbroadcast v8, $0x0  }
0xd3: {  	v3 =	vmul.f32 v1, v3;
	v8 =	vld [tilespmem:s7+$0xFFFFFFD0]  }
0xd4: {  	[tilespmem:s9+$0xFFFFFFF0] =	vst v5;
	v4 =	vmul.f32 v1, v4;
	v5 =	vld [tilespmem:s7+$0xFFFFFFF0]  }
0xd5: {  	[tilespmem:s9+$0x0] =	vst v3;
	v1 =	vmul.f32 v1, v2;
	v2 =	vld [tilespmem:s7+$0x0]  }
0xd6: {  	[tilespmem:s9+$0x10] =	vst v4;
	v4 =	vld [tilespmem:s7+$0x10];
	v3 =	vmul.f32 v0, v9  }
0xd7: {  	[tilespmem:s9+$0x20] =	vst v1;
	v1 =	vmul.f32 v0, v10;
	v9 =	vld [tilespmem:s7+$0x20]  }
0xd8: {  	s17 =	sadd.s32 $0x80, s7;
	v8 =	vmul.f32 v0, v8;
	[tilespmem:s7+$0x30] =	vst v3;
	v3 =	vld.idx.msk [tilespmem:v6+s22+$0x0], $0xffff  }
0xd9: {  	[tilespmem:s7+$0xFFFFFFC0] =	vst v1;
	v1 =	vmul.f32 v0, v7;
	v6 =	vld [tilespmem:s17+$0x30]  }
0xda: {  	v5 =	vmul.f32 v0, v5;
	v7 =	vld [tilespmem:s17+$0xFFFFFFC0];
	[tilespmem:s7+$0xFFFFFFD0] =	vst v8  }
0xdb: {  	[tilespmem:s7+$0xFFFFFFE0] =	vst v1;
	v1 =	vmul.f32 v0, v2;
	v2 =	vld [tilespmem:s17+$0xFFFFFFD0]  }
0xdc: {  	[tilespmem:s7+$0xFFFFFFF0] =	vst v5;
	v4 =	vmul.f32 v0, v4;
	v5 =	vld [tilespmem:s17+$0xFFFFFFE0]  }
0xdd: {  	v0 =	vmul.f32 v0, v9;
	[tilespmem:s7+$0x0] =	vst v1;
	v1 =	vld [tilespmem:s17+$0xFFFFFFF0]  }
0xde: {  	[tilespmem:s7+$0x10] =	vst v4;
	v4 =	vld [tilespmem:s17+$0x0];
	v6 =	vmul.f32 v3, v6  }
0xdf: {  	[tilespmem:s7+$0x20] =	vst v0;
	v0 =	vmul.f32 v3, v7;
	v7 =	vld [tilespmem:s17+$0x10]  }
0xe0: {  	v8 =	vld [tilespmem:s17+$0x20];
	v2 =	vmul.f32 v3, v2;
	[tilespmem:s17+$0x30] =	vst v6  }
0xe1: {  	[tilespmem:s17+$0xFFFFFFC0] =	vst v0;
	v0 =	vmul.f32 v3, v5  }
0xe2: {  	s13 =	simm.s32 $0x0;
	[tilespmem:s17+$0xFFFFFFD0] =	vst v2;
	v1 =	vmul.f32 v3, v1  }
0xe3: {  	v2 =	vmov s13;
	[tilespmem:s17+$0xFFFFFFE0] =	vst v0;
	v0 =	vmul.f32 v3, v4  }
0xe4: {  	v2 =	vand.u32 $0x7F, v2;
	[tilespmem:s17+$0xFFFFFFF0] =	vst v1;
	v1 =	vmul.f32 v3, v7  }
0xe5: {  	v2 =	vor.u32 $0x100, v2;
	[tilespmem:s17+$0x0] =	vst v0;
	v0 =	vmul.f32 v3, v8  }
0xe6: {  	[tilespmem:s17+$0x10] =	vst v1;
	v1 =	vbroadcast v2, $0x0  }
0xe7: {  	[tilespmem:s17+$0x20] =	vst v0  }
0xe8: {  	[spmem:s3] =	stream.indirect.scatter.add.f32 [tilespmem:s13], [sflag:$0x3], $0x80, s2, s21, $0xb8;
	[tilespmem:$0x1C080] =	vst v63  }
0xe9: {  	_ =	swait.ge [sflag:s29], $0x3E80  }
0xea: {  	[sflag:s29] =	ssyncset.done $0x0  }
0xeb: {  	s14 =	simm.s32 $0x1;
	[sflag:s29] =	ssyncadd.s32 $0xFFFFC180  }
0xec: {  	s9 =	simm.s32 $0x4040;
	v0 =	vmov s14;
	v1 =	vld.idx.msk [tilespmem:v1+s25+$0x0], $0xffff  }
0xed: {  	v0 =	vand.u32 $0x7F, v0;
	v2 =	vld [tilespmem:s9+$0x30]  }
0xee: {  	v0 =	vor.u32 $0x100, v0;
	v6 =	vld [tilespmem:s9+$0xFFFFFFC0]  }
0xef: {  	v0 =	vbroadcast v0, $0x0;
	v7 =	vld [tilespmem:s9+$0xFFFFFFD0]  }
0xf0: {  	v9 =	vld [tilespmem:s9+$0xFFFFFFE0]  }
0xf1: {  	v5 =	vld [tilespmem:s9+$0xFFFFFFF0]  }
0xf2: {  	v3 =	vld [tilespmem:s9+$0x0];
	v8 =	vmul.f32 v1, v2  }
0xf3: {  	v4 =	vld [tilespmem:s9+$0x10];
	v10 =	vmul.f32 v1, v6  }
0xf4: {  	s17 =	simm.s32 $0x2;
	v2 =	vld [tilespmem:s9+$0x20];
	v6 =	vmul.f32 v1, v7;
	[tilespmem:s9+$0x30] =	vst v8  }
0xf5: {  	s7 =	simm.s32 $0x40C0;
	s13 =	simm.s32 $0x3;
	v0 =	vld.idx.msk [tilespmem:v0+s25+$0x0], $0xffff;
	v7 =	vmul.f32 v1, v9;
	v8 =	vmov s17;
	[tilespmem:s9+$0xFFFFFFC0] =	vst v10  }
.LBB2_9:
0xf6: {  	p1 =	sne.s32 s13, $0x7C;
	v8 =	vand.u32 $0x7F, v8;
	v9 =	vld [tilespmem:s7+$0x30];
	[tilespmem:s9+$0xFFFFFFD0] =	vst v6;
	v5 =	vmul.f32 v1, v5  }
0xf7: {  	v6 =	vor.u32 $0x100, v8;
	v8 =	vld [tilespmem:s7+$0xFFFFFFC0];
	[tilespmem:s9+$0xFFFFFFE0] =	vst v7;
	v3 =	vmul.f32 v1, v3  }
0xf8: {  	v7 =	vbroadcast v6, $0x0;
	v6 =	vld [tilespmem:s7+$0xFFFFFFD0];
	[tilespmem:s9+$0xFFFFFFF0] =	vst v5;
	v4 =	vmul.f32 v1, v4  }
0xf9: {  	v10 =	vld [tilespmem:s7+$0xFFFFFFE0];
	[tilespmem:s9+$0x0] =	vst v3;
	v2 =	vmul.f32 v1, v2  }
.Ltmp3:
0xfa: {  	v5 =	vld [tilespmem:s7+$0xFFFFFFF0];
	[tilespmem:s9+$0x10] =	vst v4;
	(pc) =	sbr.rel @p1 .LBB2_9-.Ltmp3, $4  }
0xfb: {  	v1 =	vmov v0;
	v3 =	vld [tilespmem:s7+$0x0];
	v9 =	vmul.f32 v0, v9;
	[tilespmem:s9+$0x20] =	vst v2;
	s9 =	smov.u32 s7  }
0xfc: {  	v11 =	vmul.f32 v1, v8;
	v4 =	vld [tilespmem:s7+$0x10]  }
0xfd: {  	v6 =	vmul.f32 v1, v6;
	v2 =	vld [tilespmem:s7+$0x20];
	[tilespmem:s7+$0x30] =	vst v9  }
0xfe: {  	v8 =	vmov s13;
	s13 =	sadd.s32 $0x1, s13;
	s7 =	sadd.s32 $0x80, s7;
	v0 =	vld.idx.msk [tilespmem:v7+s25+$0x0], $0xffff;
	[tilespmem:s9+$0xFFFFFFC0] =	vst v11;
	v7 =	vmul.f32 v1, v10  }
0xff: {  	v9 =	vld [tilespmem:s7+$0x30]  }
0x100: {  	v8 =	vand.u32 $0x7F, v8;
	v10 =	vld [tilespmem:s7+$0xFFFFFFC0]  }
0x101: {  	[tilespmem:s9+$0xFFFFFFD0] =	vst v6;
	v5 =	vmul.f32 v1, v5;
	v38 =	vld [tilespmem:s7+$0xFFFFFFD0];
	v8 =	vor.u32 $0x100, v8  }
0x102: {  	v39 =	vld [tilespmem:s7+$0xFFFFFFE0];
	[tilespmem:s9+$0xFFFFFFE0] =	vst v7;
	v3 =	vmul.f32 v1, v3;
	v37 =	vbroadcast v8, $0x0  }
0x103: {  	v40 =	vld [tilespmem:s7+$0xFFFFFFF0];
	[tilespmem:s9+$0xFFFFFFF0] =	vst v5;
	v4 =	vmul.f32 v1, v4  }
0x104: {  	v42 =	vld [tilespmem:s7+$0x0];
	[tilespmem:s9+$0x0] =	vst v3;
	v41 =	vmul.f32 v1, v2  }
0x105: {  	v44 =	vld [tilespmem:s7+$0x10];
	[tilespmem:s9+$0x10] =	vst v4;
	v43 =	vmul.f32 v0, v9  }
0x106: {  	v46 =	vld [tilespmem:s7+$0x20];
	s17 =	sadd.s32 $0x80, s7;
	[tilespmem:s9+$0x20] =	vst v41;
	v45 =	vmul.f32 v0, v10  }
0x107: {  	v49 =	vld [tilespmem:s17+$0x30];
	v8 =	vmul.f32 v0, v38;
	[tilespmem:s7+$0x30] =	vst v43  }
0x108: {  	v48 =	vmul.f32 v0, v39;
	[tilespmem:s7+$0xFFFFFFC0] =	vst v45;
	v47 =	vld.idx.msk [tilespmem:v37+s25+$0x0], $0xffff  }
0x109: {  	v50 =	vld [tilespmem:s17+$0xFFFFFFC0];
	v5 =	vmul.f32 v0, v40;
	[tilespmem:s7+$0xFFFFFFD0] =	vst v8  }
0x10a: {  	v52 =	vld [tilespmem:s17+$0xFFFFFFD0];
	v51 =	vmul.f32 v0, v42;
	[tilespmem:s7+$0xFFFFFFE0] =	vst v48  }
0x10b: {  	v53 =	vld [tilespmem:s17+$0xFFFFFFE0];
	v4 =	vmul.f32 v0, v44;
	[tilespmem:s7+$0xFFFFFFF0] =	vst v5  }
0x10c: {  	v55 =	vld [tilespmem:s17+$0xFFFFFFF0];
	v54 =	vmul.f32 v0, v46;
	[tilespmem:s7+$0x0] =	vst v51  }
0x10d: {  	v56 =	vld [tilespmem:s17+$0x0];
	[tilespmem:s7+$0x10] =	vst v4;
	v6 =	vmul.f32 v47, v49  }
0x10e: {  	v58 =	vld [tilespmem:s17+$0x10];
	[tilespmem:s7+$0x20] =	vst v54;
	v57 =	vmul.f32 v47, v50  }
0x10f: {  	v59 =	vld [tilespmem:s17+$0x20];
	v2 =	vmul.f32 v47, v52;
	[tilespmem:s17+$0x30] =	vst v6  }
0x110: {  	v60 =	vmul.f32 v47, v53;
	[tilespmem:s17+$0xFFFFFFC0] =	vst v57  }
0x111: {  	s5 =	sadd.s32 $0x1, s5;
	v1 =	vmul.f32 v47, v55;
	[tilespmem:s17+$0xFFFFFFD0] =	vst v2  }
0x112: {  	p1 =	sne.s32 s5, $0x14;
	v61 =	vmul.f32 v47, v56;
	[tilespmem:s17+$0xFFFFFFE0] =	vst v60  }
.Ltmp4:
0x113: {  	v62 =	vmul.f32 v47, v58;
	[tilespmem:s17+$0xFFFFFFF0] =	vst v1;
	(pc) =	sbr.rel @p1 .LBB2_2-.Ltmp4, $4  }
0x114: {  	v63 =	vmul.f32 v47, v59;
	[tilespmem:s17+$0x0] =	vst v61  }
0x115: {  	[tilespmem:s17+$0x10] =	vst v62  }
0x116: {  	[tilespmem:s17+$0x20] =	vst v63  }
0x117: {  	[spmem:s3] =	stream.indirect.scatter.add.f32 [tilespmem:s24], [sflag:$0x4], $0x80, s8, s21, $0xb8;
	[tilespmem:$0x1C080] =	vst v63  }
0x118: {  	_ =	swait.ge [sflag:s31], $0x3E80  }
0x119: {  	[sflag:s31] =	ssyncset.done $0x0  }
0x11a: {  	s5 =	simm.s32 $0x4;
	[sflag:s31] =	ssyncadd.s32 $0xFFFFC180  }
0x11b: {  	_ =	swait.ge [sflag:s5], $0x3E80  }
0x11c: {  	[sflag:s5] =	ssyncset.done $0x0  }
0x11d: {  	[sflag:s5] =	ssyncadd.s32 $0xFFFFC180  }
0x11e: {  	[bflag:$0x0] =	sbarrier.arrive $0xFFFF  }
0x11f: {  	s9 =	rddreg [dreg:$0x9]  }
0x120: {  	s7 =	simm.s32 @p0 $0x1FC9;
	s5 =	sadd.s32 @p0 $0x24900, s9  }
0x121: {  	[hbm:s5], [sflag:s7] =	dma.local @p0 [spmem:s18], $0x2800  }
0x122: {  	s5 =	simm.s32 @p0 $0x9  }
0x123: {  	_ =	swait.ge @p0 [sflag:s5], $0x2800  }
0x124: {  	[sflag:s5] =	ssyncset.done @p0 $0x0  }
0x125: {  	[sflag:s5] =	ssyncadd.s32 @p0 $0xFFFFD800;
	s5 =	rddreg [dreg:$0x4]  }
0x126: {  	s5 =	sadd.s32 @!p0 s5, s9;
	s9 =	rddreg [dreg:$0xb]  }
0x127: {  	[hbm:s5], [sflag:s9] =	dma.local @!p0 [spmem:s19], $0x2700  }
0x128: {  	s5 =	simm.s32 @!p0 $0x9  }
0x129: {  	_ =	swait.ge @!p0 [sflag:s5], $0x2700  }
0x12a: {  	s13 =	smov.u32 s18;
	s10 =	sadd.s32 $0x1, s10;
	s18 =	rddreg [dreg:$0xa]  }
0x12b: {  	p1 =	sne.s32 s10, s18  }
.Ltmp5:
0x12c: {  	_ = 	snop;
	(pc) =	sbr.rel @p1 .LBB2_1-.Ltmp5, $3  }
0x12d: {  	_ =	sdelay $0x1  }
0x12e: {  	[sflag:s5] =	ssyncset.done @!p0 $0x0  }
0x12f: {  	[sflag:s5] =	ssyncadd.s32 @!p0 $0xFFFFD900  }
0x130: {  	_ =	sfence.sel $0x180000  }
0x131: {  	[bflag:$0x0] =	sbarrier.arrive $0xFFFF  }
0x132: {  	_ =	strace $0x9000004D  }
0x133: {  	s0 =	stileid.u32;
	[bflag:$0x2] =	sbarrier.arrive $0xFFFF  }
0x134: {  	p0 =	sne.s32 s0, $0x0;
	s0 =	rddreg [dreg:$0x3]  }
0x135: {  	s0 =	sadd.s32 @!p0 $0x100000, s0  }
0x136: {  	[sflag:s0] =	ssyncadd.tile.s32 @!p0 $0x1;
	_ =	shalt  }
.Lfunc_end2:
_tile_overlayer_lowered:
.L_overlay_start_2:
0x137: {  	(tag) =	ssettag $0x2  }
0x138: {  	s0 =	rddreg [dreg:$0x0];
	s2 =	stileid.u32  }
0x139: {  	s1 =	rddreg [dreg:$0x1];
	p0 =	sne.s32 s2, $0x0  }
0x13a: {  	s3 =	rddreg [dreg:$0x2];
	[bflag:$0x3] =	sbarrier.arrive $0xFFFF;
	s2 =	simm.s32 @!p0 $0x1C09  }
0x13b: {  	[timem:s3], [sflag:s2] =	dma.local @!p0 [hbm:s0], s1  }
0x13c: {  	s0 =	simm.s32 @!p0 $0x9  }
0x13d: {  	_ =	swait.ge @!p0 [sflag:s0], s1  }
0x13e: {  	s1 =	ssub.s32 @!p0 $0x0, s1;
	[sflag:s0] =	ssyncset.done @!p0 $0x0  }
0x13f: {  	[sflag:s0] =	ssyncadd.s32 @!p0 s1  }
0x140: {  	[bflag:$0x3] =	sbarrier.arrive $0xFFFF  }
0x141: {  	_ =	shalt  }

// kernel: kernel.8.cloned.1.call-start
scs
__scs_entry_jumppad:
0x0: {  	(pc) =	sbr.rel $0x88, $3  }
0x1: {  	(tag) =	ssettag $0x0;
	lr =	simm.s32 $0x1  }
0x2: {  	[smem:$0x3F9A] =	sst lr;
	_ =	strace $0xD0000000  }
0x3: {  	_ = 	snop  }
0x4: {  	_ = 	snop  }
0x5: {  	_ = 	snop  }
0x6: {  	_ = 	snop  }
0x7: {  	_ = 	snop  }
__scs_overlays_trampoline_lowered:
0x8: {  	[smem:$0x3FA9] =	sst s0  }
0x9: {  	[smem:$0x3FAA] =	sst s1  }
0xa: {  	[smem:$0x3FAB] =	sst s2  }
0xb: {  	[smem:$0x3FAC] =	sst s3  }
0xc: {  	[smem:$0x3FAD] =	sst s4  }
0xd: {  	[smem:$0x3FAE] =	sst s5  }
0xe: {  	[smem:$0x3FAF] =	sst s6  }
0xf: {  	[smem:$0x3FB0] =	sst s7  }
0x10: {  	[smem:$0x3FB1] =	sst s8  }
0x11: {  	[smem:$0x3FB2] =	sst s9;
	s0 =	simm.s32 @!p0 $0x0  }
0x12: {  	s1 =	sld [smem:$0x3F98];
	s0 =	simm.s32 @p0 $0x1  }
0x13: {  	[smem:$0x3FB3] =	sst s0;
	s0 =	simm.s32 @!p1 $0x0  }
0x14: {  	s2 =	sld [smem:$0x3F97];
	s0 =	simm.s32 @p1 $0x1  }
0x15: {  	[smem:$0x3FB4] =	sst s0;
	s0 =	simm.s32 @!p2 $0x0  }
0x16: {  	s3 =	sld [smem:$0x3FDB];
	s0 =	simm.s32 @p2 $0x1  }
0x17: {  	s4 =	simm.s32 $0x1BF5;
	[smem:$0x3FB6] =	sst s0  }
0x18: {  	s0 =	sld [smem:$0x3F99];
	_ =	swait.ge [sflag:s4], $0x0  }
0x19: {  	s7 =	sld [smem:$0x3F9A]  }
0x1a: {  	s8 =	sadd.s32 $0xFFFFE003, lr  }
0x1b: {  	s9 =	sadd.s32 $0xFFFFFEF7, lr;
	s5 =	simm.s32 $0xFFFFFFFF;
	p2 =	slt.u32 s8, $0xFFFFF086  }
0x1c: {  	p1 =	slt.u32 s9, $0xF7A;
	s5 =	simm.s32 @!p2 $0x0  }
0x1d: {  	s5 =	simm.s32 @p1 $0x1;
	p0 =	seq.s32 s7, s2  }
0x1e: {  	s7 =	smul.u32 @!p0 $0xF7A, s2;
	p2 =	seq.s32 @!p0 s5, $0x0  }
0x1f: {  	s9 =	smul.u32 $0xF7A, s1;
	s8 =	simm.s32 @!p0 $0x1BF5;
	p2 =	por !p2, p0  }
0x20: {  	[sflag:s8] =	ssyncset.s32 @!p0 $0xFFFFF086;
	s6 =	sadd.s32 @!p0 s3, s7;
	s7 =	simm.s32 @!p0 $0x108  }
0x21: {  	s3 =	sadd.s32 s3, s9;
	s6 =	sadd.s32 @!p0 $0x88, s6;
	s7 =	simm.s32 @p2 $0x1082  }
0x22: {  	[simem:s7], [sflag:s8] =	dma.local @!p0 [hbm:s6], $0xF7A  }
0x23: {  	s9 =	sor.u32 $0xD0000000, s2;
	s6 =	simm.s32 $0x108;
	_ =	swait.ge @!p0 [sflag:s8], $0x0  }
0x24: {  	s3 =	sadd.s32 $0x88, s3;
	s6 =	simm.s32 @!p1 $0x1082;
	[sflag:s4] =	ssyncset.s32 $0xFFFFF086  }
0x25: {  	[simem:s6], [sflag:s4] =	dma.local [hbm:s3], $0xF7A  }
0x26: {  	[smem:$0x3F9A] =	sst s1;
	(tag) =	ssettag s2;
	_ =	strace s9  }
0x27: {  	s1 =	sld [smem:$0x3FAA]  }
0x28: {  	s2 =	sld [smem:$0x3FAB]  }
0x29: {  	s4 =	sld [smem:$0x3FAD]  }
0x2a: {  	p0 =	seq.s32 s5, $0x0;
	s5 =	sld [smem:$0x3FAE]  }
0x2b: {  	s6 =	sld [smem:$0x3FAF]  }
0x2c: {  	s7 =	sld [smem:$0x3FB0]  }
0x2d: {  	s3 =	simm.s32 $0x108;
	s8 =	sld [smem:$0x3FB1]  }
0x2e: {  	s3 =	simm.s32 @!p0 $0x1082;
	s9 =	sld [smem:$0x3FB2]  }
0x2f: {  	lr =	sadd.s32 s0, s3;
	s0 =	sld [smem:$0x3FA9]  }
0x30: {  	s3 =	sld [smem:$0x3FAC]  }
0x31: {  	[smem:$0x3FB5] =	sst s10  }
0x32: {  	s10 =	sld [smem:$0x3FB3];
	_ =	sdelay $0x3  }
0x33: {  	p0 =	seq.s32 s10, $0x1;
	s10 =	sld [smem:$0x3FB5];
	_ =	sdelay $0x3  }
0x34: {  	[smem:$0x3FB5] =	sst s10  }
0x35: {  	s10 =	sld [smem:$0x3FB4];
	_ =	sdelay $0x3  }
0x36: {  	p1 =	seq.s32 s10, $0x1;
	s10 =	sld [smem:$0x3FB5];
	_ =	sdelay $0x3  }
0x37: {  	[smem:$0x3FB5] =	sst s10  }
0x38: {  	s10 =	sld [smem:$0x3FB6]  }
0x39: {  	_ = 	snop;
	(pc) =	sbr.ind lr, $3  }
0x3a: {  	_ = 	snop  }
0x3b: {  	_ = 	snop  }
0x3c: {  	p2 =	seq.s32 s10, $0x1;
	s10 =	sld [smem:$0x3FB5]  }
0x3d: {  	_ =	shalt  }
0x3e: {  	_ =	shalt  }
0x3f: {  	_ =	shalt  }
0x40: {  	_ =	shalt  }
0x41: {  	_ =	shalt  }
0x42: {  	_ =	shalt  }
0x43: {  	_ =	shalt  }
0x44: {  	_ =	shalt  }
0x45: {  	_ =	shalt  }
0x46: {  	_ =	shalt  }
0x47: {  	_ =	shalt  }
0x48: {  	_ =	shalt  }
0x49: {  	_ =	shalt  }
0x4a: {  	_ =	shalt  }
0x4b: {  	_ =	shalt  }
0x4c: {  	_ =	shalt  }
0x4d: {  	_ =	shalt  }
0x4e: {  	_ =	shalt  }
0x4f: {  	_ =	shalt  }
0x50: {  	_ =	shalt  }
0x51: {  	_ =	shalt  }
0x52: {  	_ =	shalt  }
0x53: {  	_ =	shalt  }
0x54: {  	_ =	shalt  }
0x55: {  	_ =	shalt  }
0x56: {  	_ =	shalt  }
0x57: {  	_ =	shalt  }
0x58: {  	_ =	shalt  }
0x59: {  	_ =	shalt  }
0x5a: {  	_ =	shalt  }
0x5b: {  	_ =	shalt  }
0x5c: {  	_ =	shalt  }
0x5d: {  	_ =	shalt  }
0x5e: {  	_ =	shalt  }
0x5f: {  	_ =	shalt  }
0x60: {  	_ =	shalt  }
0x61: {  	_ =	shalt  }
0x62: {  	_ =	shalt  }
0x63: {  	_ =	shalt  }
0x64: {  	_ =	shalt  }
0x65: {  	_ =	shalt  }
0x66: {  	_ =	shalt  }
0x67: {  	_ =	shalt  }
0x68: {  	_ =	shalt  }
0x69: {  	_ =	shalt  }
0x6a: {  	_ =	shalt  }
0x6b: {  	_ =	shalt  }
0x6c: {  	_ =	shalt  }
0x6d: {  	_ =	shalt  }
0x6e: {  	_ =	shalt  }
0x6f: {  	_ =	shalt  }
0x70: {  	_ =	shalt  }
0x71: {  	_ =	shalt  }
0x72: {  	_ =	shalt  }
0x73: {  	_ =	shalt  }
0x74: {  	_ =	shalt  }
0x75: {  	_ =	shalt  }
0x76: {  	_ =	shalt  }
0x77: {  	_ =	shalt  }
0x78: {  	_ =	shalt  }
0x79: {  	_ =	shalt  }
0x7a: {  	_ =	shalt  }
0x7b: {  	_ =	shalt  }
0x7c: {  	_ =	shalt  }
0x7d: {  	_ =	shalt  }
0x7e: {  	_ =	shalt  }
0x7f: {  	_ =	shalt  }
0x80: {  	_ =	shalt  }
0x81: {  	_ =	shalt  }
0x82: {  	_ =	shalt  }
0x83: {  	_ =	shalt  }
0x84: {  	_ =	shalt  }
0x85: {  	_ =	shalt  }
0x86: {  	_ =	shalt  }
0x87: {  	_ =	shalt  }
.Lfunc_end0:
.L_simem_size_0:
called_computation_lowered:
.L_overlay_start_0:
0x88: {  	s2 =	sld [smem:$0x3FD9]  }
0x89: {  	s3 =	sld [smem:$0x3FFE];
	_ =	sdelay $0x1  }
0x8a: {  	s1 =	srdreg.scid  }
0x8b: {  	s0 =	sand.u32 $0x1, s1  }
0x8c: {  	s17 =	sshll.u32 s0, $0xA;
	s2 =	sadd.s32 s3, s2  }
0x8d: {  	s2 =	sadd.s32 s2, s17  }
0x8e: {  	[smem:$0x3FC1] =	sst s2  }
0x8f: {  	_ = 	snop  }
0x90: {  	s2 =	sld [smem:$0x3FC7]  }
0x91: {  	s18 =	sld [smem:$0x3FD0];
	(tm) =	ssettm $0x1  }
0x92: {  	s4 =	sld [smem:$0x3FFB];
	_ =	sdelay $0x3  }
0x93: {  	_ =	strace s4  }
0x94: {  	s4 =	sld [smem:$0x3FFC];
	_ =	sdelay $0x3  }
0x95: {  	_ =	strace s4  }
0x96: {  	s4 =	sld [smem:$0x3FFD];
	_ =	sdelay $0x3  }
0x97: {  	_ =	strace s4  }
0x98: {  	_ =	strace $0x8FFFFFFF  }
0x99: {  	s19 =	sld [smem:$0x3FDB];
	_ =	sdelay $0x1  }
0x9a: {  	s5 =	simm.s32 $_scs_section_size  }
0x9b: {  	s6 =	simm.s32 $_size__tile_overlayer_lowered;
	s7 =	simm.s32 $_tile_overlayer_lowered  }
0x9c: {  	s22 =	simm.s32 $0x1BFF;
	s21 =	sshll.u32 s7, $0x1;
	s4 =	sadd.s32 s5, s19  }
0x9d: {  	s8 =	simm.s32 $0x0;
	s20 =	sshll.u32 s6, $0x1;
	s6 =	sadd.s32 s21, s4  }
0x9e: {  	[timem:s8], [sflag:s22] =	dma.local [hbm:s6], s20  }
0x9f: {  	_ =	swait.ge [sflag:s22], s20  }
0xa0: {  	s5 =	ssub.s32 $0x0, s20;
	[sflag:s22] =	ssyncset.done $0x0  }
0xa1: {  	[sflag:s22] =	ssyncadd.s32 s5;
	_ =	sdelay $0x1  }
0xa2: {  	s23 =	simm.s32 $0x1B8B  }
0xa3: {  	_ =	swait.ge [sflag:s23], $0x1  }
0xa4: {  	[sflag:s23] =	ssyncset.done $0x0  }
0xa5: {  	s25 =	simm.s32 $0x1B8E;
	s24 =	sld [smem:$0x3FFE];
	[sflag:s23] =	ssyncadd.s32 $0xFFFFFFFF  }
0xa6: {  	s26 =	simm.s32 $execute0_lowered;
	[smem:$0x3FD2] =	sst s25  }
0xa7: {  	s6 =	sshll.u32 s26, $0x1;
	_ =	strace $0x80000046;
	[dreg:$0x1] =	wrdreg $0xFFFFFFFF  }
0xa8: {  	s28 =	simm.s32 $_size_execute0_lowered;
	s4 =	sadd.s32 s4, s6;
	[dreg:$0x0] =	wrdreg $0x0  }
0xa9: {  	s6 =	sshll.u32 s28, $0x1;
	[dreg:$0x2] =	wrdreg s4  }
0xaa: {  	[dreg:$0x3] =	wrdreg s6  }
0xab: {  	[dreg:$0x4] =	wrdreg $0xC0  }
0xac: {  	_ =	task [dreg:s8], $0x5FFFF  }
0xad: {  	[dreg:$0x1] =	wrdreg $0xFFFFFFFF  }
0xae: {  	[dreg:$0x0] =	wrdreg $0x60  }
0xaf: {  	[dreg:$0x2] =	wrdreg s18  }
0xb0: {  	[dreg:$0x3] =	wrdreg s2  }
0xb1: {  	[dreg:$0x4] =	wrdreg s24  }
0xb2: {  	[dreg:$0x5] =	wrdreg $0x9  }
0xb3: {  	_ =	task.clear_ibuf [dreg:s8], $0x6FFFF;
	_ =	strace $0x90000046  }
0xb4: {  	s29 =	simm.s32 $0x9;
	_ =	strace $0x80000048  }
0xb5: {  	_ =	swait.ge [sflag:s29], $0x1  }
0xb6: {  	[sflag:s29] =	ssyncadd.s32 $0xFFFFFFFF  }
0xb7: {  	_ =	strace $0x90000048  }
0xb8: {  	_ =	sfence  }
0xb9: {  	s30 =	sld [smem:$0x0];
	_ =	sdelay $0x2  }
0xba: {  	s31 =	sshll.u32 s1, $0xD;
	s1 =	sshrl.u32 s1, $0x2  }
0xbb: {  	s3 =	sand.u32 $0x4000, s31;
	s1 =	sadd.s32 s1, s30  }
0xbc: {  	s0 =	sor.u32 s3, s0;
	s1 =	sshll.u32 s1, $0x11  }
0xbd: {  	s0 =	sor.u32 s1, s0  }
0xbe: {  	s0 =	sadd.s32 $0x8F2B, s0  }
0xbf: {  	[sflag:s0] =	ssyncadd.remote.s32 $0x1  }
0xc0: {  	_ =	sfence.sel $0xFFFF  }
0xc1: {  	[dreg:$0x0] =	wrdreg $0xFFFFFFFF;
	(pc) =	sbr.abs _section_cstart, $3  }
0xc2: {  	[dreg:$0x1] =	wrdreg $0xFFFFFFFF  }
0xc3: {  	_ =	task.clear_ibuf [dreg:s8], $0x2FFFF;
	_ =	strace $0x9FFFFFFF  }
0xc4: {  	(tm) =	ssettm $0x7FFFFFFF  }
0xc5: {  	_ =	shalt  }
tec
execute0_lowered:
.L_overlay_start_1:
0x0: {  	(tag) =	ssettag $0x1  }
0x1: {  	s3 =	rddreg [dreg:$0x0];
	s1 =	srdreg.scid  }
0x2: {  	s0 =	stileid.u32;
	s4 =	rddreg [dreg:$0x1]  }
0x3: {  	s6 =	rddreg [dreg:$0x2];
	s5 =	sand.u32 $0x1, s1;
	s31 =	sshll.u32 s0, $0x1  }
0x4: {  	s2 =	simm.s32 $0x0;
	s9 =	simm.s32 $0x4F00;
	s7 =	sor.u32 s5, s31  }
0x5: {  	s1 =	rddreg [dreg:$0x3];
	s5 =	ssub.s32 $0x2, s5;
	s7 =	smul.u32 $0x4E2, s7  }
0x6: {  	s10 =	simm.s32 $0x0;
	[smem:$0x7FF] =	sst s2;
	s8 =	sshrl.u32 s5, $0x1  }
0x7: {  	_ =	strace $0x80000047;
	s8 =	ssub.s32 s5, s8;
	s6 =	sadd.s32 s7, s6  }
0x8: {  	s3 =	sadd.s32 s3, s7;
	s4 =	sadd.s32 s4, s7;
	s7 =	simm.s32 $0x1  }
0x9: {  	v0 =	vimm.f32 $0.0e+00;
	s5 =	sadd.s32 $0x2400, s6;
	s6 =	smax.u32 s8, $0x1;
	s8 =	simm.s32 $0x2780  }
.LBB2_1:
0xa: {  	[tilespmem:s2], [sflag:$0x1] =	stream.linear.gather [hbm4b:s3+s2], $0x2710, $0x38;
	[tilespmem:$0x7680] =	vst v63  }
0xb: {  	_ =	swait.ge [sflag:s7], $0x2710  }
0xc: {  	[sflag:s7] =	ssyncset.done $0x0  }
0xd: {  	[sflag:s7] =	ssyncadd.s32 $0xFFFFD8F0  }
0xe: {  	[tilespmem:s8], [sflag:$0x1] =	stream.linear.gather [hbm4b:s4+s2], $0x2710, $0x38;
	[tilespmem:$0x7680] =	vst v63  }
0xf: {  	_ =	swait.ge [sflag:s7], $0x2710  }
0x10: {  	[sflag:s7] =	ssyncset.done $0x0  }
0x11: {  	s11 =	simm.s32 $0x0;
	[sflag:s7] =	ssyncadd.s32 $0xFFFFD8F0  }
.LBB2_2:
0x12: {  	p0 =	sne.s32 s11, $0x9C00  }
.Ltmp0:
0x13: {  	_ = 	snop;
	(pc) =	sbr.rel @p0 .LBB2_2-.Ltmp0, $3  }
0x14: {  	_ =	sdelay $0x1  }
0x15: {  	s12 =	sshra.s32 s11, $0x2  }
0x16: {  	s11 =	sadd.s32 $0x40, s11;
	[tilespmem:s12+$0x4F00] =	vst v0  }
0x17: {  	s12 =	simm.s32 $0x0;
	s11 =	simm.s32 $0x40  }
.LBB2_4:
0x18: {  	p0 =	sne.s32 s11, $0x9C00;
	v1 =	vld [tilespmem:s12+$0x0];
	_ =	sdelay $0x2  }
0x19: {  	v2 =	vld [tilespmem:s12+$0x2780]  }
.Ltmp1:
0x1a: {  	(pc) =	sbr.rel @p0 .LBB2_4-.Ltmp1, $2  }
0x1b: {  	_ =	sdelay $0x2  }
0x1c: {  	s12 =	sshra.s32 s11, $0x2;
	s11 =	sadd.s32 $0x40, s11;
	[tilespmem:v1+s9+$0x0] =	vst.idx.add.f32.msk $0xffff, v2  }
0x1d: {  	v1 =	vld [tilespmem:s12+$0x0];
	_ =	sdelay $0x2  }
0x1e: {  	v2 =	vld [tilespmem:s12+$0x2780];
	_ =	sdelay $0x2  }
0x1f: {  	s10 =	sadd.s32 $0x1, s10  }
0x20: {  	p0 =	sne.s32 s10, s6  }
.Ltmp2:
0x21: {  	[tilespmem:v1+s9+$0x0] =	vst.idx.add.f32.msk $0xffff, v2;
	(pc) =	sbr.rel @p0 .LBB2_1-.Ltmp2, $4  }
0x22: {  	[hbm4b:s5+s2] =	stream.linear.scatter [tilespmem:s9], [sflag:$0x1], $0x2710, $0x38;
	[tilespmem:$0x7680] =	vst v63  }
0x23: {  	_ =	swait.ge [sflag:s7], $0x2710  }
0x24: {  	[sflag:s7] =	ssyncset.done $0x0  }
0x25: {  	[sflag:s7] =	ssyncadd.s32 $0xFFFFD8F0  }
0x26: {  	_ =	sfence.sel $0x180000  }
0x27: {  	[bflag:$0x0] =	sbarrier.arrive $0xFFFF  }
0x28: {  	p0 =	sne.s32 s0, $0x0;
	_ =	strace $0x90000047  }
0x29: {  	s0 =	sadd.s32 @!p0 $0x100000, s1;
	[bflag:$0x2] =	sbarrier.arrive $0xFFFF  }
0x2a: {  	[sflag:s0] =	ssyncadd.tile.s32 @!p0 $0x1;
	_ =	shalt  }
.Lfunc_end2:
_tile_overlayer_lowered:
.L_overlay_start_2:
0x2b: {  	(tag) =	ssettag $0x2  }
0x2c: {  	s0 =	rddreg [dreg:$0x0];
	s2 =	stileid.u32  }
0x2d: {  	s1 =	rddreg [dreg:$0x1];
	p0 =	sne.s32 s2, $0x0  }
0x2e: {  	s3 =	rddreg [dreg:$0x2];
	[bflag:$0x3] =	sbarrier.arrive $0xFFFF;
	s2 =	simm.s32 @!p0 $0x1C01  }
0x2f: {  	[timem:s3], [sflag:s2] =	dma.local @!p0 [hbm:s0], s1  }
0x30: {  	s0 =	simm.s32 @!p0 $0x1  }
0x31: {  	_ =	swait.ge @!p0 [sflag:s0], s1  }
0x32: {  	s1 =	ssub.s32 @!p0 $0x0, s1;
	[sflag:s0] =	ssyncset.done @!p0 $0x0  }
0x33: {  	[sflag:s0] =	ssyncadd.s32 @!p0 s1  }
0x34: {  	[bflag:$0x3] =	sbarrier.arrive $0xFFFF  }
0x35: {  	_ =	shalt  }

</sc_bundles>
